<compile_context>
chip_gen: v7x
topology: tpu7x:2x2x1
jax: 0.10.2.dev20260603
libtpu: 0.0.44.dev20260713+nightly
codegen_flags: <defaults>
</compile_context>

<pallas_src>
import functools

import jax
import jax.numpy as jnp
from jax import lax
from jax.experimental import pallas as pl
from jax.experimental.pallas import tpu as pltpu
from jax.experimental.pallas import tpu_sc as plsc

BATCH = 16384
HIST = 50
DIM = 32
B_TOTAL = BATCH * HIST
NUM_EMB = 1000000

NUM_WORKERS = 32
PER_W = B_TOTAL // NUM_WORKERS
CHUNK = 1600
N_CHUNKS = PER_W // CHUNK

_mesh = plsc.VectorSubcoreMesh(core_axis_name="c", subcore_axis_name="s")


@functools.partial(
    pl.kernel,
    mesh=_mesh,
    compiler_params=pltpu.CompilerParams(use_tc_tiling_on_sc=False),
    out_type=jax.ShapeDtypeStruct((B_TOTAL, DIM), jnp.float32),
    scratch_types=[
        pltpu.VMEM((2, CHUNK), jnp.int32),
        pltpu.VMEM((2, CHUNK, DIM), jnp.float32),
        pltpu.SemaphoreType.DMA,
        pltpu.SemaphoreType.DMA,
        pltpu.SemaphoreType.DMA,
        pltpu.SemaphoreType.DMA,
    ],
)
def _gather_kernel(table_hbm, ids_hbm, out_hbm, idx_v, rows_v, g0, g1, s0, s1):
    wid = lax.axis_index("s") * 2 + lax.axis_index("c")
    base = wid * PER_W
    sem_g = (g0, g1)
    sem_s = (s0, s1)

    gathers = [None] * N_CHUNKS
    stores = [None] * N_CHUNKS
    for i in range(N_CHUNKS):
        b = i % 2
        off = base + i * CHUNK
        if i >= 2:
            stores[i - 2].wait()
        pltpu.sync_copy(ids_hbm.at[pl.ds(off, CHUNK)], idx_v.at[b])
        gathers[i] = pltpu.async_copy(
            table_hbm.at[idx_v.at[b]], rows_v.at[b], sem_g[b]
        )
        if i >= 1:
            pb = (i - 1) % 2
            gathers[i - 1].wait()
            poff = base + (i - 1) * CHUNK
            stores[i - 1] = pltpu.async_copy(
                rows_v.at[pb], out_hbm.at[pl.ds(poff, CHUNK)], sem_s[pb]
            )
    last = N_CHUNKS - 1
    lb = last % 2
    gathers[last].wait()
    stores[last] = pltpu.async_copy(
        rows_v.at[lb], out_hbm.at[pl.ds(base + last * CHUNK, CHUNK)], sem_s[lb]
    )
    stores[last - 1].wait()
    stores[last].wait()


def kernel(token_ids, embeddings):
    flat = token_ids.T.reshape(B_TOTAL).astype(jnp.int32)
    emb_c = lax.optimization_barrier(embeddings.reshape(NUM_EMB * DIM))
    out = _gather_kernel(emb_c.reshape(NUM_EMB, DIM), flat)
    out_c = lax.optimization_barrier(out.reshape(HIST, BATCH * DIM // 128, 128))
    return out_c.reshape(HIST, BATCH, DIM).transpose(1, 0, 2)

# --- scband reference (transcript-rebuilt; emitter-appended) ---
"""Pipeline reference for scband-embedding-1365799600423 (READ-ONLY COPY).

The authoritative reference and input builder live on the scoring server;
editing this copy changes nothing except your own understanding.
"""

import jax, jax.numpy as jnp
import numpy as np

NUM_EMBEDDINGS = 1000000
EMBEDDING_DIM = 32
BATCH = 16384
HIST = 50


def setup_inputs(seed: int = 0) -> dict:
    key = jax.random.key(seed)
    k_idx, k_tab = jax.random.split(key)
    token_ids = jax.random.randint(k_idx, (BATCH, HIST), 0, NUM_EMBEDDINGS)
    # trunc_normal_(mean=0, std=1, a=-3, b=3)
    embeddings = jax.random.truncated_normal(
        k_tab, -3.0, 3.0, (NUM_EMBEDDINGS, EMBEDDING_DIM), dtype=jnp.float32
    )
    return {"token_ids": token_ids, "embeddings": embeddings}


def reference(token_ids, embeddings):
    # Faithful to: self.embeddings[token_ids]
    return jnp.take(embeddings, token_ids, axis=0)

if __name__ == "__main__":
    import jax
    _d = setup_inputs()
    print(jax.jit(kernel)(*tuple(_d.values())))

</pallas_src>

<mosaic_0001>
#map = affine_map<(d0, d1) -> (0, 0)>
#map1 = affine_map<(d0, d1) -> (0)>
module attributes {stable_mosaic.version = 14 : i64} {
  func.func @_gather_kernel(%arg0: i32, %arg1: i32, %arg2: memref<1000000x32xf32, #tpu.memory_space<hbm>>, %arg3: memref<819200xi32, #tpu.memory_space<hbm>>, %arg4: memref<819200x32xf32, #tpu.memory_space<hbm>>, %arg5: memref<2x1600xi32, #tpu.memory_space<vmem>>, %arg6: memref<2x1600x32xf32, #tpu.memory_space<vmem>>, %arg7: memref<!tpu.dma_semaphore, #tpu.memory_space<semaphore_mem>>, %arg8: memref<!tpu.dma_semaphore, #tpu.memory_space<semaphore_mem>>, %arg9: memref<!tpu.dma_semaphore, #tpu.memory_space<semaphore_mem>>, %arg10: memref<!tpu.dma_semaphore, #tpu.memory_space<semaphore_mem>>) attributes {dimension_semantics = [#tpu.dimension_semantics<core_parallel>, #tpu.dimension_semantics<subcore_parallel>], iteration_bounds = array<i64: 2, 16>, scalar_prefetch = 0 : i64, scratch_operands = 6 : i64, tpu.core_type = #tpu.core_type<sc_vector_subcore>, window_params = [{transform_indices = #map}, {transform_indices = #map1}, {transform_indices = #map}]} {
    %mul3A = arith.constant 2 : i32
    %mul3A_0 = arith.muli %arg1, %mul3A : i32
    %add3A = arith.addi %mul3A_0, %arg0 : i32
    %mul3A_1 = arith.constant 25600 : i32
    %mul3A_2 = arith.muli %add3A, %mul3A_1 : i32
    %add3A_3 = arith.constant 0 : i32
    %add3A_4 = arith.addi %mul3A_2, %add3A_3 : i32
    %run_scoped3A = arith.constant 0 : i32
    "tpu.region"() ({
      %run_scoped3A_880 = tpu.sem_alloc : memref<!tpu.dma_semaphore, #tpu.memory_space<semaphore_mem>>
      %dma_start3A_881 = arith.constant 0 : i32
      %dma_start3A_882 = tpu.memref_slice %arg5[%run_scoped3A, %dma_start3A_881] : memref<2x1600xi32, #tpu.memory_space<vmem>> -> memref<1x1600xi32, #tpu.memory_space<vmem>>
      %dma_start3A_883 = tpu.memref_squeeze %dma_start3A_882 : memref<1x1600xi32, #tpu.memory_space<vmem>> -> memref<1600xi32, #tpu.memory_space<vmem>>
      %dma_start3A_884 = tpu.memref_slice %arg3[%add3A_4] : memref<819200xi32, #tpu.memory_space<hbm>> -> memref<1600xi32, #tpu.memory_space<hbm>>
      %dma_start3A_885 = arith.constant 0 : i32
      %dma_start3A_886 = tpu.memref_slice %arg5[%run_scoped3A, %dma_start3A_885] : memref<2x1600xi32, #tpu.memory_space<vmem>> -> memref<1x1600xi32, #tpu.memory_space<vmem>>
      %dma_start3A_887 = tpu.memref_squeeze %dma_start3A_886 : memref<1x1600xi32, #tpu.memory_space<vmem>> -> memref<1600xi32, #tpu.memory_space<vmem>>
      %dma_start3A_888 = tpu.memref_slice %arg3[%add3A_4] : memref<819200xi32, #tpu.memory_space<hbm>> -> memref<1600xi32, #tpu.memory_space<hbm>>
      tpu.enqueue_dma source(%dma_start3A_888 : memref<1600xi32, #tpu.memory_space<hbm>>) target(%dma_start3A_887 : memref<1600xi32, #tpu.memory_space<vmem>>) target_semaphore(%run_scoped3A_880 : memref<!tpu.dma_semaphore, #tpu.memory_space<semaphore_mem>>)
      %dma_wait3A_889 = arith.constant 0 : i32
      %dma_wait3A_890 = tpu.memref_slice %arg5[%run_scoped3A, %dma_wait3A_889] : memref<2x1600xi32, #tpu.memory_space<vmem>> -> memref<1x1600xi32, #tpu.memory_space<vmem>>
      %dma_wait3A_891 = tpu.memref_squeeze %dma_wait3A_890 : memref<1x1600xi32, #tpu.memory_space<vmem>> -> memref<1600xi32, #tpu.memory_space<vmem>>
      %dma_wait3A_892 = tpu.memref_slice %arg3[%add3A_4] : memref<819200xi32, #tpu.memory_space<hbm>> -> memref<1600xi32, #tpu.memory_space<hbm>>
      %dma_wait3A_893 = arith.constant 0 : i32
      %dma_wait3A_894 = tpu.memref_slice %arg5[%run_scoped3A, %dma_wait3A_893] : memref<2x1600xi32, #tpu.memory_space<vmem>> -> memref<1x1600xi32, #tpu.memory_space<vmem>>
      %dma_wait3A_895 = tpu.memref_squeeze %dma_wait3A_894 : memref<1x1600xi32, #tpu.memory_space<vmem>> -> memref<1600xi32, #tpu.memory_space<vmem>>
      %dma_wait3A_896 = tpu.memref_slice %arg3[%add3A_4] : memref<819200xi32, #tpu.memory_space<hbm>> -> memref<1600xi32, #tpu.memory_space<hbm>>
      tpu.wait_dma2 semaphore(%run_scoped3A_880 : memref<!tpu.dma_semaphore, #tpu.memory_space<semaphore_mem>>) src(%dma_wait3A_896 : memref<1600xi32, #tpu.memory_space<hbm>>) dst(%dma_wait3A_895 : memref<1600xi32, #tpu.memory_space<vmem>>)
      tpu.yield
    }) : () -> ()
    %dma_start3A = arith.constant 0 : i32
    %dma_start3A_5 = arith.constant 0 : i32
    %dma_start3A_6 = arith.constant 0 : i32
    %dma_start3A_7 = arith.constant 0 : i32
    %dma_start3A_8 = tpu.memref_slice %arg6[%dma_start3A_5, %dma_start3A_6, %dma_start3A_7] : memref<2x1600x32xf32, #tpu.memory_space<vmem>> -> memref<1x1600x32xf32, #tpu.memory_space<vmem>>
    %dma_start3A_9 = tpu.memref_squeeze %dma_start3A_8 : memref<1x1600x32xf32, #tpu.memory_space<vmem>> -> memref<1600x32xf32, #tpu.memory_space<vmem>>
    %dma_start3A_10 = arith.constant 0 : i32
    %dma_start3A_11 = tpu.memref_slice %arg5[%dma_start3A, %dma_start3A_10] : memref<2x1600xi32, #tpu.memory_space<vmem>> -> memref<1x1600xi32, #tpu.memory_space<vmem>>
    %dma_start3A_12 = tpu.memref_squeeze %dma_start3A_11 : memref<1x1600xi32, #tpu.memory_space<vmem>> -> memref<1600xi32, #tpu.memory_space<vmem>>
    %dma_start3A_13 = arith.constant 0 : i32
    %dma_start3A_14 = arith.constant 0 : i32
    %dma_start3A_15 = tpu.memref_slice %arg2[%dma_start3A_13, %dma_start3A_14] : memref<1000000x32xf32, #tpu.memory_space<hbm>> -> memref<1000000x32xf32, #tpu.memory_space<hbm>>
    tpu.enqueue_indirect_dma source(%dma_start3A_15 : memref<1000000x32xf32, #tpu.memory_space<hbm>>) target(%dma_start3A_9 : memref<1600x32xf32, #tpu.memory_space<vmem>>) offsets(%dma_start3A_12 : memref<1600xi32, #tpu.memory_space<vmem>>) semaphore(%arg7 : memref<!tpu.dma_semaphore, #tpu.memory_space<semaphore_mem>>)
    %add3A_16 = arith.constant 1600 : i32
    %add3A_17 = arith.addi %mul3A_2, %add3A_16 : i32
    %run_scoped3A_18 = arith.constant 1 : i32
    "tpu.region"() ({
      %run_scoped3A_880 = tpu.sem_alloc : memref<!tpu.dma_semaphore, #tpu.memory_space<semaphore_mem>>
      %dma_start3A_881 = arith.constant 0 : i32
      %dma_start3A_882 = tpu.memref_slice %arg5[%run_scoped3A_18, %dma_start3A_881] : memref<2x1600xi32, #tpu.memory_space<vmem>> -> memref<1x1600xi32, #tpu.memory_space<vmem>>
      %dma_start3A_883 = tpu.memref_squeeze %dma_start3A_882 : memref<1x1600xi32, #tpu.memory_space<vmem>> -> memref<1600xi32, #tpu.memory_space<vmem>>
      %dma_start3A_884 = tpu.memref_slice %arg3[%add3A_17] : memref<819200xi32, #tpu.memory_space<hbm>> -> memref<1600xi32, #tpu.memory_space<hbm>>
      %dma_start3A_885 = arith.constant 0 : i32
      %dma_start3A_886 = tpu.memref_slice %arg5[%run_scoped3A_18, %dma_start3A_885] : memref<2x1600xi32, #tpu.memory_space<vmem>> -> memref<1x1600xi32, #tpu.memory_space<vmem>>
      %dma_start3A_887 = tpu.memref_squeeze %dma_start3A_886 : memref<1x1600xi32, #tpu.memory_space<vmem>> -> memref<1600xi32, #tpu.memory_space<vmem>>
      %dma_start3A_888 = tpu.memref_slice %arg3[%add3A_17] : memref<819200xi32, #tpu.memory_space<hbm>> -> memref<1600xi32, #tpu.memory_space<hbm>>
      tpu.enqueue_dma source(%dma_start3A_888 : memref<1600xi32, #tpu.memory_space<hbm>>) target(%dma_start3A_887 : memref<1600xi32, #tpu.memory_space<vmem>>) target_semaphore(%run_scoped3A_880 : memref<!tpu.dma_semaphore, #tpu.memory_space<semaphore_mem>>)
      %dma_wait3A_889 = arith.constant 0 : i32
      %dma_wait3A_890 = tpu.memref_slice %arg5[%run_scoped3A_18, %dma_wait3A_889] : memref<2x1600xi32, #tpu.memory_space<vmem>> -> memref<1x1600xi32, #tpu.memory_space<vmem>>
      %dma_wait3A_891 = tpu.memref_squeeze %dma_wait3A_890 : memref<1x1600xi32, #tpu.memory_space<vmem>> -> memref<1600xi32, #tpu.memory_space<vmem>>
      %dma_wait3A_892 = tpu.memref_slice %arg3[%add3A_17] : memref<819200xi32, #tpu.memory_space<hbm>> -> memref<1600xi32, #tpu.memory_space<hbm>>
      %dma_wait3A_893 = arith.constant 0 : i32
      %dma_wait3A_894 = tpu.memref_slice %arg5[%run_scoped3A_18, %dma_wait3A_893] : memref<2x1600xi32, #tpu.memory_space<vmem>> -> memref<1x1600xi32, #tpu.memory_space<vmem>>
      %dma_wait3A_895 = tpu.memref_squeeze %dma_wait3A_894 : memref<1x1600xi32, #tpu.memory_space<vmem>> -> memref<1600xi32, #tpu.memory_space<vmem>>
      %dma_wait3A_896 = tpu.memref_slice %arg3[%add3A_17] : memref<819200xi32, #tpu.memory_space<hbm>> -> memref<1600xi32, #tpu.memory_space<hbm>>
      tpu.wait_dma2 semaphore(%run_scoped3A_880 : memref<!tpu.dma_semaphore, #tpu.memory_space<semaphore_mem>>) src(%dma_wait3A_896 : memref<1600xi32, #tpu.memory_space<hbm>>) dst(%dma_wait3A_895 : memref<1600xi32, #tpu.memory_space<vmem>>)
      tpu.yield
    }) : () -> ()
    %dma_start3A_19 = arith.constant 1 : i32
    %dma_start3A_20 = arith.constant 1 : i32
    %dma_start3A_21 = arith.constant 0 : i32
    %dma_start3A_22 = arith.constant 0 : i32
    %dma_start3A_23 = tpu.memref_slice %arg6[%dma_start3A_20, %dma_start3A_21, %dma_start3A_22] : memref<2x1600x32xf32, #tpu.memory_space<vmem>> -> memref<1x1600x32xf32, #tpu.memory_space<vmem>>
    %dma_start3A_24 = tpu.memref_squeeze %dma_start3A_23 : memref<1x1600x32xf32, #tpu.memory_space<vmem>> -> memref<1600x32xf32, #tpu.memory_space<vmem>>
    %dma_start3A_25 = arith.constant 0 : i32
    %dma_start3A_26 = tpu.memref_slice %arg5[%dma_start3A_19, %dma_start3A_25] : memref<2x1600xi32, #tpu.memory_space<vmem>> -> memref<1x1600xi32, #tpu.memory_space<vmem>>
    %dma_start3A_27 = tpu.memref_squeeze %dma_start3A_26 : memref<1x1600xi32, #tpu.memory_space<vmem>> -> memref<1600xi32, #tpu.memory_space<vmem>>
    %dma_start3A_28 = arith.constant 0 : i32
    %dma_start3A_29 = arith.constant 0 : i32
    %dma_start3A_30 = tpu.memref_slice %arg2[%dma_start3A_28, %dma_start3A_29] : memref<1000000x32xf32, #tpu.memory_space<hbm>> -> memref<1000000x32xf32, #tpu.memory_space<hbm>>
    tpu.enqueue_indirect_dma source(%dma_start3A_30 : memref<1000000x32xf32, #tpu.memory_space<hbm>>) target(%dma_start3A_24 : memref<1600x32xf32, #tpu.memory_space<vmem>>) offsets(%dma_start3A_27 : memref<1600xi32, #tpu.memory_space<vmem>>) semaphore(%arg8 : memref<!tpu.dma_semaphore, #tpu.memory_space<semaphore_mem>>)
    %dma_wait3A = arith.constant 0 : i32
    %dma_wait3A_31 = arith.constant 0 : i32
    %dma_wait3A_32 = arith.constant 0 : i32
    %dma_wait3A_33 = arith.constant 0 : i32
    %dma_wait3A_34 = tpu.memref_slice %arg6[%dma_wait3A_31, %dma_wait3A_32, %dma_wait3A_33] : memref<2x1600x32xf32, #tpu.memory_space<vmem>> -> memref<1x1600x32xf32, #tpu.memory_space<vmem>>
    %dma_wait3A_35 = tpu.memref_squeeze %dma_wait3A_34 : memref<1x1600x32xf32, #tpu.memory_space<vmem>> -> memref<1600x32xf32, #tpu.memory_space<vmem>>
    %dma_wait3A_36 = arith.constant 0 : i32
    %dma_wait3A_37 = tpu.memref_slice %arg5[%dma_wait3A, %dma_wait3A_36] : memref<2x1600xi32, #tpu.memory_space<vmem>> -> memref<1x1600xi32, #tpu.memory_space<vmem>>
    %dma_wait3A_38 = tpu.memref_squeeze %dma_wait3A_37 : memref<1x1600xi32, #tpu.memory_space<vmem>> -> memref<1600xi32, #tpu.memory_space<vmem>>
    %dma_wait3A_39 = arith.constant 0 : i32
    %dma_wait3A_40 = arith.constant 0 : i32
    %dma_wait3A_41 = tpu.memref_slice %arg2[%dma_wait3A_39, %dma_wait3A_40] : memref<1000000x32xf32, #tpu.memory_space<hbm>> -> memref<1000000x32xf32, #tpu.memory_space<hbm>>
    tpu.wait_indirect_dma semaphore(%arg7 : memref<!tpu.dma_semaphore, #tpu.memory_space<semaphore_mem>>) src(%dma_wait3A_41 : memref<1000000x32xf32, #tpu.memory_space<hbm>>) dst(%dma_wait3A_35 : memref<1600x32xf32, #tpu.memory_space<vmem>>)
    %add3A_42 = arith.constant 0 : i32
    %add3A_43 = arith.addi %mul3A_2, %add3A_42 : i32
    %dma_start3A_44 = arith.constant 0 : i32
    %dma_start3A_45 = arith.constant 0 : i32
    %dma_start3A_46 = arith.constant 0 : i32
    %dma_start3A_47 = tpu.memref_slice %arg6[%dma_start3A_44, %dma_start3A_45, %dma_start3A_46] : memref<2x1600x32xf32, #tpu.memory_space<vmem>> -> memref<1x1600x32xf32, #tpu.memory_space<vmem>>
    %dma_start3A_48 = tpu.memref_squeeze %dma_start3A_47 : memref<1x1600x32xf32, #tpu.memory_space<vmem>> -> memref<1600x32xf32, #tpu.memory_space<vmem>>
    %dma_start3A_49 = arith.constant 0 : i32
    %dma_start3A_50 = tpu.memref_slice %arg4[%add3A_43, %dma_start3A_49] : memref<819200x32xf32, #tpu.memory_space<hbm>> -> memref<1600x32xf32, #tpu.memory_space<hbm>>
    %dma_start3A_51 = arith.constant 0 : i32
    %dma_start3A_52 = tpu.memref_slice %arg4[%add3A_43, %dma_start3A_51] : memref<819200x32xf32, #tpu.memory_space<hbm>> -> memref<1600x32xf32, #tpu.memory_space<hbm>>
    %dma_start3A_53 = arith.constant 0 : i32
    %dma_start3A_54 = arith.constant 0 : i32
    %dma_start3A_55 = tpu.memref_slice %arg6[%dma_start3A_44, %dma_start3A_53, %dma_start3A_54] : memref<2x1600x32xf32, #tpu.memory_space<vmem>> -> memref<1x1600x32xf32, #tpu.memory_space<vmem>>
    %dma_start3A_56 = tpu.memref_squeeze %dma_start3A_55 : memref<1x1600x32xf32, #tpu.memory_space<vmem>> -> memref<1600x32xf32, #tpu.memory_space<vmem>>
    tpu.enqueue_dma source(%dma_start3A_56 : memref<1600x32xf32, #tpu.memory_space<vmem>>) target(%dma_start3A_52 : memref<1600x32xf32, #tpu.memory_space<hbm>>) target_semaphore(%arg9 : memref<!tpu.dma_semaphore, #tpu.memory_space<semaphore_mem>>)
    %add3A_57 = arith.constant 3200 : i32
    %add3A_58 = arith.addi %mul3A_2, %add3A_57 : i32
    %dma_wait3A_59 = arith.constant 0 : i32
    %dma_wait3A_60 = arith.constant 0 : i32
    %dma_wait3A_61 = arith.constant 0 : i32
    %dma_wait3A_62 = tpu.memref_slice %arg6[%dma_wait3A_59, %dma_wait3A_60, %dma_wait3A_61] : memref<2x1600x32xf32, #tpu.memory_space<vmem>> -> memref<1x1600x32xf32, #tpu.memory_space<vmem>>
    %dma_wait3A_63 = tpu.memref_squeeze %dma_wait3A_62 : memref<1x1600x32xf32, #tpu.memory_space<vmem>> -> memref<1600x32xf32, #tpu.memory_space<vmem>>
    %dma_wait3A_64 = arith.constant 0 : i32
    %dma_wait3A_65 = tpu.memref_slice %arg4[%add3A_43, %dma_wait3A_64] : memref<819200x32xf32, #tpu.memory_space<hbm>> -> memref<1600x32xf32, #tpu.memory_space<hbm>>
    %dma_wait3A_66 = arith.constant 0 : i32
    %dma_wait3A_67 = tpu.memref_slice %arg4[%add3A_43, %dma_wait3A_66] : memref<819200x32xf32, #tpu.memory_space<hbm>> -> memref<1600x32xf32, #tpu.memory_space<hbm>>
    %dma_wait3A_68 = arith.constant 0 : i32
    %dma_wait3A_69 = arith.constant 0 : i32
    %dma_wait3A_70 = tpu.memref_slice %arg6[%dma_wait3A_59, %dma_wait3A_68, %dma_wait3A_69] : memref<2x1600x32xf32, #tpu.memory_space<vmem>> -> memref<1x1600x32xf32, #tpu.memory_space<vmem>>
    %dma_wait3A_71 = tpu.memref_squeeze %dma_wait3A_70 : memref<1x1600x32xf32, #tpu.memory_space<vmem>> -> memref<1600x32xf32, #tpu.memory_space<vmem>>
    tpu.wait_dma2 semaphore(%arg9 : memref<!tpu.dma_semaphore, #tpu.memory_space<semaphore_mem>>) src(%dma_wait3A_71 : memref<1600x32xf32, #tpu.memory_space<vmem>>) dst(%dma_wait3A_67 : memref<1600x32xf32, #tpu.memory_space<hbm>>)
    %run_scoped3A_72 = arith.constant 0 : i32
    "tpu.region"() ({
      %run_scoped3A_880 = tpu.sem_alloc : memref<!tpu.dma_semaphore, #tpu.memory_space<semaphore_mem>>
      %dma_start3A_881 = arith.constant 0 : i32
      %dma_start3A_882 = tpu.memref_slice %arg5[%run_scoped3A_72, %dma_start3A_881] : memref<2x1600xi32, #tpu.memory_space<vmem>> -> memref<1x1600xi32, #tpu.memory_space<vmem>>
      %dma_start3A_883 = tpu.memref_squeeze %dma_start3A_882 : memref<1x1600xi32, #tpu.memory_space<vmem>> -> memref<1600xi32, #tpu.memory_space<vmem>>
      %dma_start3A_884 = tpu.memref_slice %arg3[%add3A_58] : memref<819200xi32, #tpu.memory_space<hbm>> -> memref<1600xi32, #tpu.memory_space<hbm>>
      %dma_start3A_885 = arith.constant 0 : i32
      %dma_start3A_886 = tpu.memref_slice %arg5[%run_scoped3A_72, %dma_start3A_885] : memref<2x1600xi32, #tpu.memory_space<vmem>> -> memref<1x1600xi32, #tpu.memory_space<vmem>>
      %dma_start3A_887 = tpu.memref_squeeze %dma_start3A_886 : memref<1x1600xi32, #tpu.memory_space<vmem>> -> memref<1600xi32, #tpu.memory_space<vmem>>
      %dma_start3A_888 = tpu.memref_slice %arg3[%add3A_58] : memref<819200xi32, #tpu.memory_space<hbm>> -> memref<1600xi32, #tpu.memory_space<hbm>>
      tpu.enqueue_dma source(%dma_start3A_888 : memref<1600xi32, #tpu.memory_space<hbm>>) target(%dma_start3A_887 : memref<1600xi32, #tpu.memory_space<vmem>>) target_semaphore(%run_scoped3A_880 : memref<!tpu.dma_semaphore, #tpu.memory_space<semaphore_mem>>)
      %dma_wait3A_889 = arith.constant 0 : i32
      %dma_wait3A_890 = tpu.memref_slice %arg5[%run_scoped3A_72, %dma_wait3A_889] : memref<2x1600xi32, #tpu.memory_space<vmem>> -> memref<1x1600xi32, #tpu.memory_space<vmem>>
      %dma_wait3A_891 = tpu.memref_squeeze %dma_wait3A_890 : memref<1x1600xi32, #tpu.memory_space<vmem>> -> memref<1600xi32, #tpu.memory_space<vmem>>
      %dma_wait3A_892 = tpu.memref_slice %arg3[%add3A_58] : memref<819200xi32, #tpu.memory_space<hbm>> -> memref<1600xi32, #tpu.memory_space<hbm>>
      %dma_wait3A_893 = arith.constant 0 : i32
      %dma_wait3A_894 = tpu.memref_slice %arg5[%run_scoped3A_72, %dma_wait3A_893] : memref<2x1600xi32, #tpu.memory_space<vmem>> -> memref<1x1600xi32, #tpu.memory_space<vmem>>
      %dma_wait3A_895 = tpu.memref_squeeze %dma_wait3A_894 : memref<1x1600xi32, #tpu.memory_space<vmem>> -> memref<1600xi32, #tpu.memory_space<vmem>>
      %dma_wait3A_896 = tpu.memref_slice %arg3[%add3A_58] : memref<819200xi32, #tpu.memory_space<hbm>> -> memref<1600xi32, #tpu.memory_space<hbm>>
      tpu.wait_dma2 semaphore(%run_scoped3A_880 : memref<!tpu.dma_semaphore, #tpu.memory_space<semaphore_mem>>) src(%dma_wait3A_896 : memref<1600xi32, #tpu.memory_space<hbm>>) dst(%dma_wait3A_895 : memref<1600xi32, #tpu.memory_space<vmem>>)
      tpu.yield
    }) : () -> ()
    %dma_start3A_73 = arith.constant 0 : i32
    %dma_start3A_74 = arith.constant 0 : i32
    %dma_start3A_75 = arith.constant 0 : i32
    %dma_start3A_76 = arith.constant 0 : i32
    %dma_start3A_77 = tpu.memref_slice %arg6[%dma_start3A_74, %dma_start3A_75, %dma_start3A_76] : memref<2x1600x32xf32, #tpu.memory_space<vmem>> -> memref<1x1600x32xf32, #tpu.memory_space<vmem>>
    %dma_start3A_78 = tpu.memref_squeeze %dma_start3A_77 : memref<1x1600x32xf32, #tpu.memory_space<vmem>> -> memref<1600x32xf32, #tpu.memory_space<vmem>>
    %dma_start3A_79 = arith.constant 0 : i32
    %dma_start3A_80 = tpu.memref_slice %arg5[%dma_start3A_73, %dma_start3A_79] : memref<2x1600xi32, #tpu.memory_space<vmem>> -> memref<1x1600xi32, #tpu.memory_space<vmem>>
    %dma_start3A_81 = tpu.memref_squeeze %dma_start3A_80 : memref<1x1600xi32, #tpu.memory_space<vmem>> -> memref<1600xi32, #tpu.memory_space<vmem>>
    %dma_start3A_82 = arith.constant 0 : i32
    %dma_start3A_83 = arith.constant 0 : i32
    %dma_start3A_84 = tpu.memref_slice %arg2[%dma_start3A_82, %dma_start3A_83] : memref<1000000x32xf32, #tpu.memory_space<hbm>> -> memref<1000000x32xf32, #tpu.memory_space<hbm>>
    tpu.enqueue_indirect_dma source(%dma_start3A_84 : memref<1000000x32xf32, #tpu.memory_space<hbm>>) target(%dma_start3A_78 : memref<1600x32xf32, #tpu.memory_space<vmem>>) offsets(%dma_start3A_81 : memref<1600xi32, #tpu.memory_space<vmem>>) semaphore(%arg7 : memref<!tpu.dma_semaphore, #tpu.memory_space<semaphore_mem>>)
    %dma_wait3A_85 = arith.constant 1 : i32
    %dma_wait3A_86 = arith.constant 1 : i32
    %dma_wait3A_87 = arith.constant 0 : i32
    %dma_wait3A_88 = arith.constant 0 : i32
    %dma_wait3A_89 = tpu.memref_slice %arg6[%dma_wait3A_86, %dma_wait3A_87, %dma_wait3A_88] : memref<2x1600x32xf32, #tpu.memory_space<vmem>> -> memref<1x1600x32xf32, #tpu.memory_space<vmem>>
    %dma_wait3A_90 = tpu.memref_squeeze %dma_wait3A_89 : memref<1x1600x32xf32, #tpu.memory_space<vmem>> -> memref<1600x32xf32, #tpu.memory_space<vmem>>
    %dma_wait3A_91 = arith.constant 0 : i32
    %dma_wait3A_92 = tpu.memref_slice %arg5[%dma_wait3A_85, %dma_wait3A_91] : memref<2x1600xi32, #tpu.memory_space<vmem>> -> memref<1x1600xi32, #tpu.memory_space<vmem>>
    %dma_wait3A_93 = tpu.memref_squeeze %dma_wait3A_92 : memref<1x1600xi32, #tpu.memory_space<vmem>> -> memref<1600xi32, #tpu.memory_space<vmem>>
    %dma_wait3A_94 = arith.constant 0 : i32
    %dma_wait3A_95 = arith.constant 0 : i32
    %dma_wait3A_96 = tpu.memref_slice %arg2[%dma_wait3A_94, %dma_wait3A_95] : memref<1000000x32xf32, #tpu.memory_space<hbm>> -> memref<1000000x32xf32, #tpu.memory_space<hbm>>
    tpu.wait_indirect_dma semaphore(%arg8 : memref<!tpu.dma_semaphore, #tpu.memory_space<semaphore_mem>>) src(%dma_wait3A_96 : memref<1000000x32xf32, #tpu.memory_space<hbm>>) dst(%dma_wait3A_90 : memref<1600x32xf32, #tpu.memory_space<vmem>>)
    %add3A_97 = arith.constant 1600 : i32
    %add3A_98 = arith.addi %mul3A_2, %add3A_97 : i32
    %dma_start3A_99 = arith.constant 1 : i32
    %dma_start3A_100 = arith.constant 0 : i32
    %dma_start3A_101 = arith.constant 0 : i32
    %dma_start3A_102 = tpu.memref_slice %arg6[%dma_start3A_99, %dma_start3A_100, %dma_start3A_101] : memref<2x1600x32xf32, #tpu.memory_space<vmem>> -> memref<1x1600x32xf32, #tpu.memory_space<vmem>>
    %dma_start3A_103 = tpu.memref_squeeze %dma_start3A_102 : memref<1x1600x32xf32, #tpu.memory_space<vmem>> -> memref<1600x32xf32, #tpu.memory_space<vmem>>
    %dma_start3A_104 = arith.constant 0 : i32
    %dma_start3A_105 = tpu.memref_slice %arg4[%add3A_98, %dma_start3A_104] : memref<819200x32xf32, #tpu.memory_space<hbm>> -> memref<1600x32xf32, #tpu.memory_space<hbm>>
    %dma_start3A_106 = arith.constant 0 : i32
    %dma_start3A_107 = tpu.memref_slice %arg4[%add3A_98, %dma_start3A_106] : memref<819200x32xf32, #tpu.memory_space<hbm>> -> memref<1600x32xf32, #tpu.memory_space<hbm>>
    %dma_start3A_108 = arith.constant 0 : i32
    %dma_start3A_109 = arith.constant 0 : i32
    %dma_start3A_110 = tpu.memref_slice %arg6[%dma_start3A_99, %dma_start3A_108, %dma_start3A_109] : memref<2x1600x32xf32, #tpu.memory_space<vmem>> -> memref<1x1600x32xf32, #tpu.memory_space<vmem>>
    %dma_start3A_111 = tpu.memref_squeeze %dma_start3A_110 : memref<1x1600x32xf32, #tpu.memory_space<vmem>> -> memref<1600x32xf32, #tpu.memory_space<vmem>>
    tpu.enqueue_dma source(%dma_start3A_111 : memref<1600x32xf32, #tpu.memory_space<vmem>>) target(%dma_start3A_107 : memref<1600x32xf32, #tpu.memory_space<hbm>>) target_semaphore(%arg10 : memref<!tpu.dma_semaphore, #tpu.memory_space<semaphore_mem>>)
    %add3A_112 = arith.constant 4800 : i32
    %add3A_113 = arith.addi %mul3A_2, %add3A_112 : i32
    %dma_wait3A_114 = arith.constant 1 : i32
    %dma_wait3A_115 = arith.constant 0 : i32
    %dma_wait3A_116 = arith.constant 0 : i32
    %dma_wait3A_117 = tpu.memref_slice %arg6[%dma_wait3A_114, %dma_wait3A_115, %dma_wait3A_116] : memref<2x1600x32xf32, #tpu.memory_space<vmem>> -> memref<1x1600x32xf32, #tpu.memory_space<vmem>>
    %dma_wait3A_118 = tpu.memref_squeeze %dma_wait3A_117 : memref<1x1600x32xf32, #tpu.memory_space<vmem>> -> memref<1600x32xf32, #tpu.memory_space<vmem>>
    %dma_wait3A_119 = arith.constant 0 : i32
    %dma_wait3A_120 = tpu.memref_slice %arg4[%add3A_98, %dma_wait3A_119] : memref<819200x32xf32, #tpu.memory_space<hbm>> -> memref<1600x32xf32, #tpu.memory_space<hbm>>
    %dma_wait3A_121 = arith.constant 0 : i32
    %dma_wait3A_122 = tpu.memref_slice %arg4[%add3A_98, %dma_wait3A_121] : memref<819200x32xf32, #tpu.memory_space<hbm>> -> memref<1600x32xf32, #tpu.memory_space<hbm>>
    %dma_wait3A_123 = arith.constant 0 : i32
    %dma_wait3A_124 = arith.constant 0 : i32
    %dma_wait3A_125 = tpu.memref_slice %arg6[%dma_wait3A_114, %dma_wait3A_123, %dma_wait3A_124] : memref<2x1600x32xf32, #tpu.memory_space<vmem>> -> memref<1x1600x32xf32, #tpu.memory_space<vmem>>
    %dma_wait3A_126 = tpu.memref_squeeze %dma_wait3A_125 : memref<1x1600x32xf32, #tpu.memory_space<vmem>> -> memref<1600x32xf32, #tpu.memory_space<vmem>>
    tpu.wait_dma2 semaphore(%arg10 : memref<!tpu.dma_semaphore, #tpu.memory_space<semaphore_mem>>) src(%dma_wait3A_126 : memref<1600x32xf32, #tpu.memory_space<vmem>>) dst(%dma_wait3A_122 : memref<1600x32xf32, #tpu.memory_space<hbm>>)
    %run_scoped3A_127 = arith.constant 1 : i32
    "tpu.region"() ({
      %run_scoped3A_880 = tpu.sem_alloc : memref<!tpu.dma_semaphore, #tpu.memory_space<semaphore_mem>>
      %dma_start3A_881 = arith.constant 0 : i32
      %dma_start3A_882 = tpu.memref_slice %arg5[%run_scoped3A_127, %dma_start3A_881] : memref<2x1600xi32, #tpu.memory_space<vmem>> -> memref<1x1600xi32, #tpu.memory_space<vmem>>
      %dma_start3A_883 = tpu.memref_squeeze %dma_start3A_882 : memref<1x1600xi32, #tpu.memory_space<vmem>> -> memref<1600xi32, #tpu.memory_space<vmem>>
      %dma_start3A_884 = tpu.memref_slice %arg3[%add3A_113] : memref<819200xi32, #tpu.memory_space<hbm>> -> memref<1600xi32, #tpu.memory_space<hbm>>
      %dma_start3A_885 = arith.constant 0 : i32
      %dma_start3A_886 = tpu.memref_slice %arg5[%run_scoped3A_127, %dma_start3A_885] : memref<2x1600xi32, #tpu.memory_space<vmem>> -> memref<1x1600xi32, #tpu.memory_space<vmem>>
      %dma_start3A_887 = tpu.memref_squeeze %dma_start3A_886 : memref<1x1600xi32, #tpu.memory_space<vmem>> -> memref<1600xi32, #tpu.memory_space<vmem>>
      %dma_start3A_888 = tpu.memref_slice %arg3[%add3A_113] : memref<819200xi32, #tpu.memory_space<hbm>> -> memref<1600xi32, #tpu.memory_space<hbm>>
      tpu.enqueue_dma source(%dma_start3A_888 : memref<1600xi32, #tpu.memory_space<hbm>>) target(%dma_start3A_887 : memref<1600xi32, #tpu.memory_space<vmem>>) target_semaphore(%run_scoped3A_880 : memref<!tpu.dma_semaphore, #tpu.memory_space<semaphore_mem>>)
      %dma_wait3A_889 = arith.constant 0 : i32
      %dma_wait3A_890 = tpu.memref_slice %arg5[%run_scoped3A_127, %dma_wait3A_889] : memref<2x1600xi32, #tpu.memory_space<vmem>> -> memref<1x1600xi32, #tpu.memory_space<vmem>>
      %dma_wait3A_891 = tpu.memref_squeeze %dma_wait3A_890 : memref<1x1600xi32, #tpu.memory_space<vmem>> -> memref<1600xi32, #tpu.memory_space<vmem>>
      %dma_wait3A_892 = tpu.memref_slice %arg3[%add3A_113] : memref<819200xi32, #tpu.memory_space<hbm>> -> memref<1600xi32, #tpu.memory_space<hbm>>
      %dma_wait3A_893 = arith.constant 0 : i32
      %dma_wait3A_894 = tpu.memref_slice %arg5[%run_scoped3A_127, %dma_wait3A_893] : memref<2x1600xi32, #tpu.memory_space<vmem>> -> memref<1x1600xi32, #tpu.memory_space<vmem>>
      %dma_wait3A_895 = tpu.memref_squeeze %dma_wait3A_894 : memref<1x1600xi32, #tpu.memory_space<vmem>> -> memref<1600xi32, #tpu.memory_space<vmem>>
      %dma_wait3A_896 = tpu.memref_slice %arg3[%add3A_113] : memref<819200xi32, #tpu.memory_space<hbm>> -> memref<1600xi32, #tpu.memory_space<hbm>>
      tpu.wait_dma2 semaphore(%run_scoped3A_880 : memref<!tpu.dma_semaphore, #tpu.memory_space<semaphore_mem>>) src(%dma_wait3A_896 : memref<1600xi32, #tpu.memory_space<hbm>>) dst(%dma_wait3A_895 : memref<1600xi32, #tpu.memory_space<vmem>>)
      tpu.yield
    }) : () -> ()
    %dma_start3A_128 = arith.constant 1 : i32
    %dma_start3A_129 = arith.constant 1 : i32
    %dma_start3A_130 = arith.constant 0 : i32
    %dma_start3A_131 = arith.constant 0 : i32
    %dma_start3A_132 = tpu.memref_slice %arg6[%dma_start3A_129, %dma_start3A_130, %dma_start3A_131] : memref<2x1600x32xf32, #tpu.memory_space<vmem>> -> memref<1x1600x32xf32, #tpu.memory_space<vmem>>
    %dma_start3A_133 = tpu.memref_squeeze %dma_start3A_132 : memref<1x1600x32xf32, #tpu.memory_space<vmem>> -> memref<1600x32xf32, #tpu.memory_space<vmem>>
    %dma_start3A_134 = arith.constant 0 : i32
    %dma_start3A_135 = tpu.memref_slice %arg5[%dma_start3A_128, %dma_start3A_134] : memref<2x1600xi32, #tpu.memory_space<vmem>> -> memref<1x1600xi32, #tpu.memory_space<vmem>>
    %dma_start3A_136 = tpu.memref_squeeze %dma_start3A_135 : memref<1x1600xi32, #tpu.memory_space<vmem>> -> memref<1600xi32, #tpu.memory_space<vmem>>
    %dma_start3A_137 = arith.constant 0 : i32
    %dma_start3A_138 = arith.constant 0 : i32
    %dma_start3A_139 = tpu.memref_slice %arg2[%dma_start3A_137, %dma_start3A_138] : memref<1000000x32xf32, #tpu.memory_space<hbm>> -> memref<1000000x32xf32, #tpu.memory_space<hbm>>
    tpu.enqueue_indirect_dma source(%dma_start3A_139 : memref<1000000x32xf32, #tpu.memory_space<hbm>>) target(%dma_start3A_133 : memref<1600x32xf32, #tpu.memory_space<vmem>>) offsets(%dma_start3A_136 : memref<1600xi32, #tpu.memory_space<vmem>>) semaphore(%arg8 : memref<!tpu.dma_semaphore, #tpu.memory_space<semaphore_mem>>)
    %dma_wait3A_140 = arith.constant 0 : i32
    %dma_wait3A_141 = arith.constant 0 : i32
    %dma_wait3A_142 = arith.constant 0 : i32
    %dma_wait3A_143 = arith.constant 0 : i32
    %dma_wait3A_144 = tpu.memref_slice %arg6[%dma_wait3A_141, %dma_wait3A_142, %dma_wait3A_143] : memref<2x1600x32xf32, #tpu.memory_space<vmem>> -> memref<1x1600x32xf32, #tpu.memory_space<vmem>>
    %dma_wait3A_145 = tpu.memref_squeeze %dma_wait3A_144 : memref<1x1600x32xf32, #tpu.memory_space<vmem>> -> memref<1600x32xf32, #tpu.memory_space<vmem>>
    %dma_wait3A_146 = arith.constant 0 : i32
    %dma_wait3A_147 = tpu.memref_slice %arg5[%dma_wait3A_140, %dma_wait3A_146] : memref<2x1600xi32, #tpu.memory_space<vmem>> -> memref<1x1600xi32, #tpu.memory_space<vmem>>
    %dma_wait3A_148 = tpu.memref_squeeze %dma_wait3A_147 : memref<1x1600xi32, #tpu.memory_space<vmem>> -> memref<1600xi32, #tpu.memory_space<vmem>>
    %dma_wait3A_149 = arith.constant 0 : i32
    %dma_wait3A_150 = arith.constant 0 : i32
    %dma_wait3A_151 = tpu.memref_slice %arg2[%dma_wait3A_149, %dma_wait3A_150] : memref<1000000x32xf32, #tpu.memory_space<hbm>> -> memref<1000000x32xf32, #tpu.memory_space<hbm>>
    tpu.wait_indirect_dma semaphore(%arg7 : memref<!tpu.dma_semaphore, #tpu.memory_space<semaphore_mem>>) src(%dma_wait3A_151 : memref<1000000x32xf32, #tpu.memory_space<hbm>>) dst(%dma_wait3A_145 : memref<1600x32xf32, #tpu.memory_space<vmem>>)
    %add3A_152 = arith.constant 3200 : i32
    %add3A_153 = arith.addi %mul3A_2, %add3A_152 : i32
    %dma_start3A_154 = arith.constant 0 : i32
    %dma_start3A_155 = arith.constant 0 : i32
    %dma_start3A_156 = arith.constant 0 : i32
    %dma_start3A_157 = tpu.memref_slice %arg6[%dma_start3A_154, %dma_start3A_155, %dma_start3A_156] : memref<2x1600x32xf32, #tpu.memory_space<vmem>> -> memref<1x1600x32xf32, #tpu.memory_space<vmem>>
    %dma_start3A_158 = tpu.memref_squeeze %dma_start3A_157 : memref<1x1600x32xf32, #tpu.memory_space<vmem>> -> memref<1600x32xf32, #tpu.memory_space<vmem>>
    %dma_start3A_159 = arith.constant 0 : i32
    %dma_start3A_160 = tpu.memref_slice %arg4[%add3A_153, %dma_start3A_159] : memref<819200x32xf32, #tpu.memory_space<hbm>> -> memref<1600x32xf32, #tpu.memory_space<hbm>>
    %dma_start3A_161 = arith.constant 0 : i32
    %dma_start3A_162 = tpu.memref_slice %arg4[%add3A_153, %dma_start3A_161] : memref<819200x32xf32, #tpu.memory_space<hbm>> -> memref<1600x32xf32, #tpu.memory_space<hbm>>
    %dma_start3A_163 = arith.constant 0 : i32
    %dma_start3A_164 = arith.constant 0 : i32
    %dma_start3A_165 = tpu.memref_slice %arg6[%dma_start3A_154, %dma_start3A_163, %dma_start3A_164] : memref<2x1600x32xf32, #tpu.memory_space<vmem>> -> memref<1x1600x32xf32, #tpu.memory_space<vmem>>
    %dma_start3A_166 = tpu.memref_squeeze %dma_start3A_165 : memref<1x1600x32xf32, #tpu.memory_space<vmem>> -> memref<1600x32xf32, #tpu.memory_space<vmem>>
    tpu.enqueue_dma source(%dma_start3A_166 : memref<1600x32xf32, #tpu.memory_space<vmem>>) target(%dma_start3A_162 : memref<1600x32xf32, #tpu.memory_space<hbm>>) target_semaphore(%arg9 : memref<!tpu.dma_semaphore, #tpu.memory_space<semaphore_mem>>)
    %add3A_167 = arith.constant 6400 : i32
    %add3A_168 = arith.addi %mul3A_2, %add3A_167 : i32
    %dma_wait3A_169 = arith.constant 0 : i32
    %dma_wait3A_170 = arith.constant 0 : i32
    %dma_wait3A_171 = arith.constant 0 : i32
    %dma_wait3A_172 = tpu.memref_slice %arg6[%dma_wait3A_169, %dma_wait3A_170, %dma_wait3A_171] : memref<2x1600x32xf32, #tpu.memory_space<vmem>> -> memref<1x1600x32xf32, #tpu.memory_space<vmem>>
    %dma_wait3A_173 = tpu.memref_squeeze %dma_wait3A_172 : memref<1x1600x32xf32, #tpu.memory_space<vmem>> -> memref<1600x32xf32, #tpu.memory_space<vmem>>
    %dma_wait3A_174 = arith.constant 0 : i32
    %dma_wait3A_175 = tpu.memref_slice %arg4[%add3A_153, %dma_wait3A_174] : memref<819200x32xf32, #tpu.memory_space<hbm>> -> memref<1600x32xf32, #tpu.memory_space<hbm>>
    %dma_wait3A_176 = arith.constant 0 : i32
    %dma_wait3A_177 = tpu.memref_slice %arg4[%add3A_153, %dma_wait3A_176] : memref<819200x32xf32, #tpu.memory_space<hbm>> -> memref<1600x32xf32, #tpu.memory_space<hbm>>
    %dma_wait3A_178 = arith.constant 0 : i32
    %dma_wait3A_179 = arith.constant 0 : i32
    %dma_wait3A_180 = tpu.memref_slice %arg6[%dma_wait3A_169, %dma_wait3A_178, %dma_wait3A_179] : memref<2x1600x32xf32, #tpu.memory_space<vmem>> -> memref<1x1600x32xf32, #tpu.memory_space<vmem>>
    %dma_wait3A_181 = tpu.memref_squeeze %dma_wait3A_180 : memref<1x1600x32xf32, #tpu.memory_space<vmem>> -> memref<1600x32xf32, #tpu.memory_space<vmem>>
    tpu.wait_dma2 semaphore(%arg9 : memref<!tpu.dma_semaphore, #tpu.memory_space<semaphore_mem>>) src(%dma_wait3A_181 : memref<1600x32xf32, #tpu.memory_space<vmem>>) dst(%dma_wait3A_177 : memref<1600x32xf32, #tpu.memory_space<hbm>>)
    %run_scoped3A_182 = arith.constant 0 : i32
    "tpu.region"() ({
      %run_scoped3A_880 = tpu.sem_alloc : memref<!tpu.dma_semaphore, #tpu.memory_space<semaphore_mem>>
      %dma_start3A_881 = arith.constant 0 : i32
      %dma_start3A_882 = tpu.memref_slice %arg5[%run_scoped3A_182, %dma_start3A_881] : memref<2x1600xi32, #tpu.memory_space<vmem>> -> memref<1x1600xi32, #tpu.memory_space<vmem>>
      %dma_start3A_883 = tpu.memref_squeeze %dma_start3A_882 : memref<1x1600xi32, #tpu.memory_space<vmem>> -> memref<1600xi32, #tpu.memory_space<vmem>>
      %dma_start3A_884 = tpu.memref_slice %arg3[%add3A_168] : memref<819200xi32, #tpu.memory_space<hbm>> -> memref<1600xi32, #tpu.memory_space<hbm>>
      %dma_start3A_885 = arith.constant 0 : i32
      %dma_start3A_886 = tpu.memref_slice %arg5[%run_scoped3A_182, %dma_start3A_885] : memref<2x1600xi32, #tpu.memory_space<vmem>> -> memref<1x1600xi32, #tpu.memory_space<vmem>>
      %dma_start3A_887 = tpu.memref_squeeze %dma_start3A_886 : memref<1x1600xi32, #tpu.memory_space<vmem>> -> memref<1600xi32, #tpu.memory_space<vmem>>
      %dma_start3A_888 = tpu.memref_slice %arg3[%add3A_168] : memref<819200xi32, #tpu.memory_space<hbm>> -> memref<1600xi32, #tpu.memory_space<hbm>>
      tpu.enqueue_dma source(%dma_start3A_888 : memref<1600xi32, #tpu.memory_space<hbm>>) target(%dma_start3A_887 : memref<1600xi32, #tpu.memory_space<vmem>>) target_semaphore(%run_scoped3A_880 : memref<!tpu.dma_semaphore, #tpu.memory_space<semaphore_mem>>)
      %dma_wait3A_889 = arith.constant 0 : i32
      %dma_wait3A_890 = tpu.memref_slice %arg5[%run_scoped3A_182, %dma_wait3A_889] : memref<2x1600xi32, #tpu.memory_space<vmem>> -> memref<1x1600xi32, #tpu.memory_space<vmem>>
      %dma_wait3A_891 = tpu.memref_squeeze %dma_wait3A_890 : memref<1x1600xi32, #tpu.memory_space<vmem>> -> memref<1600xi32, #tpu.memory_space<vmem>>
      %dma_wait3A_892 = tpu.memref_slice %arg3[%add3A_168] : memref<819200xi32, #tpu.memory_space<hbm>> -> memref<1600xi32, #tpu.memory_space<hbm>>
      %dma_wait3A_893 = arith.constant 0 : i32
      %dma_wait3A_894 = tpu.memref_slice %arg5[%run_scoped3A_182, %dma_wait3A_893] : memref<2x1600xi32, #tpu.memory_space<vmem>> -> memref<1x1600xi32, #tpu.memory_space<vmem>>
      %dma_wait3A_895 = tpu.memref_squeeze %dma_wait3A_894 : memref<1x1600xi32, #tpu.memory_space<vmem>> -> memref<1600xi32, #tpu.memory_space<vmem>>
      %dma_wait3A_896 = tpu.memref_slice %arg3[%add3A_168] : memref<819200xi32, #tpu.memory_space<hbm>> -> memref<1600xi32, #tpu.memory_space<hbm>>
      tpu.wait_dma2 semaphore(%run_scoped3A_880 : memref<!tpu.dma_semaphore, #tpu.memory_space<semaphore_mem>>) src(%dma_wait3A_896 : memref<1600xi32, #tpu.memory_space<hbm>>) dst(%dma_wait3A_895 : memref<1600xi32, #tpu.memory_space<vmem>>)
      tpu.yield
    }) : () -> ()
    %dma_start3A_183 = arith.constant 0 : i32
    %dma_start3A_184 = arith.constant 0 : i32
    %dma_start3A_185 = arith.constant 0 : i32
    %dma_start3A_186 = arith.constant 0 : i32
    %dma_start3A_187 = tpu.memref_slice %arg6[%dma_start3A_184, %dma_start3A_185, %dma_start3A_186] : memref<2x1600x32xf32, #tpu.memory_space<vmem>> -> memref<1x1600x32xf32, #tpu.memory_space<vmem>>
    %dma_start3A_188 = tpu.memref_squeeze %dma_start3A_187 : memref<1x1600x32xf32, #tpu.memory_space<vmem>> -> memref<1600x32xf32, #tpu.memory_space<vmem>>
    %dma_start3A_189 = arith.constant 0 : i32
    %dma_start3A_190 = tpu.memref_slice %arg5[%dma_start3A_183, %dma_start3A_189] : memref<2x1600xi32, #tpu.memory_space<vmem>> -> memref<1x1600xi32, #tpu.memory_space<vmem>>
    %dma_start3A_191 = tpu.memref_squeeze %dma_start3A_190 : memref<1x1600xi32, #tpu.memory_space<vmem>> -> memref<1600xi32, #tpu.memory_space<vmem>>
    %dma_start3A_192 = arith.constant 0 : i32
    %dma_start3A_193 = arith.constant 0 : i32
    %dma_start3A_194 = tpu.memref_slice %arg2[%dma_start3A_192, %dma_start3A_193] : memref<1000000x32xf32, #tpu.memory_space<hbm>> -> memref<1000000x32xf32, #tpu.memory_space<hbm>>
    tpu.enqueue_indirect_dma source(%dma_start3A_194 : memref<1000000x32xf32, #tpu.memory_space<hbm>>) target(%dma_start3A_188 : memref<1600x32xf32, #tpu.memory_space<vmem>>) offsets(%dma_start3A_191 : memref<1600xi32, #tpu.memory_space<vmem>>) semaphore(%arg7 : memref<!tpu.dma_semaphore, #tpu.memory_space<semaphore_mem>>)
    %dma_wait3A_195 = arith.constant 1 : i32
    %dma_wait3A_196 = arith.constant 1 : i32
    %dma_wait3A_197 = arith.constant 0 : i32
    %dma_wait3A_198 = arith.constant 0 : i32
    %dma_wait3A_199 = tpu.memref_slice %arg6[%dma_wait3A_196, %dma_wait3A_197, %dma_wait3A_198] : memref<2x1600x32xf32, #tpu.memory_space<vmem>> -> memref<1x1600x32xf32, #tpu.memory_space<vmem>>
    %dma_wait3A_200 = tpu.memref_squeeze %dma_wait3A_199 : memref<1x1600x32xf32, #tpu.memory_space<vmem>> -> memref<1600x32xf32, #tpu.memory_space<vmem>>
    %dma_wait3A_201 = arith.constant 0 : i32
    %dma_wait3A_202 = tpu.memref_slice %arg5[%dma_wait3A_195, %dma_wait3A_201] : memref<2x1600xi32, #tpu.memory_space<vmem>> -> memref<1x1600xi32, #tpu.memory_space<vmem>>
    %dma_wait3A_203 = tpu.memref_squeeze %dma_wait3A_202 : memref<1x1600xi32, #tpu.memory_space<vmem>> -> memref<1600xi32, #tpu.memory_space<vmem>>
    %dma_wait3A_204 = arith.constant 0 : i32
    %dma_wait3A_205 = arith.constant 0 : i32
    %dma_wait3A_206 = tpu.memref_slice %arg2[%dma_wait3A_204, %dma_wait3A_205] : memref<1000000x32xf32, #tpu.memory_space<hbm>> -> memref<1000000x32xf32, #tpu.memory_space<hbm>>
    tpu.wait_indirect_dma semaphore(%arg8 : memref<!tpu.dma_semaphore, #tpu.memory_space<semaphore_mem>>) src(%dma_wait3A_206 : memref<1000000x32xf32, #tpu.memory_space<hbm>>) dst(%dma_wait3A_200 : memref<1600x32xf32, #tpu.memory_space<vmem>>)
    %add3A_207 = arith.constant 4800 : i32
    %add3A_208 = arith.addi %mul3A_2, %add3A_207 : i32
    %dma_start3A_209 = arith.constant 1 : i32
    %dma_start3A_210 = arith.constant 0 : i32
    %dma_start3A_211 = arith.constant 0 : i32
    %dma_start3A_212 = tpu.memref_slice %arg6[%dma_start3A_209, %dma_start3A_210, %dma_start3A_211] : memref<2x1600x32xf32, #tpu.memory_space<vmem>> -> memref<1x1600x32xf32, #tpu.memory_space<vmem>>
    %dma_start3A_213 = tpu.memref_squeeze %dma_start3A_212 : memref<1x1600x32xf32, #tpu.memory_space<vmem>> -> memref<1600x32xf32, #tpu.memory_space<vmem>>
    %dma_start3A_214 = arith.constant 0 : i32
    %dma_start3A_215 = tpu.memref_slice %arg4[%add3A_208, %dma_start3A_214] : memref<819200x32xf32, #tpu.memory_space<hbm>> -> memref<1600x32xf32, #tpu.memory_space<hbm>>
    %dma_start3A_216 = arith.constant 0 : i32
    %dma_start3A_217 = tpu.memref_slice %arg4[%add3A_208, %dma_start3A_216] : memref<819200x32xf32, #tpu.memory_space<hbm>> -> memref<1600x32xf32, #tpu.memory_space<hbm>>
    %dma_start3A_218 = arith.constant 0 : i32
    %dma_start3A_219 = arith.constant 0 : i32
    %dma_start3A_220 = tpu.memref_slice %arg6[%dma_start3A_209, %dma_start3A_218, %dma_start3A_219] : memref<2x1600x32xf32, #tpu.memory_space<vmem>> -> memref<1x1600x32xf32, #tpu.memory_space<vmem>>
    %dma_start3A_221 = tpu.memref_squeeze %dma_start3A_220 : memref<1x1600x32xf32, #tpu.memory_space<vmem>> -> memref<1600x32xf32, #tpu.memory_space<vmem>>
    tpu.enqueue_dma source(%dma_start3A_221 : memref<1600x32xf32, #tpu.memory_space<vmem>>) target(%dma_start3A_217 : memref<1600x32xf32, #tpu.memory_space<hbm>>) target_semaphore(%arg10 : memref<!tpu.dma_semaphore, #tpu.memory_space<semaphore_mem>>)
    %add3A_222 = arith.constant 8000 : i32
    %add3A_223 = arith.addi %mul3A_2, %add3A_222 : i32
    %dma_wait3A_224 = arith.constant 1 : i32
    %dma_wait3A_225 = arith.constant 0 : i32
    %dma_wait3A_226 = arith.constant 0 : i32
    %dma_wait3A_227 = tpu.memref_slice %arg6[%dma_wait3A_224, %dma_wait3A_225, %dma_wait3A_226] : memref<2x1600x32xf32, #tpu.memory_space<vmem>> -> memref<1x1600x32xf32, #tpu.memory_space<vmem>>
    %dma_wait3A_228 = tpu.memref_squeeze %dma_wait3A_227 : memref<1x1600x32xf32, #tpu.memory_space<vmem>> -> memref<1600x32xf32, #tpu.memory_space<vmem>>
    %dma_wait3A_229 = arith.constant 0 : i32
    %dma_wait3A_230 = tpu.memref_slice %arg4[%add3A_208, %dma_wait3A_229] : memref<819200x32xf32, #tpu.memory_space<hbm>> -> memref<1600x32xf32, #tpu.memory_space<hbm>>
    %dma_wait3A_231 = arith.constant 0 : i32
    %dma_wait3A_232 = tpu.memref_slice %arg4[%add3A_208, %dma_wait3A_231] : memref<819200x32xf32, #tpu.memory_space<hbm>> -> memref<1600x32xf32, #tpu.memory_space<hbm>>
    %dma_wait3A_233 = arith.constant 0 : i32
    %dma_wait3A_234 = arith.constant 0 : i32
    %dma_wait3A_235 = tpu.memref_slice %arg6[%dma_wait3A_224, %dma_wait3A_233, %dma_wait3A_234] : memref<2x1600x32xf32, #tpu.memory_space<vmem>> -> memref<1x1600x32xf32, #tpu.memory_space<vmem>>
    %dma_wait3A_236 = tpu.memref_squeeze %dma_wait3A_235 : memref<1x1600x32xf32, #tpu.memory_space<vmem>> -> memref<1600x32xf32, #tpu.memory_space<vmem>>
    tpu.wait_dma2 semaphore(%arg10 : memref<!tpu.dma_semaphore, #tpu.memory_space<semaphore_mem>>) src(%dma_wait3A_236 : memref<1600x32xf32, #tpu.memory_space<vmem>>) dst(%dma_wait3A_232 : memref<1600x32xf32, #tpu.memory_space<hbm>>)
    %run_scoped3A_237 = arith.constant 1 : i32
    "tpu.region"() ({
      %run_scoped3A_880 = tpu.sem_alloc : memref<!tpu.dma_semaphore, #tpu.memory_space<semaphore_mem>>
      %dma_start3A_881 = arith.constant 0 : i32
      %dma_start3A_882 = tpu.memref_slice %arg5[%run_scoped3A_237, %dma_start3A_881] : memref<2x1600xi32, #tpu.memory_space<vmem>> -> memref<1x1600xi32, #tpu.memory_space<vmem>>
      %dma_start3A_883 = tpu.memref_squeeze %dma_start3A_882 : memref<1x1600xi32, #tpu.memory_space<vmem>> -> memref<1600xi32, #tpu.memory_space<vmem>>
      %dma_start3A_884 = tpu.memref_slice %arg3[%add3A_223] : memref<819200xi32, #tpu.memory_space<hbm>> -> memref<1600xi32, #tpu.memory_space<hbm>>
      %dma_start3A_885 = arith.constant 0 : i32
      %dma_start3A_886 = tpu.memref_slice %arg5[%run_scoped3A_237, %dma_start3A_885] : memref<2x1600xi32, #tpu.memory_space<vmem>> -> memref<1x1600xi32, #tpu.memory_space<vmem>>
      %dma_start3A_887 = tpu.memref_squeeze %dma_start3A_886 : memref<1x1600xi32, #tpu.memory_space<vmem>> -> memref<1600xi32, #tpu.memory_space<vmem>>
      %dma_start3A_888 = tpu.memref_slice %arg3[%add3A_223] : memref<819200xi32, #tpu.memory_space<hbm>> -> memref<1600xi32, #tpu.memory_space<hbm>>
      tpu.enqueue_dma source(%dma_start3A_888 : memref<1600xi32, #tpu.memory_space<hbm>>) target(%dma_start3A_887 : memref<1600xi32, #tpu.memory_space<vmem>>) target_semaphore(%run_scoped3A_880 : memref<!tpu.dma_semaphore, #tpu.memory_space<semaphore_mem>>)
      %dma_wait3A_889 = arith.constant 0 : i32
      %dma_wait3A_890 = tpu.memref_slice %arg5[%run_scoped3A_237, %dma_wait3A_889] : memref<2x1600xi32, #tpu.memory_space<vmem>> -> memref<1x1600xi32, #tpu.memory_space<vmem>>
      %dma_wait3A_891 = tpu.memref_squeeze %dma_wait3A_890 : memref<1x1600xi32, #tpu.memory_space<vmem>> -> memref<1600xi32, #tpu.memory_space<vmem>>
      %dma_wait3A_892 = tpu.memref_slice %arg3[%add3A_223] : memref<819200xi32, #tpu.memory_space<hbm>> -> memref<1600xi32, #tpu.memory_space<hbm>>
      %dma_wait3A_893 = arith.constant 0 : i32
      %dma_wait3A_894 = tpu.memref_slice %arg5[%run_scoped3A_237, %dma_wait3A_893] : memref<2x1600xi32, #tpu.memory_space<vmem>> -> memref<1x1600xi32, #tpu.memory_space<vmem>>
      %dma_wait3A_895 = tpu.memref_squeeze %dma_wait3A_894 : memref<1x1600xi32, #tpu.memory_space<vmem>> -> memref<1600xi32, #tpu.memory_space<vmem>>
      %dma_wait3A_896 = tpu.memref_slice %arg3[%add3A_223] : memref<819200xi32, #tpu.memory_space<hbm>> -> memref<1600xi32, #tpu.memory_space<hbm>>
      tpu.wait_dma2 semaphore(%run_scoped3A_880 : memref<!tpu.dma_semaphore, #tpu.memory_space<semaphore_mem>>) src(%dma_wait3A_896 : memref<1600xi32, #tpu.memory_space<hbm>>) dst(%dma_wait3A_895 : memref<1600xi32, #tpu.memory_space<vmem>>)
      tpu.yield
    }) : () -> ()
    %dma_start3A_238 = arith.constant 1 : i32
    %dma_start3A_239 = arith.constant 1 : i32
    %dma_start3A_240 = arith.constant 0 : i32
    %dma_start3A_241 = arith.constant 0 : i32
    %dma_start3A_242 = tpu.memref_slice %arg6[%dma_start3A_239, %dma_start3A_240, %dma_start3A_241] : memref<2x1600x32xf32, #tpu.memory_space<vmem>> -> memref<1x1600x32xf32, #tpu.memory_space<vmem>>
    %dma_start3A_243 = tpu.memref_squeeze %dma_start3A_242 : memref<1x1600x32xf32, #tpu.memory_space<vmem>> -> memref<1600x32xf32, #tpu.memory_space<vmem>>
    %dma_start3A_244 = arith.constant 0 : i32
    %dma_start3A_245 = tpu.memref_slice %arg5[%dma_start3A_238, %dma_start3A_244] : memref<2x1600xi32, #tpu.memory_space<vmem>> -> memref<1x1600xi32, #tpu.memory_space<vmem>>
    %dma_start3A_246 = tpu.memref_squeeze %dma_start3A_245 : memref<1x1600xi32, #tpu.memory_space<vmem>> -> memref<1600xi32, #tpu.memory_space<vmem>>
    %dma_start3A_247 = arith.constant 0 : i32
    %dma_start3A_248 = arith.constant 0 : i32
    %dma_start3A_249 = tpu.memref_slice %arg2[%dma_start3A_247, %dma_start3A_248] : memref<1000000x32xf32, #tpu.memory_space<hbm>> -> memref<1000000x32xf32, #tpu.memory_space<hbm>>
    tpu.enqueue_indirect_dma source(%dma_start3A_249 : memref<1000000x32xf32, #tpu.memory_space<hbm>>) target(%dma_start3A_243 : memref<1600x32xf32, #tpu.memory_space<vmem>>) offsets(%dma_start3A_246 : memref<1600xi32, #tpu.memory_space<vmem>>) semaphore(%arg8 : memref<!tpu.dma_semaphore, #tpu.memory_space<semaphore_mem>>)
    %dma_wait3A_250 = arith.constant 0 : i32
    %dma_wait3A_251 = arith.constant 0 : i32
    %dma_wait3A_252 = arith.constant 0 : i32
    %dma_wait3A_253 = arith.constant 0 : i32
    %dma_wait3A_254 = tpu.memref_slice %arg6[%dma_wait3A_251, %dma_wait3A_252, %dma_wait3A_253] : memref<2x1600x32xf32, #tpu.memory_space<vmem>> -> memref<1x1600x32xf32, #tpu.memory_space<vmem>>
    %dma_wait3A_255 = tpu.memref_squeeze %dma_wait3A_254 : memref<1x1600x32xf32, #tpu.memory_space<vmem>> -> memref<1600x32xf32, #tpu.memory_space<vmem>>
    %dma_wait3A_256 = arith.constant 0 : i32
    %dma_wait3A_257 = tpu.memref_slice %arg5[%dma_wait3A_250, %dma_wait3A_256] : memref<2x1600xi32, #tpu.memory_space<vmem>> -> memref<1x1600xi32, #tpu.memory_space<vmem>>
    %dma_wait3A_258 = tpu.memref_squeeze %dma_wait3A_257 : memref<1x1600xi32, #tpu.memory_space<vmem>> -> memref<1600xi32, #tpu.memory_space<vmem>>
    %dma_wait3A_259 = arith.constant 0 : i32
    %dma_wait3A_260 = arith.constant 0 : i32
    %dma_wait3A_261 = tpu.memref_slice %arg2[%dma_wait3A_259, %dma_wait3A_260] : memref<1000000x32xf32, #tpu.memory_space<hbm>> -> memref<1000000x32xf32, #tpu.memory_space<hbm>>
    tpu.wait_indirect_dma semaphore(%arg7 : memref<!tpu.dma_semaphore, #tpu.memory_space<semaphore_mem>>) src(%dma_wait3A_261 : memref<1000000x32xf32, #tpu.memory_space<hbm>>) dst(%dma_wait3A_255 : memref<1600x32xf32, #tpu.memory_space<vmem>>)
    %add3A_262 = arith.constant 6400 : i32
    %add3A_263 = arith.addi %mul3A_2, %add3A_262 : i32
    %dma_start3A_264 = arith.constant 0 : i32
    %dma_start3A_265 = arith.constant 0 : i32
    %dma_start3A_266 = arith.constant 0 : i32
    %dma_start3A_267 = tpu.memref_slice %arg6[%dma_start3A_264, %dma_start3A_265, %dma_start3A_266] : memref<2x1600x32xf32, #tpu.memory_space<vmem>> -> memref<1x1600x32xf32, #tpu.memory_space<vmem>>
    %dma_start3A_268 = tpu.memref_squeeze %dma_start3A_267 : memref<1x1600x32xf32, #tpu.memory_space<vmem>> -> memref<1600x32xf32, #tpu.memory_space<vmem>>
    %dma_start3A_269 = arith.constant 0 : i32
    %dma_start3A_270 = tpu.memref_slice %arg4[%add3A_263, %dma_start3A_269] : memref<819200x32xf32, #tpu.memory_space<hbm>> -> memref<1600x32xf32, #tpu.memory_space<hbm>>
    %dma_start3A_271 = arith.constant 0 : i32
    %dma_start3A_272 = tpu.memref_slice %arg4[%add3A_263, %dma_start3A_271] : memref<819200x32xf32, #tpu.memory_space<hbm>> -> memref<1600x32xf32, #tpu.memory_space<hbm>>
    %dma_start3A_273 = arith.constant 0 : i32
    %dma_start3A_274 = arith.constant 0 : i32
    %dma_start3A_275 = tpu.memref_slice %arg6[%dma_start3A_264, %dma_start3A_273, %dma_start3A_274] : memref<2x1600x32xf32, #tpu.memory_space<vmem>> -> memref<1x1600x32xf32, #tpu.memory_space<vmem>>
    %dma_start3A_276 = tpu.memref_squeeze %dma_start3A_275 : memref<1x1600x32xf32, #tpu.memory_space<vmem>> -> memref<1600x32xf32, #tpu.memory_space<vmem>>
    tpu.enqueue_dma source(%dma_start3A_276 : memref<1600x32xf32, #tpu.memory_space<vmem>>) target(%dma_start3A_272 : memref<1600x32xf32, #tpu.memory_space<hbm>>) target_semaphore(%arg9 : memref<!tpu.dma_semaphore, #tpu.memory_space<semaphore_mem>>)
    %add3A_277 = arith.constant 9600 : i32
    %add3A_278 = arith.addi %mul3A_2, %add3A_277 : i32
    %dma_wait3A_279 = arith.constant 0 : i32
    %dma_wait3A_280 = arith.constant 0 : i32
    %dma_wait3A_281 = arith.constant 0 : i32
    %dma_wait3A_282 = tpu.memref_slice %arg6[%dma_wait3A_279, %dma_wait3A_280, %dma_wait3A_281] : memref<2x1600x32xf32, #tpu.memory_space<vmem>> -> memref<1x1600x32xf32, #tpu.memory_space<vmem>>
    %dma_wait3A_283 = tpu.memref_squeeze %dma_wait3A_282 : memref<1x1600x32xf32, #tpu.memory_space<vmem>> -> memref<1600x32xf32, #tpu.memory_space<vmem>>
    %dma_wait3A_284 = arith.constant 0 : i32
    %dma_wait3A_285 = tpu.memref_slice %arg4[%add3A_263, %dma_wait3A_284] : memref<819200x32xf32, #tpu.memory_space<hbm>> -> memref<1600x32xf32, #tpu.memory_space<hbm>>
    %dma_wait3A_286 = arith.constant 0 : i32
    %dma_wait3A_287 = tpu.memref_slice %arg4[%add3A_263, %dma_wait3A_286] : memref<819200x32xf32, #tpu.memory_space<hbm>> -> memref<1600x32xf32, #tpu.memory_space<hbm>>
    %dma_wait3A_288 = arith.constant 0 : i32
    %dma_wait3A_289 = arith.constant 0 : i32
    %dma_wait3A_290 = tpu.memref_slice %arg6[%dma_wait3A_279, %dma_wait3A_288, %dma_wait3A_289] : memref<2x1600x32xf32, #tpu.memory_space<vmem>> -> memref<1x1600x32xf32, #tpu.memory_space<vmem>>
    %dma_wait3A_291 = tpu.memref_squeeze %dma_wait3A_290 : memref<1x1600x32xf32, #tpu.memory_space<vmem>> -> memref<1600x32xf32, #tpu.memory_space<vmem>>
    tpu.wait_dma2 semaphore(%arg9 : memref<!tpu.dma_semaphore, #tpu.memory_space<semaphore_mem>>) src(%dma_wait3A_291 : memref<1600x32xf32, #tpu.memory_space<vmem>>) dst(%dma_wait3A_287 : memref<1600x32xf32, #tpu.memory_space<hbm>>)
    %run_scoped3A_292 = arith.constant 0 : i32
    "tpu.region"() ({
      %run_scoped3A_880 = tpu.sem_alloc : memref<!tpu.dma_semaphore, #tpu.memory_space<semaphore_mem>>
      %dma_start3A_881 = arith.constant 0 : i32
      %dma_start3A_882 = tpu.memref_slice %arg5[%run_scoped3A_292, %dma_start3A_881] : memref<2x1600xi32, #tpu.memory_space<vmem>> -> memref<1x1600xi32, #tpu.memory_space<vmem>>
      %dma_start3A_883 = tpu.memref_squeeze %dma_start3A_882 : memref<1x1600xi32, #tpu.memory_space<vmem>> -> memref<1600xi32, #tpu.memory_space<vmem>>
      %dma_start3A_884 = tpu.memref_slice %arg3[%add3A_278] : memref<819200xi32, #tpu.memory_space<hbm>> -> memref<1600xi32, #tpu.memory_space<hbm>>
      %dma_start3A_885 = arith.constant 0 : i32
      %dma_start3A_886 = tpu.memref_slice %arg5[%run_scoped3A_292, %dma_start3A_885] : memref<2x1600xi32, #tpu.memory_space<vmem>> -> memref<1x1600xi32, #tpu.memory_space<vmem>>
      %dma_start3A_887 = tpu.memref_squeeze %dma_start3A_886 : memref<1x1600xi32, #tpu.memory_space<vmem>> -> memref<1600xi32, #tpu.memory_space<vmem>>
      %dma_start3A_888 = tpu.memref_slice %arg3[%add3A_278] : memref<819200xi32, #tpu.memory_space<hbm>> -> memref<1600xi32, #tpu.memory_space<hbm>>
      tpu.enqueue_dma source(%dma_start3A_888 : memref<1600xi32, #tpu.memory_space<hbm>>) target(%dma_start3A_887 : memref<1600xi32, #tpu.memory_space<vmem>>) target_semaphore(%run_scoped3A_880 : memref<!tpu.dma_semaphore, #tpu.memory_space<semaphore_mem>>)
      %dma_wait3A_889 = arith.constant 0 : i32
      %dma_wait3A_890 = tpu.memref_slice %arg5[%run_scoped3A_292, %dma_wait3A_889] : memref<2x1600xi32, #tpu.memory_space<vmem>> -> memref<1x1600xi32, #tpu.memory_space<vmem>>
      %dma_wait3A_891 = tpu.memref_squeeze %dma_wait3A_890 : memref<1x1600xi32, #tpu.memory_space<vmem>> -> memref<1600xi32, #tpu.memory_space<vmem>>
      %dma_wait3A_892 = tpu.memref_slice %arg3[%add3A_278] : memref<819200xi32, #tpu.memory_space<hbm>> -> memref<1600xi32, #tpu.memory_space<hbm>>
      %dma_wait3A_893 = arith.constant 0 : i32
      %dma_wait3A_894 = tpu.memref_slice %arg5[%run_scoped3A_292, %dma_wait3A_893] : memref<2x1600xi32, #tpu.memory_space<vmem>> -> memref<1x1600xi32, #tpu.memory_space<vmem>>
      %dma_wait3A_895 = tpu.memref_squeeze %dma_wait3A_894 : memref<1x1600xi32, #tpu.memory_space<vmem>> -> memref<1600xi32, #tpu.memory_space<vmem>>
      %dma_wait3A_896 = tpu.memref_slice %arg3[%add3A_278] : memref<819200xi32, #tpu.memory_space<hbm>> -> memref<1600xi32, #tpu.memory_space<hbm>>
      tpu.wait_dma2 semaphore(%run_scoped3A_880 : memref<!tpu.dma_semaphore, #tpu.memory_space<semaphore_mem>>) src(%dma_wait3A_896 : memref<1600xi32, #tpu.memory_space<hbm>>) dst(%dma_wait3A_895 : memref<1600xi32, #tpu.memory_space<vmem>>)
      tpu.yield
    }) : () -> ()
    %dma_start3A_293 = arith.constant 0 : i32
    %dma_start3A_294 = arith.constant 0 : i32
    %dma_start3A_295 = arith.constant 0 : i32
    %dma_start3A_296 = arith.constant 0 : i32
    %dma_start3A_297 = tpu.memref_slice %arg6[%dma_start3A_294, %dma_start3A_295, %dma_start3A_296] : memref<2x1600x32xf32, #tpu.memory_space<vmem>> -> memref<1x1600x32xf32, #tpu.memory_space<vmem>>
    %dma_start3A_298 = tpu.memref_squeeze %dma_start3A_297 : memref<1x1600x32xf32, #tpu.memory_space<vmem>> -> memref<1600x32xf32, #tpu.memory_space<vmem>>
    %dma_start3A_299 = arith.constant 0 : i32
    %dma_start3A_300 = tpu.memref_slice %arg5[%dma_start3A_293, %dma_start3A_299] : memref<2x1600xi32, #tpu.memory_space<vmem>> -> memref<1x1600xi32, #tpu.memory_space<vmem>>
    %dma_start3A_301 = tpu.memref_squeeze %dma_start3A_300 : memref<1x1600xi32, #tpu.memory_space<vmem>> -> memref<1600xi32, #tpu.memory_space<vmem>>
    %dma_start3A_302 = arith.constant 0 : i32
    %dma_start3A_303 = arith.constant 0 : i32
    %dma_start3A_304 = tpu.memref_slice %arg2[%dma_start3A_302, %dma_start3A_303] : memref<1000000x32xf32, #tpu.memory_space<hbm>> -> memref<1000000x32xf32, #tpu.memory_space<hbm>>
    tpu.enqueue_indirect_dma source(%dma_start3A_304 : memref<1000000x32xf32, #tpu.memory_space<hbm>>) target(%dma_start3A_298 : memref<1600x32xf32, #tpu.memory_space<vmem>>) offsets(%dma_start3A_301 : memref<1600xi32, #tpu.memory_space<vmem>>) semaphore(%arg7 : memref<!tpu.dma_semaphore, #tpu.memory_space<semaphore_mem>>)
    %dma_wait3A_305 = arith.constant 1 : i32
    %dma_wait3A_306 = arith.constant 1 : i32
    %dma_wait3A_307 = arith.constant 0 : i32
    %dma_wait3A_308 = arith.constant 0 : i32
    %dma_wait3A_309 = tpu.memref_slice %arg6[%dma_wait3A_306, %dma_wait3A_307, %dma_wait3A_308] : memref<2x1600x32xf32, #tpu.memory_space<vmem>> -> memref<1x1600x32xf32, #tpu.memory_space<vmem>>
    %dma_wait3A_310 = tpu.memref_squeeze %dma_wait3A_309 : memref<1x1600x32xf32, #tpu.memory_space<vmem>> -> memref<1600x32xf32, #tpu.memory_space<vmem>>
    %dma_wait3A_311 = arith.constant 0 : i32
    %dma_wait3A_312 = tpu.memref_slice %arg5[%dma_wait3A_305, %dma_wait3A_311] : memref<2x1600xi32, #tpu.memory_space<vmem>> -> memref<1x1600xi32, #tpu.memory_space<vmem>>
    %dma_wait3A_313 = tpu.memref_squeeze %dma_wait3A_312 : memref<1x1600xi32, #tpu.memory_space<vmem>> -> memref<1600xi32, #tpu.memory_space<vmem>>
    %dma_wait3A_314 = arith.constant 0 : i32
    %dma_wait3A_315 = arith.constant 0 : i32
    %dma_wait3A_316 = tpu.memref_slice %arg2[%dma_wait3A_314, %dma_wait3A_315] : memref<1000000x32xf32, #tpu.memory_space<hbm>> -> memref<1000000x32xf32, #tpu.memory_space<hbm>>
    tpu.wait_indirect_dma semaphore(%arg8 : memref<!tpu.dma_semaphore, #tpu.memory_space<semaphore_mem>>) src(%dma_wait3A_316 : memref<1000000x32xf32, #tpu.memory_space<hbm>>) dst(%dma_wait3A_310 : memref<1600x32xf32, #tpu.memory_space<vmem>>)
    %add3A_317 = arith.constant 8000 : i32
    %add3A_318 = arith.addi %mul3A_2, %add3A_317 : i32
    %dma_start3A_319 = arith.constant 1 : i32
    %dma_start3A_320 = arith.constant 0 : i32
    %dma_start3A_321 = arith.constant 0 : i32
    %dma_start3A_322 = tpu.memref_slice %arg6[%dma_start3A_319, %dma_start3A_320, %dma_start3A_321] : memref<2x1600x32xf32, #tpu.memory_space<vmem>> -> memref<1x1600x32xf32, #tpu.memory_space<vmem>>
    %dma_start3A_323 = tpu.memref_squeeze %dma_start3A_322 : memref<1x1600x32xf32, #tpu.memory_space<vmem>> -> memref<1600x32xf32, #tpu.memory_space<vmem>>
    %dma_start3A_324 = arith.constant 0 : i32
    %dma_start3A_325 = tpu.memref_slice %arg4[%add3A_318, %dma_start3A_324] : memref<819200x32xf32, #tpu.memory_space<hbm>> -> memref<1600x32xf32, #tpu.memory_space<hbm>>
    %dma_start3A_326 = arith.constant 0 : i32
    %dma_start3A_327 = tpu.memref_slice %arg4[%add3A_318, %dma_start3A_326] : memref<819200x32xf32, #tpu.memory_space<hbm>> -> memref<1600x32xf32, #tpu.memory_space<hbm>>
    %dma_start3A_328 = arith.constant 0 : i32
    %dma_start3A_329 = arith.constant 0 : i32
    %dma_start3A_330 = tpu.memref_slice %arg6[%dma_start3A_319, %dma_start3A_328, %dma_start3A_329] : memref<2x1600x32xf32, #tpu.memory_space<vmem>> -> memref<1x1600x32xf32, #tpu.memory_space<vmem>>
    %dma_start3A_331 = tpu.memref_squeeze %dma_start3A_330 : memref<1x1600x32xf32, #tpu.memory_space<vmem>> -> memref<1600x32xf32, #tpu.memory_space<vmem>>
    tpu.enqueue_dma source(%dma_start3A_331 : memref<1600x32xf32, #tpu.memory_space<vmem>>) target(%dma_start3A_327 : memref<1600x32xf32, #tpu.memory_space<hbm>>) target_semaphore(%arg10 : memref<!tpu.dma_semaphore, #tpu.memory_space<semaphore_mem>>)
    %add3A_332 = arith.constant 11200 : i32
    %add3A_333 = arith.addi %mul3A_2, %add3A_332 : i32
    %dma_wait3A_334 = arith.constant 1 : i32
    %dma_wait3A_335 = arith.constant 0 : i32
    %dma_wait3A_336 = arith.constant 0 : i32
    %dma_wait3A_337 = tpu.memref_slice %arg6[%dma_wait3A_334, %dma_wait3A_335, %dma_wait3A_336] : memref<2x1600x32xf32, #tpu.memory_space<vmem>> -> memref<1x1600x32xf32, #tpu.memory_space<vmem>>
    %dma_wait3A_338 = tpu.memref_squeeze %dma_wait3A_337 : memref<1x1600x32xf32, #tpu.memory_space<vmem>> -> memref<1600x32xf32, #tpu.memory_space<vmem>>
    %dma_wait3A_339 = arith.constant 0 : i32
    %dma_wait3A_340 = tpu.memref_slice %arg4[%add3A_318, %dma_wait3A_339] : memref<819200x32xf32, #tpu.memory_space<hbm>> -> memref<1600x32xf32, #tpu.memory_space<hbm>>
    %dma_wait3A_341 = arith.constant 0 : i32
    %dma_wait3A_342 = tpu.memref_slice %arg4[%add3A_318, %dma_wait3A_341] : memref<819200x32xf32, #tpu.memory_space<hbm>> -> memref<1600x32xf32, #tpu.memory_space<hbm>>
    %dma_wait3A_343 = arith.constant 0 : i32
    %dma_wait3A_344 = arith.constant 0 : i32
    %dma_wait3A_345 = tpu.memref_slice %arg6[%dma_wait3A_334, %dma_wait3A_343, %dma_wait3A_344] : memref<2x1600x32xf32, #tpu.memory_space<vmem>> -> memref<1x1600x32xf32, #tpu.memory_space<vmem>>
    %dma_wait3A_346 = tpu.memref_squeeze %dma_wait3A_345 : memref<1x1600x32xf32, #tpu.memory_space<vmem>> -> memref<1600x32xf32, #tpu.memory_space<vmem>>
    tpu.wait_dma2 semaphore(%arg10 : memref<!tpu.dma_semaphore, #tpu.memory_space<semaphore_mem>>) src(%dma_wait3A_346 : memref<1600x32xf32, #tpu.memory_space<vmem>>) dst(%dma_wait3A_342 : memref<1600x32xf32, #tpu.memory_space<hbm>>)
    %run_scoped3A_347 = arith.constant 1 : i32
    "tpu.region"() ({
      %run_scoped3A_880 = tpu.sem_alloc : memref<!tpu.dma_semaphore, #tpu.memory_space<semaphore_mem>>
      %dma_start3A_881 = arith.constant 0 : i32
      %dma_start3A_882 = tpu.memref_slice %arg5[%run_scoped3A_347, %dma_start3A_881] : memref<2x1600xi32, #tpu.memory_space<vmem>> -> memref<1x1600xi32, #tpu.memory_space<vmem>>
      %dma_start3A_883 = tpu.memref_squeeze %dma_start3A_882 : memref<1x1600xi32, #tpu.memory_space<vmem>> -> memref<1600xi32, #tpu.memory_space<vmem>>
      %dma_start3A_884 = tpu.memref_slice %arg3[%add3A_333] : memref<819200xi32, #tpu.memory_space<hbm>> -> memref<1600xi32, #tpu.memory_space<hbm>>
      %dma_start3A_885 = arith.constant 0 : i32
      %dma_start3A_886 = tpu.memref_slice %arg5[%run_scoped3A_347, %dma_start3A_885] : memref<2x1600xi32, #tpu.memory_space<vmem>> -> memref<1x1600xi32, #tpu.memory_space<vmem>>
      %dma_start3A_887 = tpu.memref_squeeze %dma_start3A_886 : memref<1x1600xi32, #tpu.memory_space<vmem>> -> memref<1600xi32, #tpu.memory_space<vmem>>
      %dma_start3A_888 = tpu.memref_slice %arg3[%add3A_333] : memref<819200xi32, #tpu.memory_space<hbm>> -> memref<1600xi32, #tpu.memory_space<hbm>>
      tpu.enqueue_dma source(%dma_start3A_888 : memref<1600xi32, #tpu.memory_space<hbm>>) target(%dma_start3A_887 : memref<1600xi32, #tpu.memory_space<vmem>>) target_semaphore(%run_scoped3A_880 : memref<!tpu.dma_semaphore, #tpu.memory_space<semaphore_mem>>)
      %dma_wait3A_889 = arith.constant 0 : i32
      %dma_wait3A_890 = tpu.memref_slice %arg5[%run_scoped3A_347, %dma_wait3A_889] : memref<2x1600xi32, #tpu.memory_space<vmem>> -> memref<1x1600xi32, #tpu.memory_space<vmem>>
      %dma_wait3A_891 = tpu.memref_squeeze %dma_wait3A_890 : memref<1x1600xi32, #tpu.memory_space<vmem>> -> memref<1600xi32, #tpu.memory_space<vmem>>
      %dma_wait3A_892 = tpu.memref_slice %arg3[%add3A_333] : memref<819200xi32, #tpu.memory_space<hbm>> -> memref<1600xi32, #tpu.memory_space<hbm>>
      %dma_wait3A_893 = arith.constant 0 : i32
      %dma_wait3A_894 = tpu.memref_slice %arg5[%run_scoped3A_347, %dma_wait3A_893] : memref<2x1600xi32, #tpu.memory_space<vmem>> -> memref<1x1600xi32, #tpu.memory_space<vmem>>
      %dma_wait3A_895 = tpu.memref_squeeze %dma_wait3A_894 : memref<1x1600xi32, #tpu.memory_space<vmem>> -> memref<1600xi32, #tpu.memory_space<vmem>>
      %dma_wait3A_896 = tpu.memref_slice %arg3[%add3A_333] : memref<819200xi32, #tpu.memory_space<hbm>> -> memref<1600xi32, #tpu.memory_space<hbm>>
      tpu.wait_dma2 semaphore(%run_scoped3A_880 : memref<!tpu.dma_semaphore, #tpu.memory_space<semaphore_mem>>) src(%dma_wait3A_896 : memref<1600xi32, #tpu.memory_space<hbm>>) dst(%dma_wait3A_895 : memref<1600xi32, #tpu.memory_space<vmem>>)
      tpu.yield
    }) : () -> ()
    %dma_start3A_348 = arith.constant 1 : i32
    %dma_start3A_349 = arith.constant 1 : i32
    %dma_start3A_350 = arith.constant 0 : i32
    %dma_start3A_351 = arith.constant 0 : i32
    %dma_start3A_352 = tpu.memref_slice %arg6[%dma_start3A_349, %dma_start3A_350, %dma_start3A_351] : memref<2x1600x32xf32, #tpu.memory_space<vmem>> -> memref<1x1600x32xf32, #tpu.memory_space<vmem>>
    %dma_start3A_353 = tpu.memref_squeeze %dma_start3A_352 : memref<1x1600x32xf32, #tpu.memory_space<vmem>> -> memref<1600x32xf32, #tpu.memory_space<vmem>>
    %dma_start3A_354 = arith.constant 0 : i32
    %dma_start3A_355 = tpu.memref_slice %arg5[%dma_start3A_348, %dma_start3A_354] : memref<2x1600xi32, #tpu.memory_space<vmem>> -> memref<1x1600xi32, #tpu.memory_space<vmem>>
    %dma_start3A_356 = tpu.memref_squeeze %dma_start3A_355 : memref<1x1600xi32, #tpu.memory_space<vmem>> -> memref<1600xi32, #tpu.memory_space<vmem>>
    %dma_start3A_357 = arith.constant 0 : i32
    %dma_start3A_358 = arith.constant 0 : i32
    %dma_start3A_359 = tpu.memref_slice %arg2[%dma_start3A_357, %dma_start3A_358] : memref<1000000x32xf32, #tpu.memory_space<hbm>> -> memref<1000000x32xf32, #tpu.memory_space<hbm>>
    tpu.enqueue_indirect_dma source(%dma_start3A_359 : memref<1000000x32xf32, #tpu.memory_space<hbm>>) target(%dma_start3A_353 : memref<1600x32xf32, #tpu.memory_space<vmem>>) offsets(%dma_start3A_356 : memref<1600xi32, #tpu.memory_space<vmem>>) semaphore(%arg8 : memref<!tpu.dma_semaphore, #tpu.memory_space<semaphore_mem>>)
    %dma_wait3A_360 = arith.constant 0 : i32
    %dma_wait3A_361 = arith.constant 0 : i32
    %dma_wait3A_362 = arith.constant 0 : i32
    %dma_wait3A_363 = arith.constant 0 : i32
    %dma_wait3A_364 = tpu.memref_slice %arg6[%dma_wait3A_361, %dma_wait3A_362, %dma_wait3A_363] : memref<2x1600x32xf32, #tpu.memory_space<vmem>> -> memref<1x1600x32xf32, #tpu.memory_space<vmem>>
    %dma_wait3A_365 = tpu.memref_squeeze %dma_wait3A_364 : memref<1x1600x32xf32, #tpu.memory_space<vmem>> -> memref<1600x32xf32, #tpu.memory_space<vmem>>
    %dma_wait3A_366 = arith.constant 0 : i32
    %dma_wait3A_367 = tpu.memref_slice %arg5[%dma_wait3A_360, %dma_wait3A_366] : memref<2x1600xi32, #tpu.memory_space<vmem>> -> memref<1x1600xi32, #tpu.memory_space<vmem>>
    %dma_wait3A_368 = tpu.memref_squeeze %dma_wait3A_367 : memref<1x1600xi32, #tpu.memory_space<vmem>> -> memref<1600xi32, #tpu.memory_space<vmem>>
    %dma_wait3A_369 = arith.constant 0 : i32
    %dma_wait3A_370 = arith.constant 0 : i32
    %dma_wait3A_371 = tpu.memref_slice %arg2[%dma_wait3A_369, %dma_wait3A_370] : memref<1000000x32xf32, #tpu.memory_space<hbm>> -> memref<1000000x32xf32, #tpu.memory_space<hbm>>
    tpu.wait_indirect_dma semaphore(%arg7 : memref<!tpu.dma_semaphore, #tpu.memory_space<semaphore_mem>>) src(%dma_wait3A_371 : memref<1000000x32xf32, #tpu.memory_space<hbm>>) dst(%dma_wait3A_365 : memref<1600x32xf32, #tpu.memory_space<vmem>>)
    %add3A_372 = arith.constant 9600 : i32
    %add3A_373 = arith.addi %mul3A_2, %add3A_372 : i32
    %dma_start3A_374 = arith.constant 0 : i32
    %dma_start3A_375 = arith.constant 0 : i32
    %dma_start3A_376 = arith.constant 0 : i32
    %dma_start3A_377 = tpu.memref_slice %arg6[%dma_start3A_374, %dma_start3A_375, %dma_start3A_376] : memref<2x1600x32xf32, #tpu.memory_space<vmem>> -> memref<1x1600x32xf32, #tpu.memory_space<vmem>>
    %dma_start3A_378 = tpu.memref_squeeze %dma_start3A_377 : memref<1x1600x32xf32, #tpu.memory_space<vmem>> -> memref<1600x32xf32, #tpu.memory_space<vmem>>
    %dma_start3A_379 = arith.constant 0 : i32
    %dma_start3A_380 = tpu.memref_slice %arg4[%add3A_373, %dma_start3A_379] : memref<819200x32xf32, #tpu.memory_space<hbm>> -> memref<1600x32xf32, #tpu.memory_space<hbm>>
    %dma_start3A_381 = arith.constant 0 : i32
    %dma_start3A_382 = tpu.memref_slice %arg4[%add3A_373, %dma_start3A_381] : memref<819200x32xf32, #tpu.memory_space<hbm>> -> memref<1600x32xf32, #tpu.memory_space<hbm>>
    %dma_start3A_383 = arith.constant 0 : i32
    %dma_start3A_384 = arith.constant 0 : i32
    %dma_start3A_385 = tpu.memref_slice %arg6[%dma_start3A_374, %dma_start3A_383, %dma_start3A_384] : memref<2x1600x32xf32, #tpu.memory_space<vmem>> -> memref<1x1600x32xf32, #tpu.memory_space<vmem>>
    %dma_start3A_386 = tpu.memref_squeeze %dma_start3A_385 : memref<1x1600x32xf32, #tpu.memory_space<vmem>> -> memref<1600x32xf32, #tpu.memory_space<vmem>>
    tpu.enqueue_dma source(%dma_start3A_386 : memref<1600x32xf32, #tpu.memory_space<vmem>>) target(%dma_start3A_382 : memref<1600x32xf32, #tpu.memory_space<hbm>>) target_semaphore(%arg9 : memref<!tpu.dma_semaphore, #tpu.memory_space<semaphore_mem>>)
    %add3A_387 = arith.constant 12800 : i32
    %add3A_388 = arith.addi %mul3A_2, %add3A_387 : i32
    %dma_wait3A_389 = arith.constant 0 : i32
    %dma_wait3A_390 = arith.constant 0 : i32
    %dma_wait3A_391 = arith.constant 0 : i32
    %dma_wait3A_392 = tpu.memref_slice %arg6[%dma_wait3A_389, %dma_wait3A_390, %dma_wait3A_391] : memref<2x1600x32xf32, #tpu.memory_space<vmem>> -> memref<1x1600x32xf32, #tpu.memory_space<vmem>>
    %dma_wait3A_393 = tpu.memref_squeeze %dma_wait3A_392 : memref<1x1600x32xf32, #tpu.memory_space<vmem>> -> memref<1600x32xf32, #tpu.memory_space<vmem>>
    %dma_wait3A_394 = arith.constant 0 : i32
    %dma_wait3A_395 = tpu.memref_slice %arg4[%add3A_373, %dma_wait3A_394] : memref<819200x32xf32, #tpu.memory_space<hbm>> -> memref<1600x32xf32, #tpu.memory_space<hbm>>
    %dma_wait3A_396 = arith.constant 0 : i32
    %dma_wait3A_397 = tpu.memref_slice %arg4[%add3A_373, %dma_wait3A_396] : memref<819200x32xf32, #tpu.memory_space<hbm>> -> memref<1600x32xf32, #tpu.memory_space<hbm>>
    %dma_wait3A_398 = arith.constant 0 : i32
    %dma_wait3A_399 = arith.constant 0 : i32
    %dma_wait3A_400 = tpu.memref_slice %arg6[%dma_wait3A_389, %dma_wait3A_398, %dma_wait3A_399] : memref<2x1600x32xf32, #tpu.memory_space<vmem>> -> memref<1x1600x32xf32, #tpu.memory_space<vmem>>
    %dma_wait3A_401 = tpu.memref_squeeze %dma_wait3A_400 : memref<1x1600x32xf32, #tpu.memory_space<vmem>> -> memref<1600x32xf32, #tpu.memory_space<vmem>>
    tpu.wait_dma2 semaphore(%arg9 : memref<!tpu.dma_semaphore, #tpu.memory_space<semaphore_mem>>) src(%dma_wait3A_401 : memref<1600x32xf32, #tpu.memory_space<vmem>>) dst(%dma_wait3A_397 : memref<1600x32xf32, #tpu.memory_space<hbm>>)
    %run_scoped3A_402 = arith.constant 0 : i32
    "tpu.region"() ({
      %run_scoped3A_880 = tpu.sem_alloc : memref<!tpu.dma_semaphore, #tpu.memory_space<semaphore_mem>>
      %dma_start3A_881 = arith.constant 0 : i32
      %dma_start3A_882 = tpu.memref_slice %arg5[%run_scoped3A_402, %dma_start3A_881] : memref<2x1600xi32, #tpu.memory_space<vmem>> -> memref<1x1600xi32, #tpu.memory_space<vmem>>
      %dma_start3A_883 = tpu.memref_squeeze %dma_start3A_882 : memref<1x1600xi32, #tpu.memory_space<vmem>> -> memref<1600xi32, #tpu.memory_space<vmem>>
      %dma_start3A_884 = tpu.memref_slice %arg3[%add3A_388] : memref<819200xi32, #tpu.memory_space<hbm>> -> memref<1600xi32, #tpu.memory_space<hbm>>
      %dma_start3A_885 = arith.constant 0 : i32
      %dma_start3A_886 = tpu.memref_slice %arg5[%run_scoped3A_402, %dma_start3A_885] : memref<2x1600xi32, #tpu.memory_space<vmem>> -> memref<1x1600xi32, #tpu.memory_space<vmem>>
      %dma_start3A_887 = tpu.memref_squeeze %dma_start3A_886 : memref<1x1600xi32, #tpu.memory_space<vmem>> -> memref<1600xi32, #tpu.memory_space<vmem>>
      %dma_start3A_888 = tpu.memref_slice %arg3[%add3A_388] : memref<819200xi32, #tpu.memory_space<hbm>> -> memref<1600xi32, #tpu.memory_space<hbm>>
      tpu.enqueue_dma source(%dma_start3A_888 : memref<1600xi32, #tpu.memory_space<hbm>>) target(%dma_start3A_887 : memref<1600xi32, #tpu.memory_space<vmem>>) target_semaphore(%run_scoped3A_880 : memref<!tpu.dma_semaphore, #tpu.memory_space<semaphore_mem>>)
      %dma_wait3A_889 = arith.constant 0 : i32
      %dma_wait3A_890 = tpu.memref_slice %arg5[%run_scoped3A_402, %dma_wait3A_889] : memref<2x1600xi32, #tpu.memory_space<vmem>> -> memref<1x1600xi32, #tpu.memory_space<vmem>>
      %dma_wait3A_891 = tpu.memref_squeeze %dma_wait3A_890 : memref<1x1600xi32, #tpu.memory_space<vmem>> -> memref<1600xi32, #tpu.memory_space<vmem>>
      %dma_wait3A_892 = tpu.memref_slice %arg3[%add3A_388] : memref<819200xi32, #tpu.memory_space<hbm>> -> memref<1600xi32, #tpu.memory_space<hbm>>
      %dma_wait3A_893 = arith.constant 0 : i32
      %dma_wait3A_894 = tpu.memref_slice %arg5[%run_scoped3A_402, %dma_wait3A_893] : memref<2x1600xi32, #tpu.memory_space<vmem>> -> memref<1x1600xi32, #tpu.memory_space<vmem>>
      %dma_wait3A_895 = tpu.memref_squeeze %dma_wait3A_894 : memref<1x1600xi32, #tpu.memory_space<vmem>> -> memref<1600xi32, #tpu.memory_space<vmem>>
      %dma_wait3A_896 = tpu.memref_slice %arg3[%add3A_388] : memref<819200xi32, #tpu.memory_space<hbm>> -> memref<1600xi32, #tpu.memory_space<hbm>>
      tpu.wait_dma2 semaphore(%run_scoped3A_880 : memref<!tpu.dma_semaphore, #tpu.memory_space<semaphore_mem>>) src(%dma_wait3A_896 : memref<1600xi32, #tpu.memory_space<hbm>>) dst(%dma_wait3A_895 : memref<1600xi32, #tpu.memory_space<vmem>>)
      tpu.yield
    }) : () -> ()
    %dma_start3A_403 = arith.constant 0 : i32
    %dma_start3A_404 = arith.constant 0 : i32
    %dma_start3A_405 = arith.constant 0 : i32
    %dma_start3A_406 = arith.constant 0 : i32
    %dma_start3A_407 = tpu.memref_slice %arg6[%dma_start3A_404, %dma_start3A_405, %dma_start3A_406] : memref<2x1600x32xf32, #tpu.memory_space<vmem>> -> memref<1x1600x32xf32, #tpu.memory_space<vmem>>
    %dma_start3A_408 = tpu.memref_squeeze %dma_start3A_407 : memref<1x1600x32xf32, #tpu.memory_space<vmem>> -> memref<1600x32xf32, #tpu.memory_space<vmem>>
    %dma_start3A_409 = arith.constant 0 : i32
    %dma_start3A_410 = tpu.memref_slice %arg5[%dma_start3A_403, %dma_start3A_409] : memref<2x1600xi32, #tpu.memory_space<vmem>> -> memref<1x1600xi32, #tpu.memory_space<vmem>>
    %dma_start3A_411 = tpu.memref_squeeze %dma_start3A_410 : memref<1x1600xi32, #tpu.memory_space<vmem>> -> memref<1600xi32, #tpu.memory_space<vmem>>
    %dma_start3A_412 = arith.constant 0 : i32
    %dma_start3A_413 = arith.constant 0 : i32
    %dma_start3A_414 = tpu.memref_slice %arg2[%dma_start3A_412, %dma_start3A_413] : memref<1000000x32xf32, #tpu.memory_space<hbm>> -> memref<1000000x32xf32, #tpu.memory_space<hbm>>
    tpu.enqueue_indirect_dma source(%dma_start3A_414 : memref<1000000x32xf32, #tpu.memory_space<hbm>>) target(%dma_start3A_408 : memref<1600x32xf32, #tpu.memory_space<vmem>>) offsets(%dma_start3A_411 : memref<1600xi32, #tpu.memory_space<vmem>>) semaphore(%arg7 : memref<!tpu.dma_semaphore, #tpu.memory_space<semaphore_mem>>)
    %dma_wait3A_415 = arith.constant 1 : i32
    %dma_wait3A_416 = arith.constant 1 : i32
    %dma_wait3A_417 = arith.constant 0 : i32
    %dma_wait3A_418 = arith.constant 0 : i32
    %dma_wait3A_419 = tpu.memref_slice %arg6[%dma_wait3A_416, %dma_wait3A_417, %dma_wait3A_418] : memref<2x1600x32xf32, #tpu.memory_space<vmem>> -> memref<1x1600x32xf32, #tpu.memory_space<vmem>>
    %dma_wait3A_420 = tpu.memref_squeeze %dma_wait3A_419 : memref<1x1600x32xf32, #tpu.memory_space<vmem>> -> memref<1600x32xf32, #tpu.memory_space<vmem>>
    %dma_wait3A_421 = arith.constant 0 : i32
    %dma_wait3A_422 = tpu.memref_slice %arg5[%dma_wait3A_415, %dma_wait3A_421] : memref<2x1600xi32, #tpu.memory_space<vmem>> -> memref<1x1600xi32, #tpu.memory_space<vmem>>
    %dma_wait3A_423 = tpu.memref_squeeze %dma_wait3A_422 : memref<1x1600xi32, #tpu.memory_space<vmem>> -> memref<1600xi32, #tpu.memory_space<vmem>>
    %dma_wait3A_424 = arith.constant 0 : i32
    %dma_wait3A_425 = arith.constant 0 : i32
    %dma_wait3A_426 = tpu.memref_slice %arg2[%dma_wait3A_424, %dma_wait3A_425] : memref<1000000x32xf32, #tpu.memory_space<hbm>> -> memref<1000000x32xf32, #tpu.memory_space<hbm>>
    tpu.wait_indirect_dma semaphore(%arg8 : memref<!tpu.dma_semaphore, #tpu.memory_space<semaphore_mem>>) src(%dma_wait3A_426 : memref<1000000x32xf32, #tpu.memory_space<hbm>>) dst(%dma_wait3A_420 : memref<1600x32xf32, #tpu.memory_space<vmem>>)
    %add3A_427 = arith.constant 11200 : i32
    %add3A_428 = arith.addi %mul3A_2, %add3A_427 : i32
    %dma_start3A_429 = arith.constant 1 : i32
    %dma_start3A_430 = arith.constant 0 : i32
    %dma_start3A_431 = arith.constant 0 : i32
    %dma_start3A_432 = tpu.memref_slice %arg6[%dma_start3A_429, %dma_start3A_430, %dma_start3A_431] : memref<2x1600x32xf32, #tpu.memory_space<vmem>> -> memref<1x1600x32xf32, #tpu.memory_space<vmem>>
    %dma_start3A_433 = tpu.memref_squeeze %dma_start3A_432 : memref<1x1600x32xf32, #tpu.memory_space<vmem>> -> memref<1600x32xf32, #tpu.memory_space<vmem>>
    %dma_start3A_434 = arith.constant 0 : i32
    %dma_start3A_435 = tpu.memref_slice %arg4[%add3A_428, %dma_start3A_434] : memref<819200x32xf32, #tpu.memory_space<hbm>> -> memref<1600x32xf32, #tpu.memory_space<hbm>>
    %dma_start3A_436 = arith.constant 0 : i32
    %dma_start3A_437 = tpu.memref_slice %arg4[%add3A_428, %dma_start3A_436] : memref<819200x32xf32, #tpu.memory_space<hbm>> -> memref<1600x32xf32, #tpu.memory_space<hbm>>
    %dma_start3A_438 = arith.constant 0 : i32
    %dma_start3A_439 = arith.constant 0 : i32
    %dma_start3A_440 = tpu.memref_slice %arg6[%dma_start3A_429, %dma_start3A_438, %dma_start3A_439] : memref<2x1600x32xf32, #tpu.memory_space<vmem>> -> memref<1x1600x32xf32, #tpu.memory_space<vmem>>
    %dma_start3A_441 = tpu.memref_squeeze %dma_start3A_440 : memref<1x1600x32xf32, #tpu.memory_space<vmem>> -> memref<1600x32xf32, #tpu.memory_space<vmem>>
    tpu.enqueue_dma source(%dma_start3A_441 : memref<1600x32xf32, #tpu.memory_space<vmem>>) target(%dma_start3A_437 : memref<1600x32xf32, #tpu.memory_space<hbm>>) target_semaphore(%arg10 : memref<!tpu.dma_semaphore, #tpu.memory_space<semaphore_mem>>)
    %add3A_442 = arith.constant 14400 : i32
    %add3A_443 = arith.addi %mul3A_2, %add3A_442 : i32
    %dma_wait3A_444 = arith.constant 1 : i32
    %dma_wait3A_445 = arith.constant 0 : i32
    %dma_wait3A_446 = arith.constant 0 : i32
    %dma_wait3A_447 = tpu.memref_slice %arg6[%dma_wait3A_444, %dma_wait3A_445, %dma_wait3A_446] : memref<2x1600x32xf32, #tpu.memory_space<vmem>> -> memref<1x1600x32xf32, #tpu.memory_space<vmem>>
    %dma_wait3A_448 = tpu.memref_squeeze %dma_wait3A_447 : memref<1x1600x32xf32, #tpu.memory_space<vmem>> -> memref<1600x32xf32, #tpu.memory_space<vmem>>
    %dma_wait3A_449 = arith.constant 0 : i32
    %dma_wait3A_450 = tpu.memref_slice %arg4[%add3A_428, %dma_wait3A_449] : memref<819200x32xf32, #tpu.memory_space<hbm>> -> memref<1600x32xf32, #tpu.memory_space<hbm>>
    %dma_wait3A_451 = arith.constant 0 : i32
    %dma_wait3A_452 = tpu.memref_slice %arg4[%add3A_428, %dma_wait3A_451] : memref<819200x32xf32, #tpu.memory_space<hbm>> -> memref<1600x32xf32, #tpu.memory_space<hbm>>
    %dma_wait3A_453 = arith.constant 0 : i32
    %dma_wait3A_454 = arith.constant 0 : i32
    %dma_wait3A_455 = tpu.memref_slice %arg6[%dma_wait3A_444, %dma_wait3A_453, %dma_wait3A_454] : memref<2x1600x32xf32, #tpu.memory_space<vmem>> -> memref<1x1600x32xf32, #tpu.memory_space<vmem>>
    %dma_wait3A_456 = tpu.memref_squeeze %dma_wait3A_455 : memref<1x1600x32xf32, #tpu.memory_space<vmem>> -> memref<1600x32xf32, #tpu.memory_space<vmem>>
    tpu.wait_dma2 semaphore(%arg10 : memref<!tpu.dma_semaphore, #tpu.memory_space<semaphore_mem>>) src(%dma_wait3A_456 : memref<1600x32xf32, #tpu.memory_space<vmem>>) dst(%dma_wait3A_452 : memref<1600x32xf32, #tpu.memory_space<hbm>>)
    %run_scoped3A_457 = arith.constant 1 : i32
    "tpu.region"() ({
      %run_scoped3A_880 = tpu.sem_alloc : memref<!tpu.dma_semaphore, #tpu.memory_space<semaphore_mem>>
      %dma_start3A_881 = arith.constant 0 : i32
      %dma_start3A_882 = tpu.memref_slice %arg5[%run_scoped3A_457, %dma_start3A_881] : memref<2x1600xi32, #tpu.memory_space<vmem>> -> memref<1x1600xi32, #tpu.memory_space<vmem>>
      %dma_start3A_883 = tpu.memref_squeeze %dma_start3A_882 : memref<1x1600xi32, #tpu.memory_space<vmem>> -> memref<1600xi32, #tpu.memory_space<vmem>>
      %dma_start3A_884 = tpu.memref_slice %arg3[%add3A_443] : memref<819200xi32, #tpu.memory_space<hbm>> -> memref<1600xi32, #tpu.memory_space<hbm>>
      %dma_start3A_885 = arith.constant 0 : i32
      %dma_start3A_886 = tpu.memref_slice %arg5[%run_scoped3A_457, %dma_start3A_885] : memref<2x1600xi32, #tpu.memory_space<vmem>> -> memref<1x1600xi32, #tpu.memory_space<vmem>>
      %dma_start3A_887 = tpu.memref_squeeze %dma_start3A_886 : memref<1x1600xi32, #tpu.memory_space<vmem>> -> memref<1600xi32, #tpu.memory_space<vmem>>
      %dma_start3A_888 = tpu.memref_slice %arg3[%add3A_443] : memref<819200xi32, #tpu.memory_space<hbm>> -> memref<1600xi32, #tpu.memory_space<hbm>>
      tpu.enqueue_dma source(%dma_start3A_888 : memref<1600xi32, #tpu.memory_space<hbm>>) target(%dma_start3A_887 : memref<1600xi32, #tpu.memory_space<vmem>>) target_semaphore(%run_scoped3A_880 : memref<!tpu.dma_semaphore, #tpu.memory_space<semaphore_mem>>)
      %dma_wait3A_889 = arith.constant 0 : i32
      %dma_wait3A_890 = tpu.memref_slice %arg5[%run_scoped3A_457, %dma_wait3A_889] : memref<2x1600xi32, #tpu.memory_space<vmem>> -> memref<1x1600xi32, #tpu.memory_space<vmem>>
      %dma_wait3A_891 = tpu.memref_squeeze %dma_wait3A_890 : memref<1x1600xi32, #tpu.memory_space<vmem>> -> memref<1600xi32, #tpu.memory_space<vmem>>
      %dma_wait3A_892 = tpu.memref_slice %arg3[%add3A_443] : memref<819200xi32, #tpu.memory_space<hbm>> -> memref<1600xi32, #tpu.memory_space<hbm>>
      %dma_wait3A_893 = arith.constant 0 : i32
      %dma_wait3A_894 = tpu.memref_slice %arg5[%run_scoped3A_457, %dma_wait3A_893] : memref<2x1600xi32, #tpu.memory_space<vmem>> -> memref<1x1600xi32, #tpu.memory_space<vmem>>
      %dma_wait3A_895 = tpu.memref_squeeze %dma_wait3A_894 : memref<1x1600xi32, #tpu.memory_space<vmem>> -> memref<1600xi32, #tpu.memory_space<vmem>>
      %dma_wait3A_896 = tpu.memref_slice %arg3[%add3A_443] : memref<819200xi32, #tpu.memory_space<hbm>> -> memref<1600xi32, #tpu.memory_space<hbm>>
      tpu.wait_dma2 semaphore(%run_scoped3A_880 : memref<!tpu.dma_semaphore, #tpu.memory_space<semaphore_mem>>) src(%dma_wait3A_896 : memref<1600xi32, #tpu.memory_space<hbm>>) dst(%dma_wait3A_895 : memref<1600xi32, #tpu.memory_space<vmem>>)
      tpu.yield
    }) : () -> ()
    %dma_start3A_458 = arith.constant 1 : i32
    %dma_start3A_459 = arith.constant 1 : i32
    %dma_start3A_460 = arith.constant 0 : i32
    %dma_start3A_461 = arith.constant 0 : i32
    %dma_start3A_462 = tpu.memref_slice %arg6[%dma_start3A_459, %dma_start3A_460, %dma_start3A_461] : memref<2x1600x32xf32, #tpu.memory_space<vmem>> -> memref<1x1600x32xf32, #tpu.memory_space<vmem>>
    %dma_start3A_463 = tpu.memref_squeeze %dma_start3A_462 : memref<1x1600x32xf32, #tpu.memory_space<vmem>> -> memref<1600x32xf32, #tpu.memory_space<vmem>>
    %dma_start3A_464 = arith.constant 0 : i32
    %dma_start3A_465 = tpu.memref_slice %arg5[%dma_start3A_458, %dma_start3A_464] : memref<2x1600xi32, #tpu.memory_space<vmem>> -> memref<1x1600xi32, #tpu.memory_space<vmem>>
    %dma_start3A_466 = tpu.memref_squeeze %dma_start3A_465 : memref<1x1600xi32, #tpu.memory_space<vmem>> -> memref<1600xi32, #tpu.memory_space<vmem>>
    %dma_start3A_467 = arith.constant 0 : i32
    %dma_start3A_468 = arith.constant 0 : i32
    %dma_start3A_469 = tpu.memref_slice %arg2[%dma_start3A_467, %dma_start3A_468] : memref<1000000x32xf32, #tpu.memory_space<hbm>> -> memref<1000000x32xf32, #tpu.memory_space<hbm>>
    tpu.enqueue_indirect_dma source(%dma_start3A_469 : memref<1000000x32xf32, #tpu.memory_space<hbm>>) target(%dma_start3A_463 : memref<1600x32xf32, #tpu.memory_space<vmem>>) offsets(%dma_start3A_466 : memref<1600xi32, #tpu.memory_space<vmem>>) semaphore(%arg8 : memref<!tpu.dma_semaphore, #tpu.memory_space<semaphore_mem>>)
    %dma_wait3A_470 = arith.constant 0 : i32
    %dma_wait3A_471 = arith.constant 0 : i32
    %dma_wait3A_472 = arith.constant 0 : i32
    %dma_wait3A_473 = arith.constant 0 : i32
    %dma_wait3A_474 = tpu.memref_slice %arg6[%dma_wait3A_471, %dma_wait3A_472, %dma_wait3A_473] : memref<2x1600x32xf32, #tpu.memory_space<vmem>> -> memref<1x1600x32xf32, #tpu.memory_space<vmem>>
    %dma_wait3A_475 = tpu.memref_squeeze %dma_wait3A_474 : memref<1x1600x32xf32, #tpu.memory_space<vmem>> -> memref<1600x32xf32, #tpu.memory_space<vmem>>
    %dma_wait3A_476 = arith.constant 0 : i32
    %dma_wait3A_477 = tpu.memref_slice %arg5[%dma_wait3A_470, %dma_wait3A_476] : memref<2x1600xi32, #tpu.memory_space<vmem>> -> memref<1x1600xi32, #tpu.memory_space<vmem>>
    %dma_wait3A_478 = tpu.memref_squeeze %dma_wait3A_477 : memref<1x1600xi32, #tpu.memory_space<vmem>> -> memref<1600xi32, #tpu.memory_space<vmem>>
    %dma_wait3A_479 = arith.constant 0 : i32
    %dma_wait3A_480 = arith.constant 0 : i32
    %dma_wait3A_481 = tpu.memref_slice %arg2[%dma_wait3A_479, %dma_wait3A_480] : memref<1000000x32xf32, #tpu.memory_space<hbm>> -> memref<1000000x32xf32, #tpu.memory_space<hbm>>
    tpu.wait_indirect_dma semaphore(%arg7 : memref<!tpu.dma_semaphore, #tpu.memory_space<semaphore_mem>>) src(%dma_wait3A_481 : memref<1000000x32xf32, #tpu.memory_space<hbm>>) dst(%dma_wait3A_475 : memref<1600x32xf32, #tpu.memory_space<vmem>>)
    %add3A_482 = arith.constant 12800 : i32
    %add3A_483 = arith.addi %mul3A_2, %add3A_482 : i32
    %dma_start3A_484 = arith.constant 0 : i32
    %dma_start3A_485 = arith.constant 0 : i32
    %dma_start3A_486 = arith.constant 0 : i32
    %dma_start3A_487 = tpu.memref_slice %arg6[%dma_start3A_484, %dma_start3A_485, %dma_start3A_486] : memref<2x1600x32xf32, #tpu.memory_space<vmem>> -> memref<1x1600x32xf32, #tpu.memory_space<vmem>>
    %dma_start3A_488 = tpu.memref_squeeze %dma_start3A_487 : memref<1x1600x32xf32, #tpu.memory_space<vmem>> -> memref<1600x32xf32, #tpu.memory_space<vmem>>
    %dma_start3A_489 = arith.constant 0 : i32
    %dma_start3A_490 = tpu.memref_slice %arg4[%add3A_483, %dma_start3A_489] : memref<819200x32xf32, #tpu.memory_space<hbm>> -> memref<1600x32xf32, #tpu.memory_space<hbm>>
    %dma_start3A_491 = arith.constant 0 : i32
    %dma_start3A_492 = tpu.memref_slice %arg4[%add3A_483, %dma_start3A_491] : memref<819200x32xf32, #tpu.memory_space<hbm>> -> memref<1600x32xf32, #tpu.memory_space<hbm>>
    %dma_start3A_493 = arith.constant 0 : i32
    %dma_start3A_494 = arith.constant 0 : i32
    %dma_start3A_495 = tpu.memref_slice %arg6[%dma_start3A_484, %dma_start3A_493, %dma_start3A_494] : memref<2x1600x32xf32, #tpu.memory_space<vmem>> -> memref<1x1600x32xf32, #tpu.memory_space<vmem>>
    %dma_start3A_496 = tpu.memref_squeeze %dma_start3A_495 : memref<1x1600x32xf32, #tpu.memory_space<vmem>> -> memref<1600x32xf32, #tpu.memory_space<vmem>>
    tpu.enqueue_dma source(%dma_start3A_496 : memref<1600x32xf32, #tpu.memory_space<vmem>>) target(%dma_start3A_492 : memref<1600x32xf32, #tpu.memory_space<hbm>>) target_semaphore(%arg9 : memref<!tpu.dma_semaphore, #tpu.memory_space<semaphore_mem>>)
    %add3A_497 = arith.constant 16000 : i32
    %add3A_498 = arith.addi %mul3A_2, %add3A_497 : i32
    %dma_wait3A_499 = arith.constant 0 : i32
    %dma_wait3A_500 = arith.constant 0 : i32
    %dma_wait3A_501 = arith.constant 0 : i32
    %dma_wait3A_502 = tpu.memref_slice %arg6[%dma_wait3A_499, %dma_wait3A_500, %dma_wait3A_501] : memref<2x1600x32xf32, #tpu.memory_space<vmem>> -> memref<1x1600x32xf32, #tpu.memory_space<vmem>>
    %dma_wait3A_503 = tpu.memref_squeeze %dma_wait3A_502 : memref<1x1600x32xf32, #tpu.memory_space<vmem>> -> memref<1600x32xf32, #tpu.memory_space<vmem>>
    %dma_wait3A_504 = arith.constant 0 : i32
    %dma_wait3A_505 = tpu.memref_slice %arg4[%add3A_483, %dma_wait3A_504] : memref<819200x32xf32, #tpu.memory_space<hbm>> -> memref<1600x32xf32, #tpu.memory_space<hbm>>
    %dma_wait3A_506 = arith.constant 0 : i32
    %dma_wait3A_507 = tpu.memref_slice %arg4[%add3A_483, %dma_wait3A_506] : memref<819200x32xf32, #tpu.memory_space<hbm>> -> memref<1600x32xf32, #tpu.memory_space<hbm>>
    %dma_wait3A_508 = arith.constant 0 : i32
    %dma_wait3A_509 = arith.constant 0 : i32
    %dma_wait3A_510 = tpu.memref_slice %arg6[%dma_wait3A_499, %dma_wait3A_508, %dma_wait3A_509] : memref<2x1600x32xf32, #tpu.memory_space<vmem>> -> memref<1x1600x32xf32, #tpu.memory_space<vmem>>
    %dma_wait3A_511 = tpu.memref_squeeze %dma_wait3A_510 : memref<1x1600x32xf32, #tpu.memory_space<vmem>> -> memref<1600x32xf32, #tpu.memory_space<vmem>>
    tpu.wait_dma2 semaphore(%arg9 : memref<!tpu.dma_semaphore, #tpu.memory_space<semaphore_mem>>) src(%dma_wait3A_511 : memref<1600x32xf32, #tpu.memory_space<vmem>>) dst(%dma_wait3A_507 : memref<1600x32xf32, #tpu.memory_space<hbm>>)
    %run_scoped3A_512 = arith.constant 0 : i32
    "tpu.region"() ({
      %run_scoped3A_880 = tpu.sem_alloc : memref<!tpu.dma_semaphore, #tpu.memory_space<semaphore_mem>>
      %dma_start3A_881 = arith.constant 0 : i32
      %dma_start3A_882 = tpu.memref_slice %arg5[%run_scoped3A_512, %dma_start3A_881] : memref<2x1600xi32, #tpu.memory_space<vmem>> -> memref<1x1600xi32, #tpu.memory_space<vmem>>
      %dma_start3A_883 = tpu.memref_squeeze %dma_start3A_882 : memref<1x1600xi32, #tpu.memory_space<vmem>> -> memref<1600xi32, #tpu.memory_space<vmem>>
      %dma_start3A_884 = tpu.memref_slice %arg3[%add3A_498] : memref<819200xi32, #tpu.memory_space<hbm>> -> memref<1600xi32, #tpu.memory_space<hbm>>
      %dma_start3A_885 = arith.constant 0 : i32
      %dma_start3A_886 = tpu.memref_slice %arg5[%run_scoped3A_512, %dma_start3A_885] : memref<2x1600xi32, #tpu.memory_space<vmem>> -> memref<1x1600xi32, #tpu.memory_space<vmem>>
      %dma_start3A_887 = tpu.memref_squeeze %dma_start3A_886 : memref<1x1600xi32, #tpu.memory_space<vmem>> -> memref<1600xi32, #tpu.memory_space<vmem>>
      %dma_start3A_888 = tpu.memref_slice %arg3[%add3A_498] : memref<819200xi32, #tpu.memory_space<hbm>> -> memref<1600xi32, #tpu.memory_space<hbm>>
      tpu.enqueue_dma source(%dma_start3A_888 : memref<1600xi32, #tpu.memory_space<hbm>>) target(%dma_start3A_887 : memref<1600xi32, #tpu.memory_space<vmem>>) target_semaphore(%run_scoped3A_880 : memref<!tpu.dma_semaphore, #tpu.memory_space<semaphore_mem>>)
      %dma_wait3A_889 = arith.constant 0 : i32
      %dma_wait3A_890 = tpu.memref_slice %arg5[%run_scoped3A_512, %dma_wait3A_889] : memref<2x1600xi32, #tpu.memory_space<vmem>> -> memref<1x1600xi32, #tpu.memory_space<vmem>>
      %dma_wait3A_891 = tpu.memref_squeeze %dma_wait3A_890 : memref<1x1600xi32, #tpu.memory_space<vmem>> -> memref<1600xi32, #tpu.memory_space<vmem>>
      %dma_wait3A_892 = tpu.memref_slice %arg3[%add3A_498] : memref<819200xi32, #tpu.memory_space<hbm>> -> memref<1600xi32, #tpu.memory_space<hbm>>
      %dma_wait3A_893 = arith.constant 0 : i32
      %dma_wait3A_894 = tpu.memref_slice %arg5[%run_scoped3A_512, %dma_wait3A_893] : memref<2x1600xi32, #tpu.memory_space<vmem>> -> memref<1x1600xi32, #tpu.memory_space<vmem>>
      %dma_wait3A_895 = tpu.memref_squeeze %dma_wait3A_894 : memref<1x1600xi32, #tpu.memory_space<vmem>> -> memref<1600xi32, #tpu.memory_space<vmem>>
      %dma_wait3A_896 = tpu.memref_slice %arg3[%add3A_498] : memref<819200xi32, #tpu.memory_space<hbm>> -> memref<1600xi32, #tpu.memory_space<hbm>>
      tpu.wait_dma2 semaphore(%run_scoped3A_880 : memref<!tpu.dma_semaphore, #tpu.memory_space<semaphore_mem>>) src(%dma_wait3A_896 : memref<1600xi32, #tpu.memory_space<hbm>>) dst(%dma_wait3A_895 : memref<1600xi32, #tpu.memory_space<vmem>>)
      tpu.yield
    }) : () -> ()
    %dma_start3A_513 = arith.constant 0 : i32
    %dma_start3A_514 = arith.constant 0 : i32
    %dma_start3A_515 = arith.constant 0 : i32
    %dma_start3A_516 = arith.constant 0 : i32
    %dma_start3A_517 = tpu.memref_slice %arg6[%dma_start3A_514, %dma_start3A_515, %dma_start3A_516] : memref<2x1600x32xf32, #tpu.memory_space<vmem>> -> memref<1x1600x32xf32, #tpu.memory_space<vmem>>
    %dma_start3A_518 = tpu.memref_squeeze %dma_start3A_517 : memref<1x1600x32xf32, #tpu.memory_space<vmem>> -> memref<1600x32xf32, #tpu.memory_space<vmem>>
    %dma_start3A_519 = arith.constant 0 : i32
    %dma_start3A_520 = tpu.memref_slice %arg5[%dma_start3A_513, %dma_start3A_519] : memref<2x1600xi32, #tpu.memory_space<vmem>> -> memref<1x1600xi32, #tpu.memory_space<vmem>>
    %dma_start3A_521 = tpu.memref_squeeze %dma_start3A_520 : memref<1x1600xi32, #tpu.memory_space<vmem>> -> memref<1600xi32, #tpu.memory_space<vmem>>
    %dma_start3A_522 = arith.constant 0 : i32
    %dma_start3A_523 = arith.constant 0 : i32
    %dma_start3A_524 = tpu.memref_slice %arg2[%dma_start3A_522, %dma_start3A_523] : memref<1000000x32xf32, #tpu.memory_space<hbm>> -> memref<1000000x32xf32, #tpu.memory_space<hbm>>
    tpu.enqueue_indirect_dma source(%dma_start3A_524 : memref<1000000x32xf32, #tpu.memory_space<hbm>>) target(%dma_start3A_518 : memref<1600x32xf32, #tpu.memory_space<vmem>>) offsets(%dma_start3A_521 : memref<1600xi32, #tpu.memory_space<vmem>>) semaphore(%arg7 : memref<!tpu.dma_semaphore, #tpu.memory_space<semaphore_mem>>)
    %dma_wait3A_525 = arith.constant 1 : i32
    %dma_wait3A_526 = arith.constant 1 : i32
    %dma_wait3A_527 = arith.constant 0 : i32
    %dma_wait3A_528 = arith.constant 0 : i32
    %dma_wait3A_529 = tpu.memref_slice %arg6[%dma_wait3A_526, %dma_wait3A_527, %dma_wait3A_528] : memref<2x1600x32xf32, #tpu.memory_space<vmem>> -> memref<1x1600x32xf32, #tpu.memory_space<vmem>>
    %dma_wait3A_530 = tpu.memref_squeeze %dma_wait3A_529 : memref<1x1600x32xf32, #tpu.memory_space<vmem>> -> memref<1600x32xf32, #tpu.memory_space<vmem>>
    %dma_wait3A_531 = arith.constant 0 : i32
    %dma_wait3A_532 = tpu.memref_slice %arg5[%dma_wait3A_525, %dma_wait3A_531] : memref<2x1600xi32, #tpu.memory_space<vmem>> -> memref<1x1600xi32, #tpu.memory_space<vmem>>
    %dma_wait3A_533 = tpu.memref_squeeze %dma_wait3A_532 : memref<1x1600xi32, #tpu.memory_space<vmem>> -> memref<1600xi32, #tpu.memory_space<vmem>>
    %dma_wait3A_534 = arith.constant 0 : i32
    %dma_wait3A_535 = arith.constant 0 : i32
    %dma_wait3A_536 = tpu.memref_slice %arg2[%dma_wait3A_534, %dma_wait3A_535] : memref<1000000x32xf32, #tpu.memory_space<hbm>> -> memref<1000000x32xf32, #tpu.memory_space<hbm>>
    tpu.wait_indirect_dma semaphore(%arg8 : memref<!tpu.dma_semaphore, #tpu.memory_space<semaphore_mem>>) src(%dma_wait3A_536 : memref<1000000x32xf32, #tpu.memory_space<hbm>>) dst(%dma_wait3A_530 : memref<1600x32xf32, #tpu.memory_space<vmem>>)
    %add3A_537 = arith.constant 14400 : i32
    %add3A_538 = arith.addi %mul3A_2, %add3A_537 : i32
    %dma_start3A_539 = arith.constant 1 : i32
    %dma_start3A_540 = arith.constant 0 : i32
    %dma_start3A_541 = arith.constant 0 : i32
    %dma_start3A_542 = tpu.memref_slice %arg6[%dma_start3A_539, %dma_start3A_540, %dma_start3A_541] : memref<2x1600x32xf32, #tpu.memory_space<vmem>> -> memref<1x1600x32xf32, #tpu.memory_space<vmem>>
    %dma_start3A_543 = tpu.memref_squeeze %dma_start3A_542 : memref<1x1600x32xf32, #tpu.memory_space<vmem>> -> memref<1600x32xf32, #tpu.memory_space<vmem>>
    %dma_start3A_544 = arith.constant 0 : i32
    %dma_start3A_545 = tpu.memref_slice %arg4[%add3A_538, %dma_start3A_544] : memref<819200x32xf32, #tpu.memory_space<hbm>> -> memref<1600x32xf32, #tpu.memory_space<hbm>>
    %dma_start3A_546 = arith.constant 0 : i32
    %dma_start3A_547 = tpu.memref_slice %arg4[%add3A_538, %dma_start3A_546] : memref<819200x32xf32, #tpu.memory_space<hbm>> -> memref<1600x32xf32, #tpu.memory_space<hbm>>
    %dma_start3A_548 = arith.constant 0 : i32
    %dma_start3A_549 = arith.constant 0 : i32
    %dma_start3A_550 = tpu.memref_slice %arg6[%dma_start3A_539, %dma_start3A_548, %dma_start3A_549] : memref<2x1600x32xf32, #tpu.memory_space<vmem>> -> memref<1x1600x32xf32, #tpu.memory_space<vmem>>
    %dma_start3A_551 = tpu.memref_squeeze %dma_start3A_550 : memref<1x1600x32xf32, #tpu.memory_space<vmem>> -> memref<1600x32xf32, #tpu.memory_space<vmem>>
    tpu.enqueue_dma source(%dma_start3A_551 : memref<1600x32xf32, #tpu.memory_space<vmem>>) target(%dma_start3A_547 : memref<1600x32xf32, #tpu.memory_space<hbm>>) target_semaphore(%arg10 : memref<!tpu.dma_semaphore, #tpu.memory_space<semaphore_mem>>)
    %add3A_552 = arith.constant 17600 : i32
    %add3A_553 = arith.addi %mul3A_2, %add3A_552 : i32
    %dma_wait3A_554 = arith.constant 1 : i32
    %dma_wait3A_555 = arith.constant 0 : i32
    %dma_wait3A_556 = arith.constant 0 : i32
    %dma_wait3A_557 = tpu.memref_slice %arg6[%dma_wait3A_554, %dma_wait3A_555, %dma_wait3A_556] : memref<2x1600x32xf32, #tpu.memory_space<vmem>> -> memref<1x1600x32xf32, #tpu.memory_space<vmem>>
    %dma_wait3A_558 = tpu.memref_squeeze %dma_wait3A_557 : memref<1x1600x32xf32, #tpu.memory_space<vmem>> -> memref<1600x32xf32, #tpu.memory_space<vmem>>
    %dma_wait3A_559 = arith.constant 0 : i32
    %dma_wait3A_560 = tpu.memref_slice %arg4[%add3A_538, %dma_wait3A_559] : memref<819200x32xf32, #tpu.memory_space<hbm>> -> memref<1600x32xf32, #tpu.memory_space<hbm>>
    %dma_wait3A_561 = arith.constant 0 : i32
    %dma_wait3A_562 = tpu.memref_slice %arg4[%add3A_538, %dma_wait3A_561] : memref<819200x32xf32, #tpu.memory_space<hbm>> -> memref<1600x32xf32, #tpu.memory_space<hbm>>
    %dma_wait3A_563 = arith.constant 0 : i32
    %dma_wait3A_564 = arith.constant 0 : i32
    %dma_wait3A_565 = tpu.memref_slice %arg6[%dma_wait3A_554, %dma_wait3A_563, %dma_wait3A_564] : memref<2x1600x32xf32, #tpu.memory_space<vmem>> -> memref<1x1600x32xf32, #tpu.memory_space<vmem>>
    %dma_wait3A_566 = tpu.memref_squeeze %dma_wait3A_565 : memref<1x1600x32xf32, #tpu.memory_space<vmem>> -> memref<1600x32xf32, #tpu.memory_space<vmem>>
    tpu.wait_dma2 semaphore(%arg10 : memref<!tpu.dma_semaphore, #tpu.memory_space<semaphore_mem>>) src(%dma_wait3A_566 : memref<1600x32xf32, #tpu.memory_space<vmem>>) dst(%dma_wait3A_562 : memref<1600x32xf32, #tpu.memory_space<hbm>>)
    %run_scoped3A_567 = arith.constant 1 : i32
    "tpu.region"() ({
      %run_scoped3A_880 = tpu.sem_alloc : memref<!tpu.dma_semaphore, #tpu.memory_space<semaphore_mem>>
      %dma_start3A_881 = arith.constant 0 : i32
      %dma_start3A_882 = tpu.memref_slice %arg5[%run_scoped3A_567, %dma_start3A_881] : memref<2x1600xi32, #tpu.memory_space<vmem>> -> memref<1x1600xi32, #tpu.memory_space<vmem>>
      %dma_start3A_883 = tpu.memref_squeeze %dma_start3A_882 : memref<1x1600xi32, #tpu.memory_space<vmem>> -> memref<1600xi32, #tpu.memory_space<vmem>>
      %dma_start3A_884 = tpu.memref_slice %arg3[%add3A_553] : memref<819200xi32, #tpu.memory_space<hbm>> -> memref<1600xi32, #tpu.memory_space<hbm>>
      %dma_start3A_885 = arith.constant 0 : i32
      %dma_start3A_886 = tpu.memref_slice %arg5[%run_scoped3A_567, %dma_start3A_885] : memref<2x1600xi32, #tpu.memory_space<vmem>> -> memref<1x1600xi32, #tpu.memory_space<vmem>>
      %dma_start3A_887 = tpu.memref_squeeze %dma_start3A_886 : memref<1x1600xi32, #tpu.memory_space<vmem>> -> memref<1600xi32, #tpu.memory_space<vmem>>
      %dma_start3A_888 = tpu.memref_slice %arg3[%add3A_553] : memref<819200xi32, #tpu.memory_space<hbm>> -> memref<1600xi32, #tpu.memory_space<hbm>>
      tpu.enqueue_dma source(%dma_start3A_888 : memref<1600xi32, #tpu.memory_space<hbm>>) target(%dma_start3A_887 : memref<1600xi32, #tpu.memory_space<vmem>>) target_semaphore(%run_scoped3A_880 : memref<!tpu.dma_semaphore, #tpu.memory_space<semaphore_mem>>)
      %dma_wait3A_889 = arith.constant 0 : i32
      %dma_wait3A_890 = tpu.memref_slice %arg5[%run_scoped3A_567, %dma_wait3A_889] : memref<2x1600xi32, #tpu.memory_space<vmem>> -> memref<1x1600xi32, #tpu.memory_space<vmem>>
      %dma_wait3A_891 = tpu.memref_squeeze %dma_wait3A_890 : memref<1x1600xi32, #tpu.memory_space<vmem>> -> memref<1600xi32, #tpu.memory_space<vmem>>
      %dma_wait3A_892 = tpu.memref_slice %arg3[%add3A_553] : memref<819200xi32, #tpu.memory_space<hbm>> -> memref<1600xi32, #tpu.memory_space<hbm>>
      %dma_wait3A_893 = arith.constant 0 : i32
      %dma_wait3A_894 = tpu.memref_slice %arg5[%run_scoped3A_567, %dma_wait3A_893] : memref<2x1600xi32, #tpu.memory_space<vmem>> -> memref<1x1600xi32, #tpu.memory_space<vmem>>
      %dma_wait3A_895 = tpu.memref_squeeze %dma_wait3A_894 : memref<1x1600xi32, #tpu.memory_space<vmem>> -> memref<1600xi32, #tpu.memory_space<vmem>>
      %dma_wait3A_896 = tpu.memref_slice %arg3[%add3A_553] : memref<819200xi32, #tpu.memory_space<hbm>> -> memref<1600xi32, #tpu.memory_space<hbm>>
      tpu.wait_dma2 semaphore(%run_scoped3A_880 : memref<!tpu.dma_semaphore, #tpu.memory_space<semaphore_mem>>) src(%dma_wait3A_896 : memref<1600xi32, #tpu.memory_space<hbm>>) dst(%dma_wait3A_895 : memref<1600xi32, #tpu.memory_space<vmem>>)
      tpu.yield
    }) : () -> ()
    %dma_start3A_568 = arith.constant 1 : i32
    %dma_start3A_569 = arith.constant 1 : i32
    %dma_start3A_570 = arith.constant 0 : i32
    %dma_start3A_571 = arith.constant 0 : i32
    %dma_start3A_572 = tpu.memref_slice %arg6[%dma_start3A_569, %dma_start3A_570, %dma_start3A_571] : memref<2x1600x32xf32, #tpu.memory_space<vmem>> -> memref<1x1600x32xf32, #tpu.memory_space<vmem>>
    %dma_start3A_573 = tpu.memref_squeeze %dma_start3A_572 : memref<1x1600x32xf32, #tpu.memory_space<vmem>> -> memref<1600x32xf32, #tpu.memory_space<vmem>>
    %dma_start3A_574 = arith.constant 0 : i32
    %dma_start3A_575 = tpu.memref_slice %arg5[%dma_start3A_568, %dma_start3A_574] : memref<2x1600xi32, #tpu.memory_space<vmem>> -> memref<1x1600xi32, #tpu.memory_space<vmem>>
    %dma_start3A_576 = tpu.memref_squeeze %dma_start3A_575 : memref<1x1600xi32, #tpu.memory_space<vmem>> -> memref<1600xi32, #tpu.memory_space<vmem>>
    %dma_start3A_577 = arith.constant 0 : i32
    %dma_start3A_578 = arith.constant 0 : i32
    %dma_start3A_579 = tpu.memref_slice %arg2[%dma_start3A_577, %dma_start3A_578] : memref<1000000x32xf32, #tpu.memory_space<hbm>> -> memref<1000000x32xf32, #tpu.memory_space<hbm>>
    tpu.enqueue_indirect_dma source(%dma_start3A_579 : memref<1000000x32xf32, #tpu.memory_space<hbm>>) target(%dma_start3A_573 : memref<1600x32xf32, #tpu.memory_space<vmem>>) offsets(%dma_start3A_576 : memref<1600xi32, #tpu.memory_space<vmem>>) semaphore(%arg8 : memref<!tpu.dma_semaphore, #tpu.memory_space<semaphore_mem>>)
    %dma_wait3A_580 = arith.constant 0 : i32
    %dma_wait3A_581 = arith.constant 0 : i32
    %dma_wait3A_582 = arith.constant 0 : i32
    %dma_wait3A_583 = arith.constant 0 : i32
    %dma_wait3A_584 = tpu.memref_slice %arg6[%dma_wait3A_581, %dma_wait3A_582, %dma_wait3A_583] : memref<2x1600x32xf32, #tpu.memory_space<vmem>> -> memref<1x1600x32xf32, #tpu.memory_space<vmem>>
    %dma_wait3A_585 = tpu.memref_squeeze %dma_wait3A_584 : memref<1x1600x32xf32, #tpu.memory_space<vmem>> -> memref<1600x32xf32, #tpu.memory_space<vmem>>
    %dma_wait3A_586 = arith.constant 0 : i32
    %dma_wait3A_587 = tpu.memref_slice %arg5[%dma_wait3A_580, %dma_wait3A_586] : memref<2x1600xi32, #tpu.memory_space<vmem>> -> memref<1x1600xi32, #tpu.memory_space<vmem>>
    %dma_wait3A_588 = tpu.memref_squeeze %dma_wait3A_587 : memref<1x1600xi32, #tpu.memory_space<vmem>> -> memref<1600xi32, #tpu.memory_space<vmem>>
    %dma_wait3A_589 = arith.constant 0 : i32
    %dma_wait3A_590 = arith.constant 0 : i32
    %dma_wait3A_591 = tpu.memref_slice %arg2[%dma_wait3A_589, %dma_wait3A_590] : memref<1000000x32xf32, #tpu.memory_space<hbm>> -> memref<1000000x32xf32, #tpu.memory_space<hbm>>
    tpu.wait_indirect_dma semaphore(%arg7 : memref<!tpu.dma_semaphore, #tpu.memory_space<semaphore_mem>>) src(%dma_wait3A_591 : memref<1000000x32xf32, #tpu.memory_space<hbm>>) dst(%dma_wait3A_585 : memref<1600x32xf32, #tpu.memory_space<vmem>>)
    %add3A_592 = arith.constant 16000 : i32
    %add3A_593 = arith.addi %mul3A_2, %add3A_592 : i32
    %dma_start3A_594 = arith.constant 0 : i32
    %dma_start3A_595 = arith.constant 0 : i32
    %dma_start3A_596 = arith.constant 0 : i32
    %dma_start3A_597 = tpu.memref_slice %arg6[%dma_start3A_594, %dma_start3A_595, %dma_start3A_596] : memref<2x1600x32xf32, #tpu.memory_space<vmem>> -> memref<1x1600x32xf32, #tpu.memory_space<vmem>>
    %dma_start3A_598 = tpu.memref_squeeze %dma_start3A_597 : memref<1x1600x32xf32, #tpu.memory_space<vmem>> -> memref<1600x32xf32, #tpu.memory_space<vmem>>
    %dma_start3A_599 = arith.constant 0 : i32
    %dma_start3A_600 = tpu.memref_slice %arg4[%add3A_593, %dma_start3A_599] : memref<819200x32xf32, #tpu.memory_space<hbm>> -> memref<1600x32xf32, #tpu.memory_space<hbm>>
    %dma_start3A_601 = arith.constant 0 : i32
    %dma_start3A_602 = tpu.memref_slice %arg4[%add3A_593, %dma_start3A_601] : memref<819200x32xf32, #tpu.memory_space<hbm>> -> memref<1600x32xf32, #tpu.memory_space<hbm>>
    %dma_start3A_603 = arith.constant 0 : i32
    %dma_start3A_604 = arith.constant 0 : i32
    %dma_start3A_605 = tpu.memref_slice %arg6[%dma_start3A_594, %dma_start3A_603, %dma_start3A_604] : memref<2x1600x32xf32, #tpu.memory_space<vmem>> -> memref<1x1600x32xf32, #tpu.memory_space<vmem>>
    %dma_start3A_606 = tpu.memref_squeeze %dma_start3A_605 : memref<1x1600x32xf32, #tpu.memory_space<vmem>> -> memref<1600x32xf32, #tpu.memory_space<vmem>>
    tpu.enqueue_dma source(%dma_start3A_606 : memref<1600x32xf32, #tpu.memory_space<vmem>>) target(%dma_start3A_602 : memref<1600x32xf32, #tpu.memory_space<hbm>>) target_semaphore(%arg9 : memref<!tpu.dma_semaphore, #tpu.memory_space<semaphore_mem>>)
    %add3A_607 = arith.constant 19200 : i32
    %add3A_608 = arith.addi %mul3A_2, %add3A_607 : i32
    %dma_wait3A_609 = arith.constant 0 : i32
    %dma_wait3A_610 = arith.constant 0 : i32
    %dma_wait3A_611 = arith.constant 0 : i32
    %dma_wait3A_612 = tpu.memref_slice %arg6[%dma_wait3A_609, %dma_wait3A_610, %dma_wait3A_611] : memref<2x1600x32xf32, #tpu.memory_space<vmem>> -> memref<1x1600x32xf32, #tpu.memory_space<vmem>>
    %dma_wait3A_613 = tpu.memref_squeeze %dma_wait3A_612 : memref<1x1600x32xf32, #tpu.memory_space<vmem>> -> memref<1600x32xf32, #tpu.memory_space<vmem>>
    %dma_wait3A_614 = arith.constant 0 : i32
    %dma_wait3A_615 = tpu.memref_slice %arg4[%add3A_593, %dma_wait3A_614] : memref<819200x32xf32, #tpu.memory_space<hbm>> -> memref<1600x32xf32, #tpu.memory_space<hbm>>
    %dma_wait3A_616 = arith.constant 0 : i32
    %dma_wait3A_617 = tpu.memref_slice %arg4[%add3A_593, %dma_wait3A_616] : memref<819200x32xf32, #tpu.memory_space<hbm>> -> memref<1600x32xf32, #tpu.memory_space<hbm>>
    %dma_wait3A_618 = arith.constant 0 : i32
    %dma_wait3A_619 = arith.constant 0 : i32
    %dma_wait3A_620 = tpu.memref_slice %arg6[%dma_wait3A_609, %dma_wait3A_618, %dma_wait3A_619] : memref<2x1600x32xf32, #tpu.memory_space<vmem>> -> memref<1x1600x32xf32, #tpu.memory_space<vmem>>
    %dma_wait3A_621 = tpu.memref_squeeze %dma_wait3A_620 : memref<1x1600x32xf32, #tpu.memory_space<vmem>> -> memref<1600x32xf32, #tpu.memory_space<vmem>>
    tpu.wait_dma2 semaphore(%arg9 : memref<!tpu.dma_semaphore, #tpu.memory_space<semaphore_mem>>) src(%dma_wait3A_621 : memref<1600x32xf32, #tpu.memory_space<vmem>>) dst(%dma_wait3A_617 : memref<1600x32xf32, #tpu.memory_space<hbm>>)
    %run_scoped3A_622 = arith.constant 0 : i32
    "tpu.region"() ({
      %run_scoped3A_880 = tpu.sem_alloc : memref<!tpu.dma_semaphore, #tpu.memory_space<semaphore_mem>>
      %dma_start3A_881 = arith.constant 0 : i32
      %dma_start3A_882 = tpu.memref_slice %arg5[%run_scoped3A_622, %dma_start3A_881] : memref<2x1600xi32, #tpu.memory_space<vmem>> -> memref<1x1600xi32, #tpu.memory_space<vmem>>
      %dma_start3A_883 = tpu.memref_squeeze %dma_start3A_882 : memref<1x1600xi32, #tpu.memory_space<vmem>> -> memref<1600xi32, #tpu.memory_space<vmem>>
      %dma_start3A_884 = tpu.memref_slice %arg3[%add3A_608] : memref<819200xi32, #tpu.memory_space<hbm>> -> memref<1600xi32, #tpu.memory_space<hbm>>
      %dma_start3A_885 = arith.constant 0 : i32
      %dma_start3A_886 = tpu.memref_slice %arg5[%run_scoped3A_622, %dma_start3A_885] : memref<2x1600xi32, #tpu.memory_space<vmem>> -> memref<1x1600xi32, #tpu.memory_space<vmem>>
      %dma_start3A_887 = tpu.memref_squeeze %dma_start3A_886 : memref<1x1600xi32, #tpu.memory_space<vmem>> -> memref<1600xi32, #tpu.memory_space<vmem>>
      %dma_start3A_888 = tpu.memref_slice %arg3[%add3A_608] : memref<819200xi32, #tpu.memory_space<hbm>> -> memref<1600xi32, #tpu.memory_space<hbm>>
      tpu.enqueue_dma source(%dma_start3A_888 : memref<1600xi32, #tpu.memory_space<hbm>>) target(%dma_start3A_887 : memref<1600xi32, #tpu.memory_space<vmem>>) target_semaphore(%run_scoped3A_880 : memref<!tpu.dma_semaphore, #tpu.memory_space<semaphore_mem>>)
      %dma_wait3A_889 = arith.constant 0 : i32
      %dma_wait3A_890 = tpu.memref_slice %arg5[%run_scoped3A_622, %dma_wait3A_889] : memref<2x1600xi32, #tpu.memory_space<vmem>> -> memref<1x1600xi32, #tpu.memory_space<vmem>>
      %dma_wait3A_891 = tpu.memref_squeeze %dma_wait3A_890 : memref<1x1600xi32, #tpu.memory_space<vmem>> -> memref<1600xi32, #tpu.memory_space<vmem>>
      %dma_wait3A_892 = tpu.memref_slice %arg3[%add3A_608] : memref<819200xi32, #tpu.memory_space<hbm>> -> memref<1600xi32, #tpu.memory_space<hbm>>
      %dma_wait3A_893 = arith.constant 0 : i32
      %dma_wait3A_894 = tpu.memref_slice %arg5[%run_scoped3A_622, %dma_wait3A_893] : memref<2x1600xi32, #tpu.memory_space<vmem>> -> memref<1x1600xi32, #tpu.memory_space<vmem>>
      %dma_wait3A_895 = tpu.memref_squeeze %dma_wait3A_894 : memref<1x1600xi32, #tpu.memory_space<vmem>> -> memref<1600xi32, #tpu.memory_space<vmem>>
      %dma_wait3A_896 = tpu.memref_slice %arg3[%add3A_608] : memref<819200xi32, #tpu.memory_space<hbm>> -> memref<1600xi32, #tpu.memory_space<hbm>>
      tpu.wait_dma2 semaphore(%run_scoped3A_880 : memref<!tpu.dma_semaphore, #tpu.memory_space<semaphore_mem>>) src(%dma_wait3A_896 : memref<1600xi32, #tpu.memory_space<hbm>>) dst(%dma_wait3A_895 : memref<1600xi32, #tpu.memory_space<vmem>>)
      tpu.yield
    }) : () -> ()
    %dma_start3A_623 = arith.constant 0 : i32
    %dma_start3A_624 = arith.constant 0 : i32
    %dma_start3A_625 = arith.constant 0 : i32
    %dma_start3A_626 = arith.constant 0 : i32
    %dma_start3A_627 = tpu.memref_slice %arg6[%dma_start3A_624, %dma_start3A_625, %dma_start3A_626] : memref<2x1600x32xf32, #tpu.memory_space<vmem>> -> memref<1x1600x32xf32, #tpu.memory_space<vmem>>
    %dma_start3A_628 = tpu.memref_squeeze %dma_start3A_627 : memref<1x1600x32xf32, #tpu.memory_space<vmem>> -> memref<1600x32xf32, #tpu.memory_space<vmem>>
    %dma_start3A_629 = arith.constant 0 : i32
    %dma_start3A_630 = tpu.memref_slice %arg5[%dma_start3A_623, %dma_start3A_629] : memref<2x1600xi32, #tpu.memory_space<vmem>> -> memref<1x1600xi32, #tpu.memory_space<vmem>>
    %dma_start3A_631 = tpu.memref_squeeze %dma_start3A_630 : memref<1x1600xi32, #tpu.memory_space<vmem>> -> memref<1600xi32, #tpu.memory_space<vmem>>
    %dma_start3A_632 = arith.constant 0 : i32
    %dma_start3A_633 = arith.constant 0 : i32
    %dma_start3A_634 = tpu.memref_slice %arg2[%dma_start3A_632, %dma_start3A_633] : memref<1000000x32xf32, #tpu.memory_space<hbm>> -> memref<1000000x32xf32, #tpu.memory_space<hbm>>
    tpu.enqueue_indirect_dma source(%dma_start3A_634 : memref<1000000x32xf32, #tpu.memory_space<hbm>>) target(%dma_start3A_628 : memref<1600x32xf32, #tpu.memory_space<vmem>>) offsets(%dma_start3A_631 : memref<1600xi32, #tpu.memory_space<vmem>>) semaphore(%arg7 : memref<!tpu.dma_semaphore, #tpu.memory_space<semaphore_mem>>)
    %dma_wait3A_635 = arith.constant 1 : i32
    %dma_wait3A_636 = arith.constant 1 : i32
    %dma_wait3A_637 = arith.constant 0 : i32
    %dma_wait3A_638 = arith.constant 0 : i32
    %dma_wait3A_639 = tpu.memref_slice %arg6[%dma_wait3A_636, %dma_wait3A_637, %dma_wait3A_638] : memref<2x1600x32xf32, #tpu.memory_space<vmem>> -> memref<1x1600x32xf32, #tpu.memory_space<vmem>>
    %dma_wait3A_640 = tpu.memref_squeeze %dma_wait3A_639 : memref<1x1600x32xf32, #tpu.memory_space<vmem>> -> memref<1600x32xf32, #tpu.memory_space<vmem>>
    %dma_wait3A_641 = arith.constant 0 : i32
    %dma_wait3A_642 = tpu.memref_slice %arg5[%dma_wait3A_635, %dma_wait3A_641] : memref<2x1600xi32, #tpu.memory_space<vmem>> -> memref<1x1600xi32, #tpu.memory_space<vmem>>
    %dma_wait3A_643 = tpu.memref_squeeze %dma_wait3A_642 : memref<1x1600xi32, #tpu.memory_space<vmem>> -> memref<1600xi32, #tpu.memory_space<vmem>>
    %dma_wait3A_644 = arith.constant 0 : i32
    %dma_wait3A_645 = arith.constant 0 : i32
    %dma_wait3A_646 = tpu.memref_slice %arg2[%dma_wait3A_644, %dma_wait3A_645] : memref<1000000x32xf32, #tpu.memory_space<hbm>> -> memref<1000000x32xf32, #tpu.memory_space<hbm>>
    tpu.wait_indirect_dma semaphore(%arg8 : memref<!tpu.dma_semaphore, #tpu.memory_space<semaphore_mem>>) src(%dma_wait3A_646 : memref<1000000x32xf32, #tpu.memory_space<hbm>>) dst(%dma_wait3A_640 : memref<1600x32xf32, #tpu.memory_space<vmem>>)
    %add3A_647 = arith.constant 17600 : i32
    %add3A_648 = arith.addi %mul3A_2, %add3A_647 : i32
    %dma_start3A_649 = arith.constant 1 : i32
    %dma_start3A_650 = arith.constant 0 : i32
    %dma_start3A_651 = arith.constant 0 : i32
    %dma_start3A_652 = tpu.memref_slice %arg6[%dma_start3A_649, %dma_start3A_650, %dma_start3A_651] : memref<2x1600x32xf32, #tpu.memory_space<vmem>> -> memref<1x1600x32xf32, #tpu.memory_space<vmem>>
    %dma_start3A_653 = tpu.memref_squeeze %dma_start3A_652 : memref<1x1600x32xf32, #tpu.memory_space<vmem>> -> memref<1600x32xf32, #tpu.memory_space<vmem>>
    %dma_start3A_654 = arith.constant 0 : i32
    %dma_start3A_655 = tpu.memref_slice %arg4[%add3A_648, %dma_start3A_654] : memref<819200x32xf32, #tpu.memory_space<hbm>> -> memref<1600x32xf32, #tpu.memory_space<hbm>>
    %dma_start3A_656 = arith.constant 0 : i32
    %dma_start3A_657 = tpu.memref_slice %arg4[%add3A_648, %dma_start3A_656] : memref<819200x32xf32, #tpu.memory_space<hbm>> -> memref<1600x32xf32, #tpu.memory_space<hbm>>
    %dma_start3A_658 = arith.constant 0 : i32
    %dma_start3A_659 = arith.constant 0 : i32
    %dma_start3A_660 = tpu.memref_slice %arg6[%dma_start3A_649, %dma_start3A_658, %dma_start3A_659] : memref<2x1600x32xf32, #tpu.memory_space<vmem>> -> memref<1x1600x32xf32, #tpu.memory_space<vmem>>
    %dma_start3A_661 = tpu.memref_squeeze %dma_start3A_660 : memref<1x1600x32xf32, #tpu.memory_space<vmem>> -> memref<1600x32xf32, #tpu.memory_space<vmem>>
    tpu.enqueue_dma source(%dma_start3A_661 : memref<1600x32xf32, #tpu.memory_space<vmem>>) target(%dma_start3A_657 : memref<1600x32xf32, #tpu.memory_space<hbm>>) target_semaphore(%arg10 : memref<!tpu.dma_semaphore, #tpu.memory_space<semaphore_mem>>)
    %add3A_662 = arith.constant 20800 : i32
    %add3A_663 = arith.addi %mul3A_2, %add3A_662 : i32
    %dma_wait3A_664 = arith.constant 1 : i32
    %dma_wait3A_665 = arith.constant 0 : i32
    %dma_wait3A_666 = arith.constant 0 : i32
    %dma_wait3A_667 = tpu.memref_slice %arg6[%dma_wait3A_664, %dma_wait3A_665, %dma_wait3A_666] : memref<2x1600x32xf32, #tpu.memory_space<vmem>> -> memref<1x1600x32xf32, #tpu.memory_space<vmem>>
    %dma_wait3A_668 = tpu.memref_squeeze %dma_wait3A_667 : memref<1x1600x32xf32, #tpu.memory_space<vmem>> -> memref<1600x32xf32, #tpu.memory_space<vmem>>
    %dma_wait3A_669 = arith.constant 0 : i32
    %dma_wait3A_670 = tpu.memref_slice %arg4[%add3A_648, %dma_wait3A_669] : memref<819200x32xf32, #tpu.memory_space<hbm>> -> memref<1600x32xf32, #tpu.memory_space<hbm>>
    %dma_wait3A_671 = arith.constant 0 : i32
    %dma_wait3A_672 = tpu.memref_slice %arg4[%add3A_648, %dma_wait3A_671] : memref<819200x32xf32, #tpu.memory_space<hbm>> -> memref<1600x32xf32, #tpu.memory_space<hbm>>
    %dma_wait3A_673 = arith.constant 0 : i32
    %dma_wait3A_674 = arith.constant 0 : i32
    %dma_wait3A_675 = tpu.memref_slice %arg6[%dma_wait3A_664, %dma_wait3A_673, %dma_wait3A_674] : memref<2x1600x32xf32, #tpu.memory_space<vmem>> -> memref<1x1600x32xf32, #tpu.memory_space<vmem>>
    %dma_wait3A_676 = tpu.memref_squeeze %dma_wait3A_675 : memref<1x1600x32xf32, #tpu.memory_space<vmem>> -> memref<1600x32xf32, #tpu.memory_space<vmem>>
    tpu.wait_dma2 semaphore(%arg10 : memref<!tpu.dma_semaphore, #tpu.memory_space<semaphore_mem>>) src(%dma_wait3A_676 : memref<1600x32xf32, #tpu.memory_space<vmem>>) dst(%dma_wait3A_672 : memref<1600x32xf32, #tpu.memory_space<hbm>>)
    %run_scoped3A_677 = arith.constant 1 : i32
    "tpu.region"() ({
      %run_scoped3A_880 = tpu.sem_alloc : memref<!tpu.dma_semaphore, #tpu.memory_space<semaphore_mem>>
      %dma_start3A_881 = arith.constant 0 : i32
      %dma_start3A_882 = tpu.memref_slice %arg5[%run_scoped3A_677, %dma_start3A_881] : memref<2x1600xi32, #tpu.memory_space<vmem>> -> memref<1x1600xi32, #tpu.memory_space<vmem>>
      %dma_start3A_883 = tpu.memref_squeeze %dma_start3A_882 : memref<1x1600xi32, #tpu.memory_space<vmem>> -> memref<1600xi32, #tpu.memory_space<vmem>>
      %dma_start3A_884 = tpu.memref_slice %arg3[%add3A_663] : memref<819200xi32, #tpu.memory_space<hbm>> -> memref<1600xi32, #tpu.memory_space<hbm>>
      %dma_start3A_885 = arith.constant 0 : i32
      %dma_start3A_886 = tpu.memref_slice %arg5[%run_scoped3A_677, %dma_start3A_885] : memref<2x1600xi32, #tpu.memory_space<vmem>> -> memref<1x1600xi32, #tpu.memory_space<vmem>>
      %dma_start3A_887 = tpu.memref_squeeze %dma_start3A_886 : memref<1x1600xi32, #tpu.memory_space<vmem>> -> memref<1600xi32, #tpu.memory_space<vmem>>
      %dma_start3A_888 = tpu.memref_slice %arg3[%add3A_663] : memref<819200xi32, #tpu.memory_space<hbm>> -> memref<1600xi32, #tpu.memory_space<hbm>>
      tpu.enqueue_dma source(%dma_start3A_888 : memref<1600xi32, #tpu.memory_space<hbm>>) target(%dma_start3A_887 : memref<1600xi32, #tpu.memory_space<vmem>>) target_semaphore(%run_scoped3A_880 : memref<!tpu.dma_semaphore, #tpu.memory_space<semaphore_mem>>)
      %dma_wait3A_889 = arith.constant 0 : i32
      %dma_wait3A_890 = tpu.memref_slice %arg5[%run_scoped3A_677, %dma_wait3A_889] : memref<2x1600xi32, #tpu.memory_space<vmem>> -> memref<1x1600xi32, #tpu.memory_space<vmem>>
      %dma_wait3A_891 = tpu.memref_squeeze %dma_wait3A_890 : memref<1x1600xi32, #tpu.memory_space<vmem>> -> memref<1600xi32, #tpu.memory_space<vmem>>
      %dma_wait3A_892 = tpu.memref_slice %arg3[%add3A_663] : memref<819200xi32, #tpu.memory_space<hbm>> -> memref<1600xi32, #tpu.memory_space<hbm>>
      %dma_wait3A_893 = arith.constant 0 : i32
      %dma_wait3A_894 = tpu.memref_slice %arg5[%run_scoped3A_677, %dma_wait3A_893] : memref<2x1600xi32, #tpu.memory_space<vmem>> -> memref<1x1600xi32, #tpu.memory_space<vmem>>
      %dma_wait3A_895 = tpu.memref_squeeze %dma_wait3A_894 : memref<1x1600xi32, #tpu.memory_space<vmem>> -> memref<1600xi32, #tpu.memory_space<vmem>>
      %dma_wait3A_896 = tpu.memref_slice %arg3[%add3A_663] : memref<819200xi32, #tpu.memory_space<hbm>> -> memref<1600xi32, #tpu.memory_space<hbm>>
      tpu.wait_dma2 semaphore(%run_scoped3A_880 : memref<!tpu.dma_semaphore, #tpu.memory_space<semaphore_mem>>) src(%dma_wait3A_896 : memref<1600xi32, #tpu.memory_space<hbm>>) dst(%dma_wait3A_895 : memref<1600xi32, #tpu.memory_space<vmem>>)
      tpu.yield
    }) : () -> ()
    %dma_start3A_678 = arith.constant 1 : i32
    %dma_start3A_679 = arith.constant 1 : i32
    %dma_start3A_680 = arith.constant 0 : i32
    %dma_start3A_681 = arith.constant 0 : i32
    %dma_start3A_682 = tpu.memref_slice %arg6[%dma_start3A_679, %dma_start3A_680, %dma_start3A_681] : memref<2x1600x32xf32, #tpu.memory_space<vmem>> -> memref<1x1600x32xf32, #tpu.memory_space<vmem>>
    %dma_start3A_683 = tpu.memref_squeeze %dma_start3A_682 : memref<1x1600x32xf32, #tpu.memory_space<vmem>> -> memref<1600x32xf32, #tpu.memory_space<vmem>>
    %dma_start3A_684 = arith.constant 0 : i32
    %dma_start3A_685 = tpu.memref_slice %arg5[%dma_start3A_678, %dma_start3A_684] : memref<2x1600xi32, #tpu.memory_space<vmem>> -> memref<1x1600xi32, #tpu.memory_space<vmem>>
    %dma_start3A_686 = tpu.memref_squeeze %dma_start3A_685 : memref<1x1600xi32, #tpu.memory_space<vmem>> -> memref<1600xi32, #tpu.memory_space<vmem>>
    %dma_start3A_687 = arith.constant 0 : i32
    %dma_start3A_688 = arith.constant 0 : i32
    %dma_start3A_689 = tpu.memref_slice %arg2[%dma_start3A_687, %dma_start3A_688] : memref<1000000x32xf32, #tpu.memory_space<hbm>> -> memref<1000000x32xf32, #tpu.memory_space<hbm>>
    tpu.enqueue_indirect_dma source(%dma_start3A_689 : memref<1000000x32xf32, #tpu.memory_space<hbm>>) target(%dma_start3A_683 : memref<1600x32xf32, #tpu.memory_space<vmem>>) offsets(%dma_start3A_686 : memref<1600xi32, #tpu.memory_space<vmem>>) semaphore(%arg8 : memref<!tpu.dma_semaphore, #tpu.memory_space<semaphore_mem>>)
    %dma_wait3A_690 = arith.constant 0 : i32
    %dma_wait3A_691 = arith.constant 0 : i32
    %dma_wait3A_692 = arith.constant 0 : i32
    %dma_wait3A_693 = arith.constant 0 : i32
    %dma_wait3A_694 = tpu.memref_slice %arg6[%dma_wait3A_691, %dma_wait3A_692, %dma_wait3A_693] : memref<2x1600x32xf32, #tpu.memory_space<vmem>> -> memref<1x1600x32xf32, #tpu.memory_space<vmem>>
    %dma_wait3A_695 = tpu.memref_squeeze %dma_wait3A_694 : memref<1x1600x32xf32, #tpu.memory_space<vmem>> -> memref<1600x32xf32, #tpu.memory_space<vmem>>
    %dma_wait3A_696 = arith.constant 0 : i32
    %dma_wait3A_697 = tpu.memref_slice %arg5[%dma_wait3A_690, %dma_wait3A_696] : memref<2x1600xi32, #tpu.memory_space<vmem>> -> memref<1x1600xi32, #tpu.memory_space<vmem>>
    %dma_wait3A_698 = tpu.memref_squeeze %dma_wait3A_697 : memref<1x1600xi32, #tpu.memory_space<vmem>> -> memref<1600xi32, #tpu.memory_space<vmem>>
    %dma_wait3A_699 = arith.constant 0 : i32
    %dma_wait3A_700 = arith.constant 0 : i32
    %dma_wait3A_701 = tpu.memref_slice %arg2[%dma_wait3A_699, %dma_wait3A_700] : memref<1000000x32xf32, #tpu.memory_space<hbm>> -> memref<1000000x32xf32, #tpu.memory_space<hbm>>
    tpu.wait_indirect_dma semaphore(%arg7 : memref<!tpu.dma_semaphore, #tpu.memory_space<semaphore_mem>>) src(%dma_wait3A_701 : memref<1000000x32xf32, #tpu.memory_space<hbm>>) dst(%dma_wait3A_695 : memref<1600x32xf32, #tpu.memory_space<vmem>>)
    %add3A_702 = arith.constant 19200 : i32
    %add3A_703 = arith.addi %mul3A_2, %add3A_702 : i32
    %dma_start3A_704 = arith.constant 0 : i32
    %dma_start3A_705 = arith.constant 0 : i32
    %dma_start3A_706 = arith.constant 0 : i32
    %dma_start3A_707 = tpu.memref_slice %arg6[%dma_start3A_704, %dma_start3A_705, %dma_start3A_706] : memref<2x1600x32xf32, #tpu.memory_space<vmem>> -> memref<1x1600x32xf32, #tpu.memory_space<vmem>>
    %dma_start3A_708 = tpu.memref_squeeze %dma_start3A_707 : memref<1x1600x32xf32, #tpu.memory_space<vmem>> -> memref<1600x32xf32, #tpu.memory_space<vmem>>
    %dma_start3A_709 = arith.constant 0 : i32
    %dma_start3A_710 = tpu.memref_slice %arg4[%add3A_703, %dma_start3A_709] : memref<819200x32xf32, #tpu.memory_space<hbm>> -> memref<1600x32xf32, #tpu.memory_space<hbm>>
    %dma_start3A_711 = arith.constant 0 : i32
    %dma_start3A_712 = tpu.memref_slice %arg4[%add3A_703, %dma_start3A_711] : memref<819200x32xf32, #tpu.memory_space<hbm>> -> memref<1600x32xf32, #tpu.memory_space<hbm>>
    %dma_start3A_713 = arith.constant 0 : i32
    %dma_start3A_714 = arith.constant 0 : i32
    %dma_start3A_715 = tpu.memref_slice %arg6[%dma_start3A_704, %dma_start3A_713, %dma_start3A_714] : memref<2x1600x32xf32, #tpu.memory_space<vmem>> -> memref<1x1600x32xf32, #tpu.memory_space<vmem>>
    %dma_start3A_716 = tpu.memref_squeeze %dma_start3A_715 : memref<1x1600x32xf32, #tpu.memory_space<vmem>> -> memref<1600x32xf32, #tpu.memory_space<vmem>>
    tpu.enqueue_dma source(%dma_start3A_716 : memref<1600x32xf32, #tpu.memory_space<vmem>>) target(%dma_start3A_712 : memref<1600x32xf32, #tpu.memory_space<hbm>>) target_semaphore(%arg9 : memref<!tpu.dma_semaphore, #tpu.memory_space<semaphore_mem>>)
    %add3A_717 = arith.constant 22400 : i32
    %add3A_718 = arith.addi %mul3A_2, %add3A_717 : i32
    %dma_wait3A_719 = arith.constant 0 : i32
    %dma_wait3A_720 = arith.constant 0 : i32
    %dma_wait3A_721 = arith.constant 0 : i32
    %dma_wait3A_722 = tpu.memref_slice %arg6[%dma_wait3A_719, %dma_wait3A_720, %dma_wait3A_721] : memref<2x1600x32xf32, #tpu.memory_space<vmem>> -> memref<1x1600x32xf32, #tpu.memory_space<vmem>>
    %dma_wait3A_723 = tpu.memref_squeeze %dma_wait3A_722 : memref<1x1600x32xf32, #tpu.memory_space<vmem>> -> memref<1600x32xf32, #tpu.memory_space<vmem>>
    %dma_wait3A_724 = arith.constant 0 : i32
    %dma_wait3A_725 = tpu.memref_slice %arg4[%add3A_703, %dma_wait3A_724] : memref<819200x32xf32, #tpu.memory_space<hbm>> -> memref<1600x32xf32, #tpu.memory_space<hbm>>
    %dma_wait3A_726 = arith.constant 0 : i32
    %dma_wait3A_727 = tpu.memref_slice %arg4[%add3A_703, %dma_wait3A_726] : memref<819200x32xf32, #tpu.memory_space<hbm>> -> memref<1600x32xf32, #tpu.memory_space<hbm>>
    %dma_wait3A_728 = arith.constant 0 : i32
    %dma_wait3A_729 = arith.constant 0 : i32
    %dma_wait3A_730 = tpu.memref_slice %arg6[%dma_wait3A_719, %dma_wait3A_728, %dma_wait3A_729] : memref<2x1600x32xf32, #tpu.memory_space<vmem>> -> memref<1x1600x32xf32, #tpu.memory_space<vmem>>
    %dma_wait3A_731 = tpu.memref_squeeze %dma_wait3A_730 : memref<1x1600x32xf32, #tpu.memory_space<vmem>> -> memref<1600x32xf32, #tpu.memory_space<vmem>>
    tpu.wait_dma2 semaphore(%arg9 : memref<!tpu.dma_semaphore, #tpu.memory_space<semaphore_mem>>) src(%dma_wait3A_731 : memref<1600x32xf32, #tpu.memory_space<vmem>>) dst(%dma_wait3A_727 : memref<1600x32xf32, #tpu.memory_space<hbm>>)
    %run_scoped3A_732 = arith.constant 0 : i32
    "tpu.region"() ({
      %run_scoped3A_880 = tpu.sem_alloc : memref<!tpu.dma_semaphore, #tpu.memory_space<semaphore_mem>>
      %dma_start3A_881 = arith.constant 0 : i32
      %dma_start3A_882 = tpu.memref_slice %arg5[%run_scoped3A_732, %dma_start3A_881] : memref<2x1600xi32, #tpu.memory_space<vmem>> -> memref<1x1600xi32, #tpu.memory_space<vmem>>
      %dma_start3A_883 = tpu.memref_squeeze %dma_start3A_882 : memref<1x1600xi32, #tpu.memory_space<vmem>> -> memref<1600xi32, #tpu.memory_space<vmem>>
      %dma_start3A_884 = tpu.memref_slice %arg3[%add3A_718] : memref<819200xi32, #tpu.memory_space<hbm>> -> memref<1600xi32, #tpu.memory_space<hbm>>
      %dma_start3A_885 = arith.constant 0 : i32
      %dma_start3A_886 = tpu.memref_slice %arg5[%run_scoped3A_732, %dma_start3A_885] : memref<2x1600xi32, #tpu.memory_space<vmem>> -> memref<1x1600xi32, #tpu.memory_space<vmem>>
      %dma_start3A_887 = tpu.memref_squeeze %dma_start3A_886 : memref<1x1600xi32, #tpu.memory_space<vmem>> -> memref<1600xi32, #tpu.memory_space<vmem>>
      %dma_start3A_888 = tpu.memref_slice %arg3[%add3A_718] : memref<819200xi32, #tpu.memory_space<hbm>> -> memref<1600xi32, #tpu.memory_space<hbm>>
      tpu.enqueue_dma source(%dma_start3A_888 : memref<1600xi32, #tpu.memory_space<hbm>>) target(%dma_start3A_887 : memref<1600xi32, #tpu.memory_space<vmem>>) target_semaphore(%run_scoped3A_880 : memref<!tpu.dma_semaphore, #tpu.memory_space<semaphore_mem>>)
      %dma_wait3A_889 = arith.constant 0 : i32
      %dma_wait3A_890 = tpu.memref_slice %arg5[%run_scoped3A_732, %dma_wait3A_889] : memref<2x1600xi32, #tpu.memory_space<vmem>> -> memref<1x1600xi32, #tpu.memory_space<vmem>>
      %dma_wait3A_891 = tpu.memref_squeeze %dma_wait3A_890 : memref<1x1600xi32, #tpu.memory_space<vmem>> -> memref<1600xi32, #tpu.memory_space<vmem>>
      %dma_wait3A_892 = tpu.memref_slice %arg3[%add3A_718] : memref<819200xi32, #tpu.memory_space<hbm>> -> memref<1600xi32, #tpu.memory_space<hbm>>
      %dma_wait3A_893 = arith.constant 0 : i32
      %dma_wait3A_894 = tpu.memref_slice %arg5[%run_scoped3A_732, %dma_wait3A_893] : memref<2x1600xi32, #tpu.memory_space<vmem>> -> memref<1x1600xi32, #tpu.memory_space<vmem>>
      %dma_wait3A_895 = tpu.memref_squeeze %dma_wait3A_894 : memref<1x1600xi32, #tpu.memory_space<vmem>> -> memref<1600xi32, #tpu.memory_space<vmem>>
      %dma_wait3A_896 = tpu.memref_slice %arg3[%add3A_718] : memref<819200xi32, #tpu.memory_space<hbm>> -> memref<1600xi32, #tpu.memory_space<hbm>>
      tpu.wait_dma2 semaphore(%run_scoped3A_880 : memref<!tpu.dma_semaphore, #tpu.memory_space<semaphore_mem>>) src(%dma_wait3A_896 : memref<1600xi32, #tpu.memory_space<hbm>>) dst(%dma_wait3A_895 : memref<1600xi32, #tpu.memory_space<vmem>>)
      tpu.yield
    }) : () -> ()
    %dma_start3A_733 = arith.constant 0 : i32
    %dma_start3A_734 = arith.constant 0 : i32
    %dma_start3A_735 = arith.constant 0 : i32
    %dma_start3A_736 = arith.constant 0 : i32
    %dma_start3A_737 = tpu.memref_slice %arg6[%dma_start3A_734, %dma_start3A_735, %dma_start3A_736] : memref<2x1600x32xf32, #tpu.memory_space<vmem>> -> memref<1x1600x32xf32, #tpu.memory_space<vmem>>
    %dma_start3A_738 = tpu.memref_squeeze %dma_start3A_737 : memref<1x1600x32xf32, #tpu.memory_space<vmem>> -> memref<1600x32xf32, #tpu.memory_space<vmem>>
    %dma_start3A_739 = arith.constant 0 : i32
    %dma_start3A_740 = tpu.memref_slice %arg5[%dma_start3A_733, %dma_start3A_739] : memref<2x1600xi32, #tpu.memory_space<vmem>> -> memref<1x1600xi32, #tpu.memory_space<vmem>>
    %dma_start3A_741 = tpu.memref_squeeze %dma_start3A_740 : memref<1x1600xi32, #tpu.memory_space<vmem>> -> memref<1600xi32, #tpu.memory_space<vmem>>
    %dma_start3A_742 = arith.constant 0 : i32
    %dma_start3A_743 = arith.constant 0 : i32
    %dma_start3A_744 = tpu.memref_slice %arg2[%dma_start3A_742, %dma_start3A_743] : memref<1000000x32xf32, #tpu.memory_space<hbm>> -> memref<1000000x32xf32, #tpu.memory_space<hbm>>
    tpu.enqueue_indirect_dma source(%dma_start3A_744 : memref<1000000x32xf32, #tpu.memory_space<hbm>>) target(%dma_start3A_738 : memref<1600x32xf32, #tpu.memory_space<vmem>>) offsets(%dma_start3A_741 : memref<1600xi32, #tpu.memory_space<vmem>>) semaphore(%arg7 : memref<!tpu.dma_semaphore, #tpu.memory_space<semaphore_mem>>)
    %dma_wait3A_745 = arith.constant 1 : i32
    %dma_wait3A_746 = arith.constant 1 : i32
    %dma_wait3A_747 = arith.constant 0 : i32
    %dma_wait3A_748 = arith.constant 0 : i32
    %dma_wait3A_749 = tpu.memref_slice %arg6[%dma_wait3A_746, %dma_wait3A_747, %dma_wait3A_748] : memref<2x1600x32xf32, #tpu.memory_space<vmem>> -> memref<1x1600x32xf32, #tpu.memory_space<vmem>>
    %dma_wait3A_750 = tpu.memref_squeeze %dma_wait3A_749 : memref<1x1600x32xf32, #tpu.memory_space<vmem>> -> memref<1600x32xf32, #tpu.memory_space<vmem>>
    %dma_wait3A_751 = arith.constant 0 : i32
    %dma_wait3A_752 = tpu.memref_slice %arg5[%dma_wait3A_745, %dma_wait3A_751] : memref<2x1600xi32, #tpu.memory_space<vmem>> -> memref<1x1600xi32, #tpu.memory_space<vmem>>
    %dma_wait3A_753 = tpu.memref_squeeze %dma_wait3A_752 : memref<1x1600xi32, #tpu.memory_space<vmem>> -> memref<1600xi32, #tpu.memory_space<vmem>>
    %dma_wait3A_754 = arith.constant 0 : i32
    %dma_wait3A_755 = arith.constant 0 : i32
    %dma_wait3A_756 = tpu.memref_slice %arg2[%dma_wait3A_754, %dma_wait3A_755] : memref<1000000x32xf32, #tpu.memory_space<hbm>> -> memref<1000000x32xf32, #tpu.memory_space<hbm>>
    tpu.wait_indirect_dma semaphore(%arg8 : memref<!tpu.dma_semaphore, #tpu.memory_space<semaphore_mem>>) src(%dma_wait3A_756 : memref<1000000x32xf32, #tpu.memory_space<hbm>>) dst(%dma_wait3A_750 : memref<1600x32xf32, #tpu.memory_space<vmem>>)
    %add3A_757 = arith.constant 20800 : i32
    %add3A_758 = arith.addi %mul3A_2, %add3A_757 : i32
    %dma_start3A_759 = arith.constant 1 : i32
    %dma_start3A_760 = arith.constant 0 : i32
    %dma_start3A_761 = arith.constant 0 : i32
    %dma_start3A_762 = tpu.memref_slice %arg6[%dma_start3A_759, %dma_start3A_760, %dma_start3A_761] : memref<2x1600x32xf32, #tpu.memory_space<vmem>> -> memref<1x1600x32xf32, #tpu.memory_space<vmem>>
    %dma_start3A_763 = tpu.memref_squeeze %dma_start3A_762 : memref<1x1600x32xf32, #tpu.memory_space<vmem>> -> memref<1600x32xf32, #tpu.memory_space<vmem>>
    %dma_start3A_764 = arith.constant 0 : i32
    %dma_start3A_765 = tpu.memref_slice %arg4[%add3A_758, %dma_start3A_764] : memref<819200x32xf32, #tpu.memory_space<hbm>> -> memref<1600x32xf32, #tpu.memory_space<hbm>>
    %dma_start3A_766 = arith.constant 0 : i32
    %dma_start3A_767 = tpu.memref_slice %arg4[%add3A_758, %dma_start3A_766] : memref<819200x32xf32, #tpu.memory_space<hbm>> -> memref<1600x32xf32, #tpu.memory_space<hbm>>
    %dma_start3A_768 = arith.constant 0 : i32
    %dma_start3A_769 = arith.constant 0 : i32
    %dma_start3A_770 = tpu.memref_slice %arg6[%dma_start3A_759, %dma_start3A_768, %dma_start3A_769] : memref<2x1600x32xf32, #tpu.memory_space<vmem>> -> memref<1x1600x32xf32, #tpu.memory_space<vmem>>
    %dma_start3A_771 = tpu.memref_squeeze %dma_start3A_770 : memref<1x1600x32xf32, #tpu.memory_space<vmem>> -> memref<1600x32xf32, #tpu.memory_space<vmem>>
    tpu.enqueue_dma source(%dma_start3A_771 : memref<1600x32xf32, #tpu.memory_space<vmem>>) target(%dma_start3A_767 : memref<1600x32xf32, #tpu.memory_space<hbm>>) target_semaphore(%arg10 : memref<!tpu.dma_semaphore, #tpu.memory_space<semaphore_mem>>)
    %add3A_772 = arith.constant 24000 : i32
    %add3A_773 = arith.addi %mul3A_2, %add3A_772 : i32
    %dma_wait3A_774 = arith.constant 1 : i32
    %dma_wait3A_775 = arith.constant 0 : i32
    %dma_wait3A_776 = arith.constant 0 : i32
    %dma_wait3A_777 = tpu.memref_slice %arg6[%dma_wait3A_774, %dma_wait3A_775, %dma_wait3A_776] : memref<2x1600x32xf32, #tpu.memory_space<vmem>> -> memref<1x1600x32xf32, #tpu.memory_space<vmem>>
    %dma_wait3A_778 = tpu.memref_squeeze %dma_wait3A_777 : memref<1x1600x32xf32, #tpu.memory_space<vmem>> -> memref<1600x32xf32, #tpu.memory_space<vmem>>
    %dma_wait3A_779 = arith.constant 0 : i32
    %dma_wait3A_780 = tpu.memref_slice %arg4[%add3A_758, %dma_wait3A_779] : memref<819200x32xf32, #tpu.memory_space<hbm>> -> memref<1600x32xf32, #tpu.memory_space<hbm>>
    %dma_wait3A_781 = arith.constant 0 : i32
    %dma_wait3A_782 = tpu.memref_slice %arg4[%add3A_758, %dma_wait3A_781] : memref<819200x32xf32, #tpu.memory_space<hbm>> -> memref<1600x32xf32, #tpu.memory_space<hbm>>
    %dma_wait3A_783 = arith.constant 0 : i32
    %dma_wait3A_784 = arith.constant 0 : i32
    %dma_wait3A_785 = tpu.memref_slice %arg6[%dma_wait3A_774, %dma_wait3A_783, %dma_wait3A_784] : memref<2x1600x32xf32, #tpu.memory_space<vmem>> -> memref<1x1600x32xf32, #tpu.memory_space<vmem>>
    %dma_wait3A_786 = tpu.memref_squeeze %dma_wait3A_785 : memref<1x1600x32xf32, #tpu.memory_space<vmem>> -> memref<1600x32xf32, #tpu.memory_space<vmem>>
    tpu.wait_dma2 semaphore(%arg10 : memref<!tpu.dma_semaphore, #tpu.memory_space<semaphore_mem>>) src(%dma_wait3A_786 : memref<1600x32xf32, #tpu.memory_space<vmem>>) dst(%dma_wait3A_782 : memref<1600x32xf32, #tpu.memory_space<hbm>>)
    %run_scoped3A_787 = arith.constant 1 : i32
    "tpu.region"() ({
      %run_scoped3A_880 = tpu.sem_alloc : memref<!tpu.dma_semaphore, #tpu.memory_space<semaphore_mem>>
      %dma_start3A_881 = arith.constant 0 : i32
      %dma_start3A_882 = tpu.memref_slice %arg5[%run_scoped3A_787, %dma_start3A_881] : memref<2x1600xi32, #tpu.memory_space<vmem>> -> memref<1x1600xi32, #tpu.memory_space<vmem>>
      %dma_start3A_883 = tpu.memref_squeeze %dma_start3A_882 : memref<1x1600xi32, #tpu.memory_space<vmem>> -> memref<1600xi32, #tpu.memory_space<vmem>>
      %dma_start3A_884 = tpu.memref_slice %arg3[%add3A_773] : memref<819200xi32, #tpu.memory_space<hbm>> -> memref<1600xi32, #tpu.memory_space<hbm>>
      %dma_start3A_885 = arith.constant 0 : i32
      %dma_start3A_886 = tpu.memref_slice %arg5[%run_scoped3A_787, %dma_start3A_885] : memref<2x1600xi32, #tpu.memory_space<vmem>> -> memref<1x1600xi32, #tpu.memory_space<vmem>>
      %dma_start3A_887 = tpu.memref_squeeze %dma_start3A_886 : memref<1x1600xi32, #tpu.memory_space<vmem>> -> memref<1600xi32, #tpu.memory_space<vmem>>
      %dma_start3A_888 = tpu.memref_slice %arg3[%add3A_773] : memref<819200xi32, #tpu.memory_space<hbm>> -> memref<1600xi32, #tpu.memory_space<hbm>>
      tpu.enqueue_dma source(%dma_start3A_888 : memref<1600xi32, #tpu.memory_space<hbm>>) target(%dma_start3A_887 : memref<1600xi32, #tpu.memory_space<vmem>>) target_semaphore(%run_scoped3A_880 : memref<!tpu.dma_semaphore, #tpu.memory_space<semaphore_mem>>)
      %dma_wait3A_889 = arith.constant 0 : i32
      %dma_wait3A_890 = tpu.memref_slice %arg5[%run_scoped3A_787, %dma_wait3A_889] : memref<2x1600xi32, #tpu.memory_space<vmem>> -> memref<1x1600xi32, #tpu.memory_space<vmem>>
      %dma_wait3A_891 = tpu.memref_squeeze %dma_wait3A_890 : memref<1x1600xi32, #tpu.memory_space<vmem>> -> memref<1600xi32, #tpu.memory_space<vmem>>
      %dma_wait3A_892 = tpu.memref_slice %arg3[%add3A_773] : memref<819200xi32, #tpu.memory_space<hbm>> -> memref<1600xi32, #tpu.memory_space<hbm>>
      %dma_wait3A_893 = arith.constant 0 : i32
      %dma_wait3A_894 = tpu.memref_slice %arg5[%run_scoped3A_787, %dma_wait3A_893] : memref<2x1600xi32, #tpu.memory_space<vmem>> -> memref<1x1600xi32, #tpu.memory_space<vmem>>
      %dma_wait3A_895 = tpu.memref_squeeze %dma_wait3A_894 : memref<1x1600xi32, #tpu.memory_space<vmem>> -> memref<1600xi32, #tpu.memory_space<vmem>>
      %dma_wait3A_896 = tpu.memref_slice %arg3[%add3A_773] : memref<819200xi32, #tpu.memory_space<hbm>> -> memref<1600xi32, #tpu.memory_space<hbm>>
      tpu.wait_dma2 semaphore(%run_scoped3A_880 : memref<!tpu.dma_semaphore, #tpu.memory_space<semaphore_mem>>) src(%dma_wait3A_896 : memref<1600xi32, #tpu.memory_space<hbm>>) dst(%dma_wait3A_895 : memref<1600xi32, #tpu.memory_space<vmem>>)
      tpu.yield
    }) : () -> ()
    %dma_start3A_788 = arith.constant 1 : i32
    %dma_start3A_789 = arith.constant 1 : i32
    %dma_start3A_790 = arith.constant 0 : i32
    %dma_start3A_791 = arith.constant 0 : i32
    %dma_start3A_792 = tpu.memref_slice %arg6[%dma_start3A_789, %dma_start3A_790, %dma_start3A_791] : memref<2x1600x32xf32, #tpu.memory_space<vmem>> -> memref<1x1600x32xf32, #tpu.memory_space<vmem>>
    %dma_start3A_793 = tpu.memref_squeeze %dma_start3A_792 : memref<1x1600x32xf32, #tpu.memory_space<vmem>> -> memref<1600x32xf32, #tpu.memory_space<vmem>>
    %dma_start3A_794 = arith.constant 0 : i32
    %dma_start3A_795 = tpu.memref_slice %arg5[%dma_start3A_788, %dma_start3A_794] : memref<2x1600xi32, #tpu.memory_space<vmem>> -> memref<1x1600xi32, #tpu.memory_space<vmem>>
    %dma_start3A_796 = tpu.memref_squeeze %dma_start3A_795 : memref<1x1600xi32, #tpu.memory_space<vmem>> -> memref<1600xi32, #tpu.memory_space<vmem>>
    %dma_start3A_797 = arith.constant 0 : i32
    %dma_start3A_798 = arith.constant 0 : i32
    %dma_start3A_799 = tpu.memref_slice %arg2[%dma_start3A_797, %dma_start3A_798] : memref<1000000x32xf32, #tpu.memory_space<hbm>> -> memref<1000000x32xf32, #tpu.memory_space<hbm>>
    tpu.enqueue_indirect_dma source(%dma_start3A_799 : memref<1000000x32xf32, #tpu.memory_space<hbm>>) target(%dma_start3A_793 : memref<1600x32xf32, #tpu.memory_space<vmem>>) offsets(%dma_start3A_796 : memref<1600xi32, #tpu.memory_space<vmem>>) semaphore(%arg8 : memref<!tpu.dma_semaphore, #tpu.memory_space<semaphore_mem>>)
    %dma_wait3A_800 = arith.constant 0 : i32
    %dma_wait3A_801 = arith.constant 0 : i32
    %dma_wait3A_802 = arith.constant 0 : i32
    %dma_wait3A_803 = arith.constant 0 : i32
    %dma_wait3A_804 = tpu.memref_slice %arg6[%dma_wait3A_801, %dma_wait3A_802, %dma_wait3A_803] : memref<2x1600x32xf32, #tpu.memory_space<vmem>> -> memref<1x1600x32xf32, #tpu.memory_space<vmem>>
    %dma_wait3A_805 = tpu.memref_squeeze %dma_wait3A_804 : memref<1x1600x32xf32, #tpu.memory_space<vmem>> -> memref<1600x32xf32, #tpu.memory_space<vmem>>
    %dma_wait3A_806 = arith.constant 0 : i32
    %dma_wait3A_807 = tpu.memref_slice %arg5[%dma_wait3A_800, %dma_wait3A_806] : memref<2x1600xi32, #tpu.memory_space<vmem>> -> memref<1x1600xi32, #tpu.memory_space<vmem>>
    %dma_wait3A_808 = tpu.memref_squeeze %dma_wait3A_807 : memref<1x1600xi32, #tpu.memory_space<vmem>> -> memref<1600xi32, #tpu.memory_space<vmem>>
    %dma_wait3A_809 = arith.constant 0 : i32
    %dma_wait3A_810 = arith.constant 0 : i32
    %dma_wait3A_811 = tpu.memref_slice %arg2[%dma_wait3A_809, %dma_wait3A_810] : memref<1000000x32xf32, #tpu.memory_space<hbm>> -> memref<1000000x32xf32, #tpu.memory_space<hbm>>
    tpu.wait_indirect_dma semaphore(%arg7 : memref<!tpu.dma_semaphore, #tpu.memory_space<semaphore_mem>>) src(%dma_wait3A_811 : memref<1000000x32xf32, #tpu.memory_space<hbm>>) dst(%dma_wait3A_805 : memref<1600x32xf32, #tpu.memory_space<vmem>>)
    %add3A_812 = arith.constant 22400 : i32
    %add3A_813 = arith.addi %mul3A_2, %add3A_812 : i32
    %dma_start3A_814 = arith.constant 0 : i32
    %dma_start3A_815 = arith.constant 0 : i32
    %dma_start3A_816 = arith.constant 0 : i32
    %dma_start3A_817 = tpu.memref_slice %arg6[%dma_start3A_814, %dma_start3A_815, %dma_start3A_816] : memref<2x1600x32xf32, #tpu.memory_space<vmem>> -> memref<1x1600x32xf32, #tpu.memory_space<vmem>>
    %dma_start3A_818 = tpu.memref_squeeze %dma_start3A_817 : memref<1x1600x32xf32, #tpu.memory_space<vmem>> -> memref<1600x32xf32, #tpu.memory_space<vmem>>
    %dma_start3A_819 = arith.constant 0 : i32
    %dma_start3A_820 = tpu.memref_slice %arg4[%add3A_813, %dma_start3A_819] : memref<819200x32xf32, #tpu.memory_space<hbm>> -> memref<1600x32xf32, #tpu.memory_space<hbm>>
    %dma_start3A_821 = arith.constant 0 : i32
    %dma_start3A_822 = tpu.memref_slice %arg4[%add3A_813, %dma_start3A_821] : memref<819200x32xf32, #tpu.memory_space<hbm>> -> memref<1600x32xf32, #tpu.memory_space<hbm>>
    %dma_start3A_823 = arith.constant 0 : i32
    %dma_start3A_824 = arith.constant 0 : i32
    %dma_start3A_825 = tpu.memref_slice %arg6[%dma_start3A_814, %dma_start3A_823, %dma_start3A_824] : memref<2x1600x32xf32, #tpu.memory_space<vmem>> -> memref<1x1600x32xf32, #tpu.memory_space<vmem>>
    %dma_start3A_826 = tpu.memref_squeeze %dma_start3A_825 : memref<1x1600x32xf32, #tpu.memory_space<vmem>> -> memref<1600x32xf32, #tpu.memory_space<vmem>>
    tpu.enqueue_dma source(%dma_start3A_826 : memref<1600x32xf32, #tpu.memory_space<vmem>>) target(%dma_start3A_822 : memref<1600x32xf32, #tpu.memory_space<hbm>>) target_semaphore(%arg9 : memref<!tpu.dma_semaphore, #tpu.memory_space<semaphore_mem>>)
    %dma_wait3A_827 = arith.constant 1 : i32
    %dma_wait3A_828 = arith.constant 1 : i32
    %dma_wait3A_829 = arith.constant 0 : i32
    %dma_wait3A_830 = arith.constant 0 : i32
    %dma_wait3A_831 = tpu.memref_slice %arg6[%dma_wait3A_828, %dma_wait3A_829, %dma_wait3A_830] : memref<2x1600x32xf32, #tpu.memory_space<vmem>> -> memref<1x1600x32xf32, #tpu.memory_space<vmem>>
    %dma_wait3A_832 = tpu.memref_squeeze %dma_wait3A_831 : memref<1x1600x32xf32, #tpu.memory_space<vmem>> -> memref<1600x32xf32, #tpu.memory_space<vmem>>
    %dma_wait3A_833 = arith.constant 0 : i32
    %dma_wait3A_834 = tpu.memref_slice %arg5[%dma_wait3A_827, %dma_wait3A_833] : memref<2x1600xi32, #tpu.memory_space<vmem>> -> memref<1x1600xi32, #tpu.memory_space<vmem>>
    %dma_wait3A_835 = tpu.memref_squeeze %dma_wait3A_834 : memref<1x1600xi32, #tpu.memory_space<vmem>> -> memref<1600xi32, #tpu.memory_space<vmem>>
    %dma_wait3A_836 = arith.constant 0 : i32
    %dma_wait3A_837 = arith.constant 0 : i32
    %dma_wait3A_838 = tpu.memref_slice %arg2[%dma_wait3A_836, %dma_wait3A_837] : memref<1000000x32xf32, #tpu.memory_space<hbm>> -> memref<1000000x32xf32, #tpu.memory_space<hbm>>
    tpu.wait_indirect_dma semaphore(%arg8 : memref<!tpu.dma_semaphore, #tpu.memory_space<semaphore_mem>>) src(%dma_wait3A_838 : memref<1000000x32xf32, #tpu.memory_space<hbm>>) dst(%dma_wait3A_832 : memref<1600x32xf32, #tpu.memory_space<vmem>>)
    %add3A_839 = arith.constant 24000 : i32
    %add3A_840 = arith.addi %mul3A_2, %add3A_839 : i32
    %dma_start3A_841 = arith.constant 1 : i32
    %dma_start3A_842 = arith.constant 0 : i32
    %dma_start3A_843 = arith.constant 0 : i32
    %dma_start3A_844 = tpu.memref_slice %arg6[%dma_start3A_841, %dma_start3A_842, %dma_start3A_843] : memref<2x1600x32xf32, #tpu.memory_space<vmem>> -> memref<1x1600x32xf32, #tpu.memory_space<vmem>>
    %dma_start3A_845 = tpu.memref_squeeze %dma_start3A_844 : memref<1x1600x32xf32, #tpu.memory_space<vmem>> -> memref<1600x32xf32, #tpu.memory_space<vmem>>
    %dma_start3A_846 = arith.constant 0 : i32
    %dma_start3A_847 = tpu.memref_slice %arg4[%add3A_840, %dma_start3A_846] : memref<819200x32xf32, #tpu.memory_space<hbm>> -> memref<1600x32xf32, #tpu.memory_space<hbm>>
    %dma_start3A_848 = arith.constant 0 : i32
    %dma_start3A_849 = tpu.memref_slice %arg4[%add3A_840, %dma_start3A_848] : memref<819200x32xf32, #tpu.memory_space<hbm>> -> memref<1600x32xf32, #tpu.memory_space<hbm>>
    %dma_start3A_850 = arith.constant 0 : i32
    %dma_start3A_851 = arith.constant 0 : i32
    %dma_start3A_852 = tpu.memref_slice %arg6[%dma_start3A_841, %dma_start3A_850, %dma_start3A_851] : memref<2x1600x32xf32, #tpu.memory_space<vmem>> -> memref<1x1600x32xf32, #tpu.memory_space<vmem>>
    %dma_start3A_853 = tpu.memref_squeeze %dma_start3A_852 : memref<1x1600x32xf32, #tpu.memory_space<vmem>> -> memref<1600x32xf32, #tpu.memory_space<vmem>>
    tpu.enqueue_dma source(%dma_start3A_853 : memref<1600x32xf32, #tpu.memory_space<vmem>>) target(%dma_start3A_849 : memref<1600x32xf32, #tpu.memory_space<hbm>>) target_semaphore(%arg10 : memref<!tpu.dma_semaphore, #tpu.memory_space<semaphore_mem>>)
    %dma_wait3A_854 = arith.constant 0 : i32
    %dma_wait3A_855 = arith.constant 0 : i32
    %dma_wait3A_856 = arith.constant 0 : i32
    %dma_wait3A_857 = tpu.memref_slice %arg6[%dma_wait3A_854, %dma_wait3A_855, %dma_wait3A_856] : memref<2x1600x32xf32, #tpu.memory_space<vmem>> -> memref<1x1600x32xf32, #tpu.memory_space<vmem>>
    %dma_wait3A_858 = tpu.memref_squeeze %dma_wait3A_857 : memref<1x1600x32xf32, #tpu.memory_space<vmem>> -> memref<1600x32xf32, #tpu.memory_space<vmem>>
    %dma_wait3A_859 = arith.constant 0 : i32
    %dma_wait3A_860 = tpu.memref_slice %arg4[%add3A_813, %dma_wait3A_859] : memref<819200x32xf32, #tpu.memory_space<hbm>> -> memref<1600x32xf32, #tpu.memory_space<hbm>>
    %dma_wait3A_861 = arith.constant 0 : i32
    %dma_wait3A_862 = tpu.memref_slice %arg4[%add3A_813, %dma_wait3A_861] : memref<819200x32xf32, #tpu.memory_space<hbm>> -> memref<1600x32xf32, #tpu.memory_space<hbm>>
    %dma_wait3A_863 = arith.constant 0 : i32
    %dma_wait3A_864 = arith.constant 0 : i32
    %dma_wait3A_865 = tpu.memref_slice %arg6[%dma_wait3A_854, %dma_wait3A_863, %dma_wait3A_864] : memref<2x1600x32xf32, #tpu.memory_space<vmem>> -> memref<1x1600x32xf32, #tpu.memory_space<vmem>>
    %dma_wait3A_866 = tpu.memref_squeeze %dma_wait3A_865 : memref<1x1600x32xf32, #tpu.memory_space<vmem>> -> memref<1600x32xf32, #tpu.memory_space<vmem>>
    tpu.wait_dma2 semaphore(%arg9 : memref<!tpu.dma_semaphore, #tpu.memory_space<semaphore_mem>>) src(%dma_wait3A_866 : memref<1600x32xf32, #tpu.memory_space<vmem>>) dst(%dma_wait3A_862 : memref<1600x32xf32, #tpu.memory_space<hbm>>)
    %dma_wait3A_867 = arith.constant 1 : i32
    %dma_wait3A_868 = arith.constant 0 : i32
    %dma_wait3A_869 = arith.constant 0 : i32
    %dma_wait3A_870 = tpu.memref_slice %arg6[%dma_wait3A_867, %dma_wait3A_868, %dma_wait3A_869] : memref<2x1600x32xf32, #tpu.memory_space<vmem>> -> memref<1x1600x32xf32, #tpu.memory_space<vmem>>
    %dma_wait3A_871 = tpu.memref_squeeze %dma_wait3A_870 : memref<1x1600x32xf32, #tpu.memory_space<vmem>> -> memref<1600x32xf32, #tpu.memory_space<vmem>>
    %dma_wait3A_872 = arith.constant 0 : i32
    %dma_wait3A_873 = tpu.memref_slice %arg4[%add3A_840, %dma_wait3A_872] : memref<819200x32xf32, #tpu.memory_space<hbm>> -> memref<1600x32xf32, #tpu.memory_space<hbm>>
    %dma_wait3A_874 = arith.constant 0 : i32
    %dma_wait3A_875 = tpu.memref_slice %arg4[%add3A_840, %dma_wait3A_874] : memref<819200x32xf32, #tpu.memory_space<hbm>> -> memref<1600x32xf32, #tpu.memory_space<hbm>>
    %dma_wait3A_876 = arith.constant 0 : i32
    %dma_wait3A_877 = arith.constant 0 : i32
    %dma_wait3A_878 = tpu.memref_slice %arg6[%dma_wait3A_867, %dma_wait3A_876, %dma_wait3A_877] : memref<2x1600x32xf32, #tpu.memory_space<vmem>> -> memref<1x1600x32xf32, #tpu.memory_space<vmem>>
    %dma_wait3A_879 = tpu.memref_squeeze %dma_wait3A_878 : memref<1x1600x32xf32, #tpu.memory_space<vmem>> -> memref<1600x32xf32, #tpu.memory_space<vmem>>
    tpu.wait_dma2 semaphore(%arg10 : memref<!tpu.dma_semaphore, #tpu.memory_space<semaphore_mem>>) src(%dma_wait3A_879 : memref<1600x32xf32, #tpu.memory_space<vmem>>) dst(%dma_wait3A_875 : memref<1600x32xf32, #tpu.memory_space<hbm>>)
    return
  }
}

</mosaic_0001>

<sc_bundles>
// kernel: kernel.3.cloned.1.call-start
scs
__scs_entry_jumppad:
0x0: {  	(pc) =	sbr.rel $0x88, $3  }
0x1: {  	(tag) =	ssettag $0x0;
	lr =	simm.s32 $0x1  }
0x2: {  	[smem:$0x3F9F] =	sst lr;
	_ =	strace $0xD0000000  }
0x3: {  	_ = 	snop  }
0x4: {  	_ = 	snop  }
0x5: {  	_ = 	snop  }
0x6: {  	_ = 	snop  }
0x7: {  	_ = 	snop  }
__scs_overlays_trampoline_lowered:
0x8: {  	[smem:$0x3FAE] =	sst s0  }
0x9: {  	[smem:$0x3FAF] =	sst s1  }
0xa: {  	[smem:$0x3FB0] =	sst s2  }
0xb: {  	[smem:$0x3FB1] =	sst s3  }
0xc: {  	[smem:$0x3FB2] =	sst s4  }
0xd: {  	[smem:$0x3FB3] =	sst s5  }
0xe: {  	[smem:$0x3FB4] =	sst s6  }
0xf: {  	[smem:$0x3FB5] =	sst s7  }
0x10: {  	[smem:$0x3FB6] =	sst s8  }
0x11: {  	[smem:$0x3FB7] =	sst s9;
	s0 =	simm.s32 @!p0 $0x0  }
0x12: {  	s1 =	sld [smem:$0x3F9D];
	s0 =	simm.s32 @p0 $0x1  }
0x13: {  	[smem:$0x3FB8] =	sst s0;
	s0 =	simm.s32 @!p1 $0x0  }
0x14: {  	s2 =	sld [smem:$0x3F9C];
	s0 =	simm.s32 @p1 $0x1  }
0x15: {  	[smem:$0x3FB9] =	sst s0;
	s0 =	simm.s32 @!p2 $0x0  }
0x16: {  	s3 =	sld [smem:$0x3FDB];
	s0 =	simm.s32 @p2 $0x1  }
0x17: {  	s4 =	simm.s32 $0x1BF5;
	[smem:$0x3FBB] =	sst s0  }
0x18: {  	s0 =	sld [smem:$0x3F9E];
	_ =	swait.ge [sflag:s4], $0x0  }
0x19: {  	s7 =	sld [smem:$0x3F9F]  }
0x1a: {  	s8 =	sadd.s32 $0xFFFFE003, lr  }
0x1b: {  	s9 =	sadd.s32 $0xFFFFFEF7, lr;
	s5 =	simm.s32 $0xFFFFFFFF;
	p2 =	slt.u32 s8, $0xFFFFF086  }
0x1c: {  	p1 =	slt.u32 s9, $0xF7A;
	s5 =	simm.s32 @!p2 $0x0  }
0x1d: {  	s5 =	simm.s32 @p1 $0x1;
	p0 =	seq.s32 s7, s2  }
0x1e: {  	s7 =	smul.u32 @!p0 $0xF7A, s2;
	p2 =	seq.s32 @!p0 s5, $0x0  }
0x1f: {  	s9 =	smul.u32 $0xF7A, s1;
	s8 =	simm.s32 @!p0 $0x1BF5;
	p2 =	por !p2, p0  }
0x20: {  	[sflag:s8] =	ssyncset.s32 @!p0 $0xFFFFF086;
	s6 =	sadd.s32 @!p0 s3, s7;
	s7 =	simm.s32 @!p0 $0x108  }
0x21: {  	s3 =	sadd.s32 s3, s9;
	s6 =	sadd.s32 @!p0 $0x88, s6;
	s7 =	simm.s32 @p2 $0x1082  }
0x22: {  	[simem:s7], [sflag:s8] =	dma.local @!p0 [hbm:s6], $0xF7A  }
0x23: {  	s9 =	sor.u32 $0xD0000000, s2;
	s6 =	simm.s32 $0x108;
	_ =	swait.ge @!p0 [sflag:s8], $0x0  }
0x24: {  	s3 =	sadd.s32 $0x88, s3;
	s6 =	simm.s32 @!p1 $0x1082;
	[sflag:s4] =	ssyncset.s32 $0xFFFFF086  }
0x25: {  	[simem:s6], [sflag:s4] =	dma.local [hbm:s3], $0xF7A  }
0x26: {  	[smem:$0x3F9F] =	sst s1;
	(tag) =	ssettag s2;
	_ =	strace s9  }
0x27: {  	s1 =	sld [smem:$0x3FAF]  }
0x28: {  	s2 =	sld [smem:$0x3FB0]  }
0x29: {  	s4 =	sld [smem:$0x3FB2]  }
0x2a: {  	p0 =	seq.s32 s5, $0x0;
	s5 =	sld [smem:$0x3FB3]  }
0x2b: {  	s6 =	sld [smem:$0x3FB4]  }
0x2c: {  	s7 =	sld [smem:$0x3FB5]  }
0x2d: {  	s3 =	simm.s32 $0x108;
	s8 =	sld [smem:$0x3FB6]  }
0x2e: {  	s3 =	simm.s32 @!p0 $0x1082;
	s9 =	sld [smem:$0x3FB7]  }
0x2f: {  	lr =	sadd.s32 s0, s3;
	s0 =	sld [smem:$0x3FAE]  }
0x30: {  	s3 =	sld [smem:$0x3FB1]  }
0x31: {  	[smem:$0x3FBA] =	sst s10  }
0x32: {  	s10 =	sld [smem:$0x3FB8];
	_ =	sdelay $0x3  }
0x33: {  	p0 =	seq.s32 s10, $0x1;
	s10 =	sld [smem:$0x3FBA];
	_ =	sdelay $0x3  }
0x34: {  	[smem:$0x3FBA] =	sst s10  }
0x35: {  	s10 =	sld [smem:$0x3FB9];
	_ =	sdelay $0x3  }
0x36: {  	p1 =	seq.s32 s10, $0x1;
	s10 =	sld [smem:$0x3FBA];
	_ =	sdelay $0x3  }
0x37: {  	[smem:$0x3FBA] =	sst s10  }
0x38: {  	s10 =	sld [smem:$0x3FBB]  }
0x39: {  	_ = 	snop;
	(pc) =	sbr.ind lr, $3  }
0x3a: {  	_ = 	snop  }
0x3b: {  	_ = 	snop  }
0x3c: {  	p2 =	seq.s32 s10, $0x1;
	s10 =	sld [smem:$0x3FBA]  }
0x3d: {  	_ =	shalt  }
0x3e: {  	_ =	shalt  }
0x3f: {  	_ =	shalt  }
0x40: {  	_ =	shalt  }
0x41: {  	_ =	shalt  }
0x42: {  	_ =	shalt  }
0x43: {  	_ =	shalt  }
0x44: {  	_ =	shalt  }
0x45: {  	_ =	shalt  }
0x46: {  	_ =	shalt  }
0x47: {  	_ =	shalt  }
0x48: {  	_ =	shalt  }
0x49: {  	_ =	shalt  }
0x4a: {  	_ =	shalt  }
0x4b: {  	_ =	shalt  }
0x4c: {  	_ =	shalt  }
0x4d: {  	_ =	shalt  }
0x4e: {  	_ =	shalt  }
0x4f: {  	_ =	shalt  }
0x50: {  	_ =	shalt  }
0x51: {  	_ =	shalt  }
0x52: {  	_ =	shalt  }
0x53: {  	_ =	shalt  }
0x54: {  	_ =	shalt  }
0x55: {  	_ =	shalt  }
0x56: {  	_ =	shalt  }
0x57: {  	_ =	shalt  }
0x58: {  	_ =	shalt  }
0x59: {  	_ =	shalt  }
0x5a: {  	_ =	shalt  }
0x5b: {  	_ =	shalt  }
0x5c: {  	_ =	shalt  }
0x5d: {  	_ =	shalt  }
0x5e: {  	_ =	shalt  }
0x5f: {  	_ =	shalt  }
0x60: {  	_ =	shalt  }
0x61: {  	_ =	shalt  }
0x62: {  	_ =	shalt  }
0x63: {  	_ =	shalt  }
0x64: {  	_ =	shalt  }
0x65: {  	_ =	shalt  }
0x66: {  	_ =	shalt  }
0x67: {  	_ =	shalt  }
0x68: {  	_ =	shalt  }
0x69: {  	_ =	shalt  }
0x6a: {  	_ =	shalt  }
0x6b: {  	_ =	shalt  }
0x6c: {  	_ =	shalt  }
0x6d: {  	_ =	shalt  }
0x6e: {  	_ =	shalt  }
0x6f: {  	_ =	shalt  }
0x70: {  	_ =	shalt  }
0x71: {  	_ =	shalt  }
0x72: {  	_ =	shalt  }
0x73: {  	_ =	shalt  }
0x74: {  	_ =	shalt  }
0x75: {  	_ =	shalt  }
0x76: {  	_ =	shalt  }
0x77: {  	_ =	shalt  }
0x78: {  	_ =	shalt  }
0x79: {  	_ =	shalt  }
0x7a: {  	_ =	shalt  }
0x7b: {  	_ =	shalt  }
0x7c: {  	_ =	shalt  }
0x7d: {  	_ =	shalt  }
0x7e: {  	_ =	shalt  }
0x7f: {  	_ =	shalt  }
0x80: {  	_ =	shalt  }
0x81: {  	_ =	shalt  }
0x82: {  	_ =	shalt  }
0x83: {  	_ =	shalt  }
0x84: {  	_ =	shalt  }
0x85: {  	_ =	shalt  }
0x86: {  	_ =	shalt  }
0x87: {  	_ =	shalt  }
.Lfunc_end0:
.L_simem_size_0:
called_computation.2_lowered:
.L_overlay_start_0:
0x88: {  	s2 =	sld [smem:$0x3FD9]  }
0x89: {  	s3 =	sld [smem:$0x3FFE];
	_ =	sdelay $0x1  }
0x8a: {  	s1 =	srdreg.scid  }
0x8b: {  	s0 =	sand.u32 $0x1, s1  }
0x8c: {  	s17 =	sshll.u32 s0, $0xA;
	s2 =	sadd.s32 s3, s2  }
0x8d: {  	s2 =	sadd.s32 s2, s17  }
0x8e: {  	[smem:$0x3FC6] =	sst s2  }
0x8f: {  	_ = 	snop  }
0x90: {  	s2 =	sld [smem:$0x3FD0];
	(tm) =	ssettm $0x1  }
0x91: {  	s18 =	sld [smem:$0x3FFB];
	_ =	sdelay $0x3  }
0x92: {  	_ =	strace s18  }
0x93: {  	s3 =	sld [smem:$0x3FFC];
	_ =	sdelay $0x3  }
0x94: {  	_ =	strace s3  }
0x95: {  	s3 =	sld [smem:$0x3FFD];
	_ =	sdelay $0x3  }
0x96: {  	_ =	strace s3  }
0x97: {  	_ =	strace $0x8FFFFFFF  }
0x98: {  	s19 =	sld [smem:$0x3FDB];
	_ =	sdelay $0x1  }
0x99: {  	s4 =	simm.s32 $_scs_section_size  }
0x9a: {  	s5 =	simm.s32 $_size__tile_overlayer_lowered;
	s6 =	simm.s32 $_tile_overlayer_lowered  }
0x9b: {  	s22 =	simm.s32 $0x1BFF;
	s21 =	sshll.u32 s6, $0x1;
	s3 =	sadd.s32 s4, s19  }
0x9c: {  	s7 =	simm.s32 $0x0;
	s20 =	sshll.u32 s5, $0x1;
	s5 =	sadd.s32 s21, s3  }
0x9d: {  	[timem:s7], [sflag:s22] =	dma.local [hbm:s5], s20  }
0x9e: {  	_ =	swait.ge [sflag:s22], s20  }
0x9f: {  	s4 =	ssub.s32 $0x0, s20;
	[sflag:s22] =	ssyncset.done $0x0  }
0xa0: {  	[sflag:s22] =	ssyncadd.s32 s4;
	_ =	sdelay $0x1  }
0xa1: {  	s23 =	simm.s32 $0x1B8B  }
0xa2: {  	_ =	swait.ge [sflag:s23], $0x1  }
0xa3: {  	[sflag:s23] =	ssyncset.done $0x0  }
0xa4: {  	s25 =	simm.s32 $0x1B8E;
	s24 =	sld [smem:$0x3FFE];
	[sflag:s23] =	ssyncadd.s32 $0xFFFFFFFF  }
0xa5: {  	s26 =	simm.s32 $execute0_lowered;
	[smem:$0x3FD2] =	sst s25  }
0xa6: {  	s5 =	sshll.u32 s26, $0x1;
	_ =	strace $0x80000046;
	[dreg:$0x1] =	wrdreg $0xFFFFFFFF  }
0xa7: {  	s28 =	simm.s32 $_size_execute0_lowered;
	s3 =	sadd.s32 s3, s5;
	[dreg:$0x0] =	wrdreg $0x0  }
0xa8: {  	s5 =	sshll.u32 s28, $0x1;
	[dreg:$0x2] =	wrdreg s3  }
0xa9: {  	[dreg:$0x3] =	wrdreg s5  }
0xaa: {  	[dreg:$0x4] =	wrdreg $0xC0  }
0xab: {  	_ =	task [dreg:s7], $0x5FFFF  }
0xac: {  	[dreg:$0x1] =	wrdreg $0xFFFFFFFF  }
0xad: {  	[dreg:$0x0] =	wrdreg $0x60  }
0xae: {  	[dreg:$0x2] =	wrdreg s24  }
0xaf: {  	[dreg:$0x3] =	wrdreg s2  }
0xb0: {  	[dreg:$0x4] =	wrdreg $0x9  }
0xb1: {  	_ =	task.clear_ibuf [dreg:s7], $0x5FFFF;
	_ =	strace $0x90000046  }
0xb2: {  	s29 =	simm.s32 $0x9;
	_ =	strace $0x80000048  }
0xb3: {  	_ =	swait.ge [sflag:s29], $0x1  }
0xb4: {  	[sflag:s29] =	ssyncadd.s32 $0xFFFFFFFF  }
0xb5: {  	_ =	strace $0x90000048  }
0xb6: {  	_ =	sfence  }
0xb7: {  	s30 =	sld [smem:$0x0];
	_ =	sdelay $0x2  }
0xb8: {  	s31 =	sshll.u32 s1, $0xD;
	s1 =	sshrl.u32 s1, $0x2  }
0xb9: {  	s3 =	sand.u32 $0x4000, s31;
	s1 =	sadd.s32 s1, s30  }
0xba: {  	s0 =	sor.u32 s3, s0;
	s1 =	sshll.u32 s1, $0x11  }
0xbb: {  	s0 =	sor.u32 s1, s0  }
0xbc: {  	s0 =	sadd.s32 $0x8F2B, s0  }
0xbd: {  	[sflag:s0] =	ssyncadd.remote.s32 $0x1  }
0xbe: {  	_ =	sfence.sel $0xFFFF  }
0xbf: {  	[dreg:$0x0] =	wrdreg $0xFFFFFFFF;
	(pc) =	sbr.abs _section_cstart, $3  }
0xc0: {  	[dreg:$0x1] =	wrdreg $0xFFFFFFFF  }
0xc1: {  	_ =	task.clear_ibuf [dreg:s7], $0x2FFFF;
	_ =	strace $0x9FFFFFFF  }
0xc2: {  	(tm) =	ssettm $0x7FFFFFFF  }
0xc3: {  	_ =	shalt  }
tec
execute0_lowered:
.L_overlay_start_1:
0x0: {  	(tag) =	ssettag $0x1  }
0x1: {  	s0 =	srdreg.scid;
	s2 =	stileid.u32  }
0x2: {  	s0 =	sand.u32 $0x1, s0;
	s3 =	sshll.u32 s2, $0x1  }
0x3: {  	s4 =	rddreg [dreg:$0x0];
	s3 =	sor.u32 s0, s3  }
0x4: {  	s2 =	simm.s32 $0x0;
	[dreg:$0x10] =	wrdreg s0;
	s30 =	smul.u32 $0x6400, s3  }
0x5: {  	[smem:$0x7FF] =	sst s2;
	s3 =	smul.u32 $0x19000, s3  }
0x6: {  	s1 =	rddreg [dreg:$0x1];
	s29 =	sadd.s32 $0xE00, s4;
	_ =	strace $0x80000047  }
0x7: {  	s5 =	sshrl.u32 s30, $0x3;
	s6 =	sadd.s32 $0x640, s30;
	s3 =	sadd.s32 s1, s3  }
0x8: {  	s17 =	sadd.s32 $0xC80, s30;
	s19 =	sadd.s32 $0x12C0, s30;
	s0 =	sadd.s32 $0x1F40, s30  }
0x9: {  	s5 =	sadd.s32 s29, s5;
	s7 =	sshrl.u32 s6, $0x3;
	[dreg:$0x5] =	wrdreg s3  }
0xa: {  	s18 =	sshrl.u32 s17, $0x3;
	[dreg:$0x3] =	wrdreg s5;
	s16 =	sadd.s32 s29, s7  }
0xb: {  	s6 =	sshll.u32 s6, $0x2;
	s3 =	sadd.s32 s29, s18;
	[dreg:$0x4] =	wrdreg s16  }
0xc: {  	s21 =	sshrl.u32 s19, $0x3;
	s20 =	sadd.s32 s1, s6;
	[dreg:$0x6] =	wrdreg s3  }
0xd: {  	s26 =	sshll.u32 s19, $0x2;
	s22 =	sadd.s32 s29, s21;
	[dreg:$0x7] =	wrdreg s20  }
0xe: {  	s9 =	sshrl.u32 s0, $0x3;
	s8 =	sadd.s32 s1, s26;
	[dreg:$0x8] =	wrdreg s22  }
0xf: {  	s24 =	sadd.s32 $0x1900, s30;
	s10 =	sadd.s32 s29, s9;
	[dreg:$0xb] =	wrdreg s8  }
0x10: {  	s13 =	sadd.s32 $0x2580, s30;
	s5 =	sshll.u32 s17, $0x2;
	[dreg:$0xc] =	wrdreg s10  }
0x11: {  	s25 =	sshrl.u32 s24, $0x3;
	s23 =	sadd.s32 s1, s5;
	s15 =	rddreg [dreg:$0x3]  }
0x12: {  	s14 =	sshll.u32 s0, $0x2;
	s3 =	sadd.s32 s29, s25;
	[dreg:$0x9] =	wrdreg s23  }
0x13: {  	s5 =	sshll.u32 s24, $0x2;
	s16 =	sadd.s32 s1, s14;
	[dreg:$0xa] =	wrdreg s3  }
0x14: {  	s12 =	sshrl.u32 s13, $0x3;
	s11 =	sadd.s32 s1, s5;
	[dreg:$0xf] =	wrdreg s16  }
0x15: {  	[tilespmem:s2], [sflag:$0x5] =	stream.linear.gather [hbm4b:s15+s2], $0x640, $0x38;
	[tilespmem:$0x19C80] =	vst v63  }
0x16: {  	s3 =	sadd.s32 s29, s12;
	[dreg:$0xd] =	wrdreg s11  }
0x17: {  	[dreg:$0xe] =	wrdreg s3;
	s3 =	simm.s32 $0x5  }
0x18: {  	_ =	swait.ge [sflag:s3], $0x640  }
0x19: {  	s4 =	sadd.s32 $0xF43200, s4;
	[sflag:s3] =	ssyncset.done $0x0  }
0x1a: {  	s6 =	simm.s32 $0xC80;
	s5 =	simm.s32 $0x640;
	[sflag:s3] =	ssyncadd.s32 $0xFFFFF9C0  }
0x1b: {  	[tilespmem:s6], [sflag:$0x1] =	stream.indirect.gather [hbm4b:s4+s5], $0x20, s2, s5, $0xb8;
	[tilespmem:$0x19C80] =	vst v63  }
0x1c: {  	s17 =	rddreg [dreg:$0x4]  }
0x1d: {  	[tilespmem:s5], [sflag:$0x5] =	stream.linear.gather [hbm4b:s17+s2], $0x640, $0x38;
	[tilespmem:$0x19C80] =	vst v63  }
0x1e: {  	_ =	swait.ge [sflag:s3], $0x640  }
0x1f: {  	[sflag:s3] =	ssyncset.done $0x0  }
0x20: {  	s7 =	simm.s32 $0xD480;
	s8 =	simm.s32 $0x1;
	[sflag:s3] =	ssyncadd.s32 $0xFFFFF9C0  }
0x21: {  	[tilespmem:s7], [sflag:$0x2] =	stream.indirect.gather [hbm4b:s4+s5], $0x20, s5, s5, $0xb8;
	[tilespmem:$0x19C80] =	vst v63  }
0x22: {  	_ =	swait.ge [sflag:s8], $0xC800  }
0x23: {  	[sflag:s8] =	ssyncset.done $0x0  }
0x24: {  	s9 =	simm.s32 $0x3;
	s10 =	rddreg [dreg:$0x5];
	[sflag:s8] =	ssyncadd.s32 $0xFFFF3800  }
0x25: {  	[hbm4b:s10+s2] =	stream.linear.scatter [tilespmem:s6], [sflag:$0x3], $0xC800, $0x38;
	[tilespmem:$0x19C80] =	vst v63  }
0x26: {  	_ =	swait.ge [sflag:s9], $0xC800  }
0x27: {  	[sflag:s9] =	ssyncset.done $0x0  }
0x28: {  	s18 =	rddreg [dreg:$0x6];
	[sflag:s9] =	ssyncadd.s32 $0xFFFF3800  }
0x29: {  	[tilespmem:s2], [sflag:$0x5] =	stream.linear.gather [hbm4b:s18+s2], $0x640, $0x38;
	[tilespmem:$0x19C80] =	vst v63  }
0x2a: {  	_ =	swait.ge [sflag:s3], $0x640  }
0x2b: {  	[sflag:s3] =	ssyncset.done $0x0  }
0x2c: {  	s10 =	simm.s32 $0x2;
	[sflag:s3] =	ssyncadd.s32 $0xFFFFF9C0  }
0x2d: {  	[tilespmem:s6], [sflag:$0x1] =	stream.indirect.gather [hbm4b:s4+s5], $0x20, s2, s5, $0xb8;
	[tilespmem:$0x19C80] =	vst v63  }
0x2e: {  	_ =	swait.ge [sflag:s10], $0xC800  }
0x2f: {  	[sflag:s10] =	ssyncset.done $0x0  }
0x30: {  	s11 =	simm.s32 $0x4;
	s12 =	rddreg [dreg:$0x7];
	[sflag:s10] =	ssyncadd.s32 $0xFFFF3800  }
0x31: {  	[hbm4b:s12+s2] =	stream.linear.scatter [tilespmem:s7], [sflag:$0x4], $0xC800, $0x38;
	[tilespmem:$0x19C80] =	vst v63  }
0x32: {  	_ =	swait.ge [sflag:s11], $0xC800  }
0x33: {  	[sflag:s11] =	ssyncset.done $0x0  }
0x34: {  	s19 =	rddreg [dreg:$0x8];
	[sflag:s11] =	ssyncadd.s32 $0xFFFF3800  }
0x35: {  	[tilespmem:s5], [sflag:$0x5] =	stream.linear.gather [hbm4b:s19+s2], $0x640, $0x38;
	[tilespmem:$0x19C80] =	vst v63  }
0x36: {  	_ =	swait.ge [sflag:s3], $0x640  }
0x37: {  	[sflag:s3] =	ssyncset.done $0x0  }
0x38: {  	[sflag:s3] =	ssyncadd.s32 $0xFFFFF9C0  }
0x39: {  	[tilespmem:s7], [sflag:$0x2] =	stream.indirect.gather [hbm4b:s4+s5], $0x20, s5, s5, $0xb8;
	[tilespmem:$0x19C80] =	vst v63  }
0x3a: {  	_ =	swait.ge [sflag:s8], $0xC800  }
0x3b: {  	[sflag:s8] =	ssyncset.done $0x0  }
0x3c: {  	s20 =	rddreg [dreg:$0x9];
	[sflag:s8] =	ssyncadd.s32 $0xFFFF3800  }
0x3d: {  	[hbm4b:s20+s2] =	stream.linear.scatter [tilespmem:s6], [sflag:$0x3], $0xC800, $0x38;
	[tilespmem:$0x19C80] =	vst v63  }
0x3e: {  	_ =	swait.ge [sflag:s9], $0xC800  }
0x3f: {  	[sflag:s9] =	ssyncset.done $0x0  }
0x40: {  	s21 =	rddreg [dreg:$0xa];
	[sflag:s9] =	ssyncadd.s32 $0xFFFF3800  }
0x41: {  	[tilespmem:s2], [sflag:$0x5] =	stream.linear.gather [hbm4b:s21+s2], $0x640, $0x38;
	[tilespmem:$0x19C80] =	vst v63  }
0x42: {  	_ =	swait.ge [sflag:s3], $0x640  }
0x43: {  	[sflag:s3] =	ssyncset.done $0x0  }
0x44: {  	[sflag:s3] =	ssyncadd.s32 $0xFFFFF9C0  }
0x45: {  	[tilespmem:s6], [sflag:$0x1] =	stream.indirect.gather [hbm4b:s4+s5], $0x20, s2, s5, $0xb8;
	[tilespmem:$0x19C80] =	vst v63  }
0x46: {  	_ =	swait.ge [sflag:s10], $0xC800  }
0x47: {  	[sflag:s10] =	ssyncset.done $0x0  }
0x48: {  	s22 =	rddreg [dreg:$0xb];
	[sflag:s10] =	ssyncadd.s32 $0xFFFF3800  }
0x49: {  	[hbm4b:s22+s2] =	stream.linear.scatter [tilespmem:s7], [sflag:$0x4], $0xC800, $0x38;
	[tilespmem:$0x19C80] =	vst v63  }
0x4a: {  	_ =	swait.ge [sflag:s11], $0xC800  }
0x4b: {  	[sflag:s11] =	ssyncset.done $0x0  }
0x4c: {  	s23 =	rddreg [dreg:$0xc];
	[sflag:s11] =	ssyncadd.s32 $0xFFFF3800  }
0x4d: {  	[tilespmem:s5], [sflag:$0x5] =	stream.linear.gather [hbm4b:s23+s2], $0x640, $0x38;
	[tilespmem:$0x19C80] =	vst v63  }
0x4e: {  	_ =	swait.ge [sflag:s3], $0x640  }
0x4f: {  	[sflag:s3] =	ssyncset.done $0x0  }
0x50: {  	[sflag:s3] =	ssyncadd.s32 $0xFFFFF9C0  }
0x51: {  	[tilespmem:s7], [sflag:$0x2] =	stream.indirect.gather [hbm4b:s4+s5], $0x20, s5, s5, $0xb8;
	[tilespmem:$0x19C80] =	vst v63  }
0x52: {  	_ =	swait.ge [sflag:s8], $0xC800  }
0x53: {  	[sflag:s8] =	ssyncset.done $0x0  }
0x54: {  	s24 =	rddreg [dreg:$0xd];
	[sflag:s8] =	ssyncadd.s32 $0xFFFF3800  }
0x55: {  	[hbm4b:s24+s2] =	stream.linear.scatter [tilespmem:s6], [sflag:$0x3], $0xC800, $0x38;
	[tilespmem:$0x19C80] =	vst v63  }
0x56: {  	_ =	swait.ge [sflag:s9], $0xC800  }
0x57: {  	[sflag:s9] =	ssyncset.done $0x0  }
0x58: {  	s25 =	rddreg [dreg:$0xe];
	[sflag:s9] =	ssyncadd.s32 $0xFFFF3800  }
0x59: {  	[tilespmem:s2], [sflag:$0x5] =	stream.linear.gather [hbm4b:s25+s2], $0x640, $0x38;
	[tilespmem:$0x19C80] =	vst v63  }
0x5a: {  	_ =	swait.ge [sflag:s3], $0x640  }
0x5b: {  	[sflag:s3] =	ssyncset.done $0x0  }
0x5c: {  	[sflag:s3] =	ssyncadd.s32 $0xFFFFF9C0  }
0x5d: {  	[tilespmem:s6], [sflag:$0x1] =	stream.indirect.gather [hbm4b:s4+s5], $0x20, s2, s5, $0xb8;
	[tilespmem:$0x19C80] =	vst v63  }
0x5e: {  	_ =	swait.ge [sflag:s10], $0xC800  }
0x5f: {  	[sflag:s10] =	ssyncset.done $0x0  }
0x60: {  	s26 =	rddreg [dreg:$0xf];
	[sflag:s10] =	ssyncadd.s32 $0xFFFF3800  }
0x61: {  	[hbm4b:s26+s2] =	stream.linear.scatter [tilespmem:s7], [sflag:$0x4], $0xC800, $0x38;
	[tilespmem:$0x19C80] =	vst v63  }
0x62: {  	s15 =	sadd.s32 $0x2BC0, s30;
	_ =	swait.ge [sflag:s11], $0xC800  }
0x63: {  	s0 =	sshrl.u32 s15, $0x3;
	[sflag:s11] =	ssyncset.done $0x0  }
0x64: {  	s12 =	sadd.s32 s29, s0;
	[sflag:s11] =	ssyncadd.s32 $0xFFFF3800  }
0x65: {  	[tilespmem:s5], [sflag:$0x5] =	stream.linear.gather [hbm4b:s12+s2], $0x640, $0x38;
	[tilespmem:$0x19C80] =	vst v63  }
0x66: {  	_ =	swait.ge [sflag:s3], $0x640  }
0x67: {  	[sflag:s3] =	ssyncset.done $0x0  }
0x68: {  	[sflag:s3] =	ssyncadd.s32 $0xFFFFF9C0  }
0x69: {  	[tilespmem:s7], [sflag:$0x2] =	stream.indirect.gather [hbm4b:s4+s5], $0x20, s5, s5, $0xb8;
	[tilespmem:$0x19C80] =	vst v63  }
0x6a: {  	_ =	swait.ge [sflag:s8], $0xC800  }
0x6b: {  	s13 =	sshll.u32 s13, $0x2;
	[sflag:s8] =	ssyncset.done $0x0  }
0x6c: {  	s13 =	sadd.s32 s1, s13;
	[sflag:s8] =	ssyncadd.s32 $0xFFFF3800  }
0x6d: {  	[hbm4b:s13+s2] =	stream.linear.scatter [tilespmem:s6], [sflag:$0x3], $0xC800, $0x38;
	[tilespmem:$0x19C80] =	vst v63  }
0x6e: {  	s17 =	sadd.s32 $0x3200, s30;
	_ =	swait.ge [sflag:s9], $0xC800  }
0x6f: {  	s14 =	sshrl.u32 s17, $0x3;
	[sflag:s9] =	ssyncset.done $0x0  }
0x70: {  	s14 =	sadd.s32 s29, s14;
	[sflag:s9] =	ssyncadd.s32 $0xFFFF3800  }
0x71: {  	[tilespmem:s2], [sflag:$0x5] =	stream.linear.gather [hbm4b:s14+s2], $0x640, $0x38;
	[tilespmem:$0x19C80] =	vst v63  }
0x72: {  	_ =	swait.ge [sflag:s3], $0x640  }
0x73: {  	[sflag:s3] =	ssyncset.done $0x0  }
0x74: {  	[sflag:s3] =	ssyncadd.s32 $0xFFFFF9C0  }
0x75: {  	[tilespmem:s6], [sflag:$0x1] =	stream.indirect.gather [hbm4b:s4+s5], $0x20, s2, s5, $0xb8;
	[tilespmem:$0x19C80] =	vst v63  }
0x76: {  	_ =	swait.ge [sflag:s10], $0xC800  }
0x77: {  	s15 =	sshll.u32 s15, $0x2;
	[sflag:s10] =	ssyncset.done $0x0  }
0x78: {  	s15 =	sadd.s32 s1, s15;
	[sflag:s10] =	ssyncadd.s32 $0xFFFF3800  }
0x79: {  	[hbm4b:s15+s2] =	stream.linear.scatter [tilespmem:s7], [sflag:$0x4], $0xC800, $0x38;
	[tilespmem:$0x19C80] =	vst v63  }
0x7a: {  	s19 =	sadd.s32 $0x3840, s30;
	_ =	swait.ge [sflag:s11], $0xC800  }
0x7b: {  	s16 =	sshrl.u32 s19, $0x3;
	[sflag:s11] =	ssyncset.done $0x0  }
0x7c: {  	s16 =	sadd.s32 s29, s16;
	[sflag:s11] =	ssyncadd.s32 $0xFFFF3800  }
0x7d: {  	[tilespmem:s5], [sflag:$0x5] =	stream.linear.gather [hbm4b:s16+s2], $0x640, $0x38;
	[tilespmem:$0x19C80] =	vst v63  }
0x7e: {  	_ =	swait.ge [sflag:s3], $0x640  }
0x7f: {  	[sflag:s3] =	ssyncset.done $0x0  }
0x80: {  	[sflag:s3] =	ssyncadd.s32 $0xFFFFF9C0  }
0x81: {  	[tilespmem:s7], [sflag:$0x2] =	stream.indirect.gather [hbm4b:s4+s5], $0x20, s5, s5, $0xb8;
	[tilespmem:$0x19C80] =	vst v63  }
0x82: {  	_ =	swait.ge [sflag:s8], $0xC800  }
0x83: {  	s17 =	sshll.u32 s17, $0x2;
	[sflag:s8] =	ssyncset.done $0x0  }
0x84: {  	s17 =	sadd.s32 s1, s17;
	[sflag:s8] =	ssyncadd.s32 $0xFFFF3800  }
0x85: {  	[hbm4b:s17+s2] =	stream.linear.scatter [tilespmem:s6], [sflag:$0x3], $0xC800, $0x38;
	[tilespmem:$0x19C80] =	vst v63  }
0x86: {  	s21 =	sadd.s32 $0x3E80, s30;
	_ =	swait.ge [sflag:s9], $0xC800  }
0x87: {  	s18 =	sshrl.u32 s21, $0x3;
	[sflag:s9] =	ssyncset.done $0x0  }
0x88: {  	s18 =	sadd.s32 s29, s18;
	[sflag:s9] =	ssyncadd.s32 $0xFFFF3800  }
0x89: {  	[tilespmem:s2], [sflag:$0x5] =	stream.linear.gather [hbm4b:s18+s2], $0x640, $0x38;
	[tilespmem:$0x19C80] =	vst v63  }
0x8a: {  	_ =	swait.ge [sflag:s3], $0x640  }
0x8b: {  	[sflag:s3] =	ssyncset.done $0x0  }
0x8c: {  	[sflag:s3] =	ssyncadd.s32 $0xFFFFF9C0  }
0x8d: {  	[tilespmem:s6], [sflag:$0x1] =	stream.indirect.gather [hbm4b:s4+s5], $0x20, s2, s5, $0xb8;
	[tilespmem:$0x19C80] =	vst v63  }
0x8e: {  	_ =	swait.ge [sflag:s10], $0xC800  }
0x8f: {  	s19 =	sshll.u32 s19, $0x2;
	[sflag:s10] =	ssyncset.done $0x0  }
0x90: {  	s19 =	sadd.s32 s1, s19;
	[sflag:s10] =	ssyncadd.s32 $0xFFFF3800  }
0x91: {  	[hbm4b:s19+s2] =	stream.linear.scatter [tilespmem:s7], [sflag:$0x4], $0xC800, $0x38;
	[tilespmem:$0x19C80] =	vst v63  }
0x92: {  	s23 =	sadd.s32 $0x44C0, s30;
	_ =	swait.ge [sflag:s11], $0xC800  }
0x93: {  	s20 =	sshrl.u32 s23, $0x3;
	[sflag:s11] =	ssyncset.done $0x0  }
0x94: {  	s20 =	sadd.s32 s29, s20;
	[sflag:s11] =	ssyncadd.s32 $0xFFFF3800  }
0x95: {  	[tilespmem:s5], [sflag:$0x5] =	stream.linear.gather [hbm4b:s20+s2], $0x640, $0x38;
	[tilespmem:$0x19C80] =	vst v63  }
0x96: {  	_ =	swait.ge [sflag:s3], $0x640  }
0x97: {  	[sflag:s3] =	ssyncset.done $0x0  }
0x98: {  	[sflag:s3] =	ssyncadd.s32 $0xFFFFF9C0  }
0x99: {  	[tilespmem:s7], [sflag:$0x2] =	stream.indirect.gather [hbm4b:s4+s5], $0x20, s5, s5, $0xb8;
	[tilespmem:$0x19C80] =	vst v63  }
0x9a: {  	_ =	swait.ge [sflag:s8], $0xC800  }
0x9b: {  	s21 =	sshll.u32 s21, $0x2;
	[sflag:s8] =	ssyncset.done $0x0  }
0x9c: {  	s21 =	sadd.s32 s1, s21;
	[sflag:s8] =	ssyncadd.s32 $0xFFFF3800  }
0x9d: {  	[hbm4b:s21+s2] =	stream.linear.scatter [tilespmem:s6], [sflag:$0x3], $0xC800, $0x38;
	[tilespmem:$0x19C80] =	vst v63  }
0x9e: {  	s25 =	sadd.s32 $0x4B00, s30;
	_ =	swait.ge [sflag:s9], $0xC800  }
0x9f: {  	s22 =	sshrl.u32 s25, $0x3;
	[sflag:s9] =	ssyncset.done $0x0  }
0xa0: {  	s22 =	sadd.s32 s29, s22;
	[sflag:s9] =	ssyncadd.s32 $0xFFFF3800  }
0xa1: {  	[tilespmem:s2], [sflag:$0x5] =	stream.linear.gather [hbm4b:s22+s2], $0x640, $0x38;
	[tilespmem:$0x19C80] =	vst v63  }
0xa2: {  	_ =	swait.ge [sflag:s3], $0x640  }
0xa3: {  	[sflag:s3] =	ssyncset.done $0x0  }
0xa4: {  	[sflag:s3] =	ssyncadd.s32 $0xFFFFF9C0  }
0xa5: {  	[tilespmem:s6], [sflag:$0x1] =	stream.indirect.gather [hbm4b:s4+s5], $0x20, s2, s5, $0xb8;
	[tilespmem:$0x19C80] =	vst v63  }
0xa6: {  	_ =	swait.ge [sflag:s10], $0xC800  }
0xa7: {  	s23 =	sshll.u32 s23, $0x2;
	[sflag:s10] =	ssyncset.done $0x0  }
0xa8: {  	s23 =	sadd.s32 s1, s23;
	[sflag:s10] =	ssyncadd.s32 $0xFFFF3800  }
0xa9: {  	[hbm4b:s23+s2] =	stream.linear.scatter [tilespmem:s7], [sflag:$0x4], $0xC800, $0x38;
	[tilespmem:$0x19C80] =	vst v63  }
0xaa: {  	s28 =	sadd.s32 $0x5140, s30;
	_ =	swait.ge [sflag:s11], $0xC800  }
0xab: {  	s24 =	sshrl.u32 s28, $0x3;
	[sflag:s11] =	ssyncset.done $0x0  }
0xac: {  	s24 =	sadd.s32 s29, s24;
	[sflag:s11] =	ssyncadd.s32 $0xFFFF3800  }
0xad: {  	[tilespmem:s5], [sflag:$0x5] =	stream.linear.gather [hbm4b:s24+s2], $0x640, $0x38;
	[tilespmem:$0x19C80] =	vst v63  }
0xae: {  	_ =	swait.ge [sflag:s3], $0x640  }
0xaf: {  	[sflag:s3] =	ssyncset.done $0x0  }
0xb0: {  	[sflag:s3] =	ssyncadd.s32 $0xFFFFF9C0  }
0xb1: {  	[tilespmem:s7], [sflag:$0x2] =	stream.indirect.gather [hbm4b:s4+s5], $0x20, s5, s5, $0xb8;
	[tilespmem:$0x19C80] =	vst v63  }
0xb2: {  	_ =	swait.ge [sflag:s8], $0xC800  }
0xb3: {  	s25 =	sshll.u32 s25, $0x2;
	[sflag:s8] =	ssyncset.done $0x0  }
0xb4: {  	s25 =	sadd.s32 s1, s25;
	[sflag:s8] =	ssyncadd.s32 $0xFFFF3800  }
0xb5: {  	[hbm4b:s25+s2] =	stream.linear.scatter [tilespmem:s6], [sflag:$0x3], $0xC800, $0x38;
	[tilespmem:$0x19C80] =	vst v63  }
0xb6: {  	s31 =	sadd.s32 $0x5780, s30;
	_ =	swait.ge [sflag:s9], $0xC800  }
0xb7: {  	s26 =	sshrl.u32 s31, $0x3;
	[sflag:s9] =	ssyncset.done $0x0  }
0xb8: {  	s26 =	sadd.s32 s29, s26;
	[sflag:s9] =	ssyncadd.s32 $0xFFFF3800  }
0xb9: {  	[tilespmem:s2], [sflag:$0x5] =	stream.linear.gather [hbm4b:s26+s2], $0x640, $0x38;
	[tilespmem:$0x19C80] =	vst v63  }
0xba: {  	_ =	swait.ge [sflag:s3], $0x640  }
0xbb: {  	[sflag:s3] =	ssyncset.done $0x0  }
0xbc: {  	[sflag:s3] =	ssyncadd.s32 $0xFFFFF9C0  }
0xbd: {  	[tilespmem:s6], [sflag:$0x1] =	stream.indirect.gather [hbm4b:s4+s5], $0x20, s2, s5, $0xb8;
	[tilespmem:$0x19C80] =	vst v63  }
0xbe: {  	_ =	swait.ge [sflag:s10], $0xC800  }
0xbf: {  	s28 =	sshll.u32 s28, $0x2;
	[sflag:s10] =	ssyncset.done $0x0  }
0xc0: {  	s28 =	sadd.s32 s1, s28;
	[sflag:s10] =	ssyncadd.s32 $0xFFFF3800  }
0xc1: {  	[hbm4b:s28+s2] =	stream.linear.scatter [tilespmem:s7], [sflag:$0x4], $0xC800, $0x38;
	[tilespmem:$0x19C80] =	vst v63  }
0xc2: {  	s0 =	sadd.s32 $0x5DC0, s30;
	_ =	swait.ge [sflag:s11], $0xC800  }
0xc3: {  	s30 =	sshrl.u32 s0, $0x3;
	[sflag:s11] =	ssyncset.done $0x0  }
0xc4: {  	s29 =	sadd.s32 s29, s30;
	[sflag:s11] =	ssyncadd.s32 $0xFFFF3800  }
0xc5: {  	[tilespmem:s5], [sflag:$0x5] =	stream.linear.gather [hbm4b:s29+s2], $0x640, $0x38;
	[tilespmem:$0x19C80] =	vst v63  }
0xc6: {  	_ =	swait.ge [sflag:s3], $0x640  }
0xc7: {  	[sflag:s3] =	ssyncset.done $0x0  }
0xc8: {  	[sflag:s3] =	ssyncadd.s32 $0xFFFFF9C0  }
0xc9: {  	[tilespmem:s7], [sflag:$0x2] =	stream.indirect.gather [hbm4b:s4+s5], $0x20, s5, s5, $0xb8;
	[tilespmem:$0x19C80] =	vst v63  }
0xca: {  	_ =	swait.ge [sflag:s8], $0xC800  }
0xcb: {  	s30 =	sshll.u32 s31, $0x2;
	[sflag:s8] =	ssyncset.done $0x0  }
0xcc: {  	s30 =	sadd.s32 s1, s30;
	[sflag:s8] =	ssyncadd.s32 $0xFFFF3800  }
0xcd: {  	[hbm4b:s30+s2] =	stream.linear.scatter [tilespmem:s6], [sflag:$0x3], $0xC800, $0x38;
	[tilespmem:$0x19C80] =	vst v63  }
0xce: {  	s0 =	sshll.u32 s0, $0x2;
	_ =	swait.ge [sflag:s10], $0xC800  }
0xcf: {  	s31 =	sadd.s32 s1, s0;
	[sflag:s10] =	ssyncset.done $0x0;
	s1 =	rddreg [dreg:$0x10]  }
0xd0: {  	s0 =	ssub.s32 $0x2, s1;
	[sflag:s10] =	ssyncadd.s32 $0xFFFF3800  }
0xd1: {  	[hbm4b:s31+s2] =	stream.linear.scatter [tilespmem:s7], [sflag:$0x4], $0xC800, $0x38;
	[tilespmem:$0x19C80] =	vst v63  }
0xd2: {  	s1 =	sshrl.u32 s0, $0x1  }
0xd3: {  	s0 =	ssub.s32 s0, s1  }
0xd4: {  	s0 =	smax.u32 s0, $0x1  }
0xd5: {  	p0 =	sne.s32 s0, $0x1  }
.Ltmp0:
0xd6: {  	_ =	swait.ge [sflag:s9], $0xC800;
	(pc) =	sbr.rel @!p0 .LBB2_2-.Ltmp0, $4  }
0xd7: {  	[sflag:s9] =	ssyncset.done $0x0  }
0xd8: {  	[sflag:s9] =	ssyncadd.s32 $0xFFFF3800  }
0xd9: {  	_ =	swait.ge [sflag:s11], $0xC800  }
0xda: {  	s1 =	sadd.s32 $0xFFFFFFFF, s0;
	[sflag:s11] =	ssyncset.done $0x0  }
.LBB2_1:
0xdb: {  	s0 =	rddreg [dreg:$0x3];
	[sflag:s11] =	ssyncadd.s32 $0xFFFF3800  }
0xdc: {  	[tilespmem:s2], [sflag:$0x5] =	stream.linear.gather [hbm4b:s0+s2], $0x640, $0x38;
	[tilespmem:$0x19C80] =	vst v63  }
0xdd: {  	_ =	swait.ge [sflag:s3], $0x640  }
0xde: {  	[sflag:s3] =	ssyncset.done $0x0  }
0xdf: {  	[sflag:s3] =	ssyncadd.s32 $0xFFFFF9C0  }
0xe0: {  	[tilespmem:s6], [sflag:$0x1] =	stream.indirect.gather [hbm4b:s4+s5], $0x20, s2, s5, $0xb8;
	[tilespmem:$0x19C80] =	vst v63  }
0xe1: {  	s0 =	rddreg [dreg:$0x4]  }
0xe2: {  	[tilespmem:s5], [sflag:$0x5] =	stream.linear.gather [hbm4b:s0+s2], $0x640, $0x38;
	[tilespmem:$0x19C80] =	vst v63  }
0xe3: {  	_ =	swait.ge [sflag:s3], $0x640  }
0xe4: {  	[sflag:s3] =	ssyncset.done $0x0  }
0xe5: {  	[sflag:s3] =	ssyncadd.s32 $0xFFFFF9C0  }
0xe6: {  	[tilespmem:s7], [sflag:$0x2] =	stream.indirect.gather [hbm4b:s4+s5], $0x20, s5, s5, $0xb8;
	[tilespmem:$0x19C80] =	vst v63  }
0xe7: {  	_ =	swait.ge [sflag:s8], $0xC800  }
0xe8: {  	[sflag:s8] =	ssyncset.done $0x0  }
0xe9: {  	s0 =	rddreg [dreg:$0x5];
	[sflag:s8] =	ssyncadd.s32 $0xFFFF3800  }
0xea: {  	[hbm4b:s0+s2] =	stream.linear.scatter [tilespmem:s6], [sflag:$0x3], $0xC800, $0x38;
	[tilespmem:$0x19C80] =	vst v63  }
0xeb: {  	_ =	swait.ge [sflag:s9], $0xC800  }
0xec: {  	[sflag:s9] =	ssyncset.done $0x0  }
0xed: {  	s0 =	rddreg [dreg:$0x6];
	[sflag:s9] =	ssyncadd.s32 $0xFFFF3800  }
0xee: {  	[tilespmem:s2], [sflag:$0x5] =	stream.linear.gather [hbm4b:s0+s2], $0x640, $0x38;
	[tilespmem:$0x19C80] =	vst v63  }
0xef: {  	_ =	swait.ge [sflag:s3], $0x640  }
0xf0: {  	[sflag:s3] =	ssyncset.done $0x0  }
0xf1: {  	[sflag:s3] =	ssyncadd.s32 $0xFFFFF9C0  }
0xf2: {  	[tilespmem:s6], [sflag:$0x1] =	stream.indirect.gather [hbm4b:s4+s5], $0x20, s2, s5, $0xb8;
	[tilespmem:$0x19C80] =	vst v63  }
0xf3: {  	_ =	swait.ge [sflag:s10], $0xC800  }
0xf4: {  	[sflag:s10] =	ssyncset.done $0x0  }
0xf5: {  	s0 =	rddreg [dreg:$0x7];
	[sflag:s10] =	ssyncadd.s32 $0xFFFF3800  }
0xf6: {  	[hbm4b:s0+s2] =	stream.linear.scatter [tilespmem:s7], [sflag:$0x4], $0xC800, $0x38;
	[tilespmem:$0x19C80] =	vst v63  }
0xf7: {  	_ =	swait.ge [sflag:s11], $0xC800  }
0xf8: {  	[sflag:s11] =	ssyncset.done $0x0  }
0xf9: {  	s0 =	rddreg [dreg:$0x8];
	[sflag:s11] =	ssyncadd.s32 $0xFFFF3800  }
0xfa: {  	[tilespmem:s5], [sflag:$0x5] =	stream.linear.gather [hbm4b:s0+s2], $0x640, $0x38;
	[tilespmem:$0x19C80] =	vst v63  }
0xfb: {  	_ =	swait.ge [sflag:s3], $0x640  }
0xfc: {  	[sflag:s3] =	ssyncset.done $0x0  }
0xfd: {  	[sflag:s3] =	ssyncadd.s32 $0xFFFFF9C0  }
0xfe: {  	[tilespmem:s7], [sflag:$0x2] =	stream.indirect.gather [hbm4b:s4+s5], $0x20, s5, s5, $0xb8;
	[tilespmem:$0x19C80] =	vst v63  }
0xff: {  	_ =	swait.ge [sflag:s8], $0xC800  }
0x100: {  	[sflag:s8] =	ssyncset.done $0x0  }
0x101: {  	s0 =	rddreg [dreg:$0x9];
	[sflag:s8] =	ssyncadd.s32 $0xFFFF3800  }
0x102: {  	[hbm4b:s0+s2] =	stream.linear.scatter [tilespmem:s6], [sflag:$0x3], $0xC800, $0x38;
	[tilespmem:$0x19C80] =	vst v63  }
0x103: {  	_ =	swait.ge [sflag:s9], $0xC800  }
0x104: {  	[sflag:s9] =	ssyncset.done $0x0  }
0x105: {  	s0 =	rddreg [dreg:$0xa];
	[sflag:s9] =	ssyncadd.s32 $0xFFFF3800  }
0x106: {  	[tilespmem:s2], [sflag:$0x5] =	stream.linear.gather [hbm4b:s0+s2], $0x640, $0x38;
	[tilespmem:$0x19C80] =	vst v63  }
0x107: {  	_ =	swait.ge [sflag:s3], $0x640  }
0x108: {  	[sflag:s3] =	ssyncset.done $0x0  }
0x109: {  	[sflag:s3] =	ssyncadd.s32 $0xFFFFF9C0  }
0x10a: {  	[tilespmem:s6], [sflag:$0x1] =	stream.indirect.gather [hbm4b:s4+s5], $0x20, s2, s5, $0xb8;
	[tilespmem:$0x19C80] =	vst v63  }
0x10b: {  	_ =	swait.ge [sflag:s10], $0xC800  }
0x10c: {  	[sflag:s10] =	ssyncset.done $0x0  }
0x10d: {  	s0 =	rddreg [dreg:$0xb];
	[sflag:s10] =	ssyncadd.s32 $0xFFFF3800  }
0x10e: {  	[hbm4b:s0+s2] =	stream.linear.scatter [tilespmem:s7], [sflag:$0x4], $0xC800, $0x38;
	[tilespmem:$0x19C80] =	vst v63  }
0x10f: {  	_ =	swait.ge [sflag:s11], $0xC800  }
0x110: {  	[sflag:s11] =	ssyncset.done $0x0  }
0x111: {  	s0 =	rddreg [dreg:$0xc];
	[sflag:s11] =	ssyncadd.s32 $0xFFFF3800  }
0x112: {  	[tilespmem:s5], [sflag:$0x5] =	stream.linear.gather [hbm4b:s0+s2], $0x640, $0x38;
	[tilespmem:$0x19C80] =	vst v63  }
0x113: {  	_ =	swait.ge [sflag:s3], $0x640  }
0x114: {  	[sflag:s3] =	ssyncset.done $0x0  }
0x115: {  	[sflag:s3] =	ssyncadd.s32 $0xFFFFF9C0  }
0x116: {  	[tilespmem:s7], [sflag:$0x2] =	stream.indirect.gather [hbm4b:s4+s5], $0x20, s5, s5, $0xb8;
	[tilespmem:$0x19C80] =	vst v63  }
0x117: {  	_ =	swait.ge [sflag:s8], $0xC800  }
0x118: {  	[sflag:s8] =	ssyncset.done $0x0  }
0x119: {  	s0 =	rddreg [dreg:$0xd];
	[sflag:s8] =	ssyncadd.s32 $0xFFFF3800  }
0x11a: {  	[hbm4b:s0+s2] =	stream.linear.scatter [tilespmem:s6], [sflag:$0x3], $0xC800, $0x38;
	[tilespmem:$0x19C80] =	vst v63  }
0x11b: {  	_ =	swait.ge [sflag:s9], $0xC800  }
0x11c: {  	[sflag:s9] =	ssyncset.done $0x0  }
0x11d: {  	s0 =	rddreg [dreg:$0xe];
	[sflag:s9] =	ssyncadd.s32 $0xFFFF3800  }
0x11e: {  	[tilespmem:s2], [sflag:$0x5] =	stream.linear.gather [hbm4b:s0+s2], $0x640, $0x38;
	[tilespmem:$0x19C80] =	vst v63  }
0x11f: {  	_ =	swait.ge [sflag:s3], $0x640  }
0x120: {  	[sflag:s3] =	ssyncset.done $0x0  }
0x121: {  	[sflag:s3] =	ssyncadd.s32 $0xFFFFF9C0  }
0x122: {  	[tilespmem:s6], [sflag:$0x1] =	stream.indirect.gather [hbm4b:s4+s5], $0x20, s2, s5, $0xb8;
	[tilespmem:$0x19C80] =	vst v63  }
0x123: {  	_ =	swait.ge [sflag:s10], $0xC800  }
0x124: {  	[sflag:s10] =	ssyncset.done $0x0  }
0x125: {  	s0 =	rddreg [dreg:$0xf];
	[sflag:s10] =	ssyncadd.s32 $0xFFFF3800  }
0x126: {  	[hbm4b:s0+s2] =	stream.linear.scatter [tilespmem:s7], [sflag:$0x4], $0xC800, $0x38;
	[tilespmem:$0x19C80] =	vst v63  }
0x127: {  	_ =	swait.ge [sflag:s11], $0xC800  }
0x128: {  	[sflag:s11] =	ssyncset.done $0x0  }
0x129: {  	[sflag:s11] =	ssyncadd.s32 $0xFFFF3800  }
0x12a: {  	[tilespmem:s5], [sflag:$0x5] =	stream.linear.gather [hbm4b:s12+s2], $0x640, $0x38;
	[tilespmem:$0x19C80] =	vst v63  }
0x12b: {  	_ =	swait.ge [sflag:s3], $0x640  }
0x12c: {  	[sflag:s3] =	ssyncset.done $0x0  }
0x12d: {  	[sflag:s3] =	ssyncadd.s32 $0xFFFFF9C0  }
0x12e: {  	[tilespmem:s7], [sflag:$0x2] =	stream.indirect.gather [hbm4b:s4+s5], $0x20, s5, s5, $0xb8;
	[tilespmem:$0x19C80] =	vst v63  }
0x12f: {  	_ =	swait.ge [sflag:s8], $0xC800  }
0x130: {  	[sflag:s8] =	ssyncset.done $0x0  }
0x131: {  	[sflag:s8] =	ssyncadd.s32 $0xFFFF3800  }
0x132: {  	[hbm4b:s13+s2] =	stream.linear.scatter [tilespmem:s6], [sflag:$0x3], $0xC800, $0x38;
	[tilespmem:$0x19C80] =	vst v63  }
0x133: {  	_ =	swait.ge [sflag:s9], $0xC800  }
0x134: {  	[sflag:s9] =	ssyncset.done $0x0  }
0x135: {  	[sflag:s9] =	ssyncadd.s32 $0xFFFF3800  }
0x136: {  	[tilespmem:s2], [sflag:$0x5] =	stream.linear.gather [hbm4b:s14+s2], $0x640, $0x38;
	[tilespmem:$0x19C80] =	vst v63  }
0x137: {  	_ =	swait.ge [sflag:s3], $0x640  }
0x138: {  	[sflag:s3] =	ssyncset.done $0x0  }
0x139: {  	[sflag:s3] =	ssyncadd.s32 $0xFFFFF9C0  }
0x13a: {  	[tilespmem:s6], [sflag:$0x1] =	stream.indirect.gather [hbm4b:s4+s5], $0x20, s2, s5, $0xb8;
	[tilespmem:$0x19C80] =	vst v63  }
0x13b: {  	_ =	swait.ge [sflag:s10], $0xC800  }
0x13c: {  	[sflag:s10] =	ssyncset.done $0x0  }
0x13d: {  	[sflag:s10] =	ssyncadd.s32 $0xFFFF3800  }
0x13e: {  	[hbm4b:s15+s2] =	stream.linear.scatter [tilespmem:s7], [sflag:$0x4], $0xC800, $0x38;
	[tilespmem:$0x19C80] =	vst v63  }
0x13f: {  	_ =	swait.ge [sflag:s11], $0xC800  }
0x140: {  	[sflag:s11] =	ssyncset.done $0x0  }
0x141: {  	[sflag:s11] =	ssyncadd.s32 $0xFFFF3800  }
0x142: {  	[tilespmem:s5], [sflag:$0x5] =	stream.linear.gather [hbm4b:s16+s2], $0x640, $0x38;
	[tilespmem:$0x19C80] =	vst v63  }
0x143: {  	_ =	swait.ge [sflag:s3], $0x640  }
0x144: {  	[sflag:s3] =	ssyncset.done $0x0  }
0x145: {  	[sflag:s3] =	ssyncadd.s32 $0xFFFFF9C0  }
0x146: {  	[tilespmem:s7], [sflag:$0x2] =	stream.indirect.gather [hbm4b:s4+s5], $0x20, s5, s5, $0xb8;
	[tilespmem:$0x19C80] =	vst v63  }
0x147: {  	_ =	swait.ge [sflag:s8], $0xC800  }
0x148: {  	[sflag:s8] =	ssyncset.done $0x0  }
0x149: {  	[sflag:s8] =	ssyncadd.s32 $0xFFFF3800  }
0x14a: {  	[hbm4b:s17+s2] =	stream.linear.scatter [tilespmem:s6], [sflag:$0x3], $0xC800, $0x38;
	[tilespmem:$0x19C80] =	vst v63  }
0x14b: {  	_ =	swait.ge [sflag:s9], $0xC800  }
0x14c: {  	[sflag:s9] =	ssyncset.done $0x0  }
0x14d: {  	[sflag:s9] =	ssyncadd.s32 $0xFFFF3800  }
0x14e: {  	[tilespmem:s2], [sflag:$0x5] =	stream.linear.gather [hbm4b:s18+s2], $0x640, $0x38;
	[tilespmem:$0x19C80] =	vst v63  }
0x14f: {  	_ =	swait.ge [sflag:s3], $0x640  }
0x150: {  	[sflag:s3] =	ssyncset.done $0x0  }
0x151: {  	[sflag:s3] =	ssyncadd.s32 $0xFFFFF9C0  }
0x152: {  	[tilespmem:s6], [sflag:$0x1] =	stream.indirect.gather [hbm4b:s4+s5], $0x20, s2, s5, $0xb8;
	[tilespmem:$0x19C80] =	vst v63  }
0x153: {  	_ =	swait.ge [sflag:s10], $0xC800  }
0x154: {  	[sflag:s10] =	ssyncset.done $0x0  }
0x155: {  	[sflag:s10] =	ssyncadd.s32 $0xFFFF3800  }
0x156: {  	[hbm4b:s19+s2] =	stream.linear.scatter [tilespmem:s7], [sflag:$0x4], $0xC800, $0x38;
	[tilespmem:$0x19C80] =	vst v63  }
0x157: {  	_ =	swait.ge [sflag:s11], $0xC800  }
0x158: {  	[sflag:s11] =	ssyncset.done $0x0  }
0x159: {  	[sflag:s11] =	ssyncadd.s32 $0xFFFF3800  }
0x15a: {  	[tilespmem:s5], [sflag:$0x5] =	stream.linear.gather [hbm4b:s20+s2], $0x640, $0x38;
	[tilespmem:$0x19C80] =	vst v63  }
0x15b: {  	_ =	swait.ge [sflag:s3], $0x640  }
0x15c: {  	[sflag:s3] =	ssyncset.done $0x0  }
0x15d: {  	[sflag:s3] =	ssyncadd.s32 $0xFFFFF9C0  }
0x15e: {  	[tilespmem:s7], [sflag:$0x2] =	stream.indirect.gather [hbm4b:s4+s5], $0x20, s5, s5, $0xb8;
	[tilespmem:$0x19C80] =	vst v63  }
0x15f: {  	_ =	swait.ge [sflag:s8], $0xC800  }
0x160: {  	[sflag:s8] =	ssyncset.done $0x0  }
0x161: {  	[sflag:s8] =	ssyncadd.s32 $0xFFFF3800  }
0x162: {  	[hbm4b:s21+s2] =	stream.linear.scatter [tilespmem:s6], [sflag:$0x3], $0xC800, $0x38;
	[tilespmem:$0x19C80] =	vst v63  }
0x163: {  	_ =	swait.ge [sflag:s9], $0xC800  }
0x164: {  	[sflag:s9] =	ssyncset.done $0x0  }
0x165: {  	[sflag:s9] =	ssyncadd.s32 $0xFFFF3800  }
0x166: {  	[tilespmem:s2], [sflag:$0x5] =	stream.linear.gather [hbm4b:s22+s2], $0x640, $0x38;
	[tilespmem:$0x19C80] =	vst v63  }
0x167: {  	_ =	swait.ge [sflag:s3], $0x640  }
0x168: {  	[sflag:s3] =	ssyncset.done $0x0  }
0x169: {  	[sflag:s3] =	ssyncadd.s32 $0xFFFFF9C0  }
0x16a: {  	[tilespmem:s6], [sflag:$0x1] =	stream.indirect.gather [hbm4b:s4+s5], $0x20, s2, s5, $0xb8;
	[tilespmem:$0x19C80] =	vst v63  }
0x16b: {  	_ =	swait.ge [sflag:s10], $0xC800  }
0x16c: {  	[sflag:s10] =	ssyncset.done $0x0  }
0x16d: {  	[sflag:s10] =	ssyncadd.s32 $0xFFFF3800  }
0x16e: {  	[hbm4b:s23+s2] =	stream.linear.scatter [tilespmem:s7], [sflag:$0x4], $0xC800, $0x38;
	[tilespmem:$0x19C80] =	vst v63  }
0x16f: {  	_ =	swait.ge [sflag:s11], $0xC800  }
0x170: {  	[sflag:s11] =	ssyncset.done $0x0  }
0x171: {  	[sflag:s11] =	ssyncadd.s32 $0xFFFF3800  }
0x172: {  	[tilespmem:s5], [sflag:$0x5] =	stream.linear.gather [hbm4b:s24+s2], $0x640, $0x38;
	[tilespmem:$0x19C80] =	vst v63  }
0x173: {  	_ =	swait.ge [sflag:s3], $0x640  }
0x174: {  	[sflag:s3] =	ssyncset.done $0x0  }
0x175: {  	[sflag:s3] =	ssyncadd.s32 $0xFFFFF9C0  }
0x176: {  	[tilespmem:s7], [sflag:$0x2] =	stream.indirect.gather [hbm4b:s4+s5], $0x20, s5, s5, $0xb8;
	[tilespmem:$0x19C80] =	vst v63  }
0x177: {  	_ =	swait.ge [sflag:s8], $0xC800  }
0x178: {  	[sflag:s8] =	ssyncset.done $0x0  }
0x179: {  	[sflag:s8] =	ssyncadd.s32 $0xFFFF3800  }
0x17a: {  	[hbm4b:s25+s2] =	stream.linear.scatter [tilespmem:s6], [sflag:$0x3], $0xC800, $0x38;
	[tilespmem:$0x19C80] =	vst v63  }
0x17b: {  	_ =	swait.ge [sflag:s9], $0xC800  }
0x17c: {  	[sflag:s9] =	ssyncset.done $0x0  }
0x17d: {  	[sflag:s9] =	ssyncadd.s32 $0xFFFF3800  }
0x17e: {  	[tilespmem:s2], [sflag:$0x5] =	stream.linear.gather [hbm4b:s26+s2], $0x640, $0x38;
	[tilespmem:$0x19C80] =	vst v63  }
0x17f: {  	_ =	swait.ge [sflag:s3], $0x640  }
0x180: {  	[sflag:s3] =	ssyncset.done $0x0  }
0x181: {  	[sflag:s3] =	ssyncadd.s32 $0xFFFFF9C0  }
0x182: {  	[tilespmem:s6], [sflag:$0x1] =	stream.indirect.gather [hbm4b:s4+s5], $0x20, s2, s5, $0xb8;
	[tilespmem:$0x19C80] =	vst v63  }
0x183: {  	_ =	swait.ge [sflag:s10], $0xC800  }
0x184: {  	[sflag:s10] =	ssyncset.done $0x0  }
0x185: {  	[sflag:s10] =	ssyncadd.s32 $0xFFFF3800  }
0x186: {  	[hbm4b:s28+s2] =	stream.linear.scatter [tilespmem:s7], [sflag:$0x4], $0xC800, $0x38;
	[tilespmem:$0x19C80] =	vst v63  }
0x187: {  	_ =	swait.ge [sflag:s11], $0xC800  }
0x188: {  	[sflag:s11] =	ssyncset.done $0x0  }
0x189: {  	[sflag:s11] =	ssyncadd.s32 $0xFFFF3800  }
0x18a: {  	[tilespmem:s5], [sflag:$0x5] =	stream.linear.gather [hbm4b:s29+s2], $0x640, $0x38;
	[tilespmem:$0x19C80] =	vst v63  }
0x18b: {  	_ =	swait.ge [sflag:s3], $0x640  }
0x18c: {  	[sflag:s3] =	ssyncset.done $0x0  }
0x18d: {  	[sflag:s3] =	ssyncadd.s32 $0xFFFFF9C0  }
0x18e: {  	[tilespmem:s7], [sflag:$0x2] =	stream.indirect.gather [hbm4b:s4+s5], $0x20, s5, s5, $0xb8;
	[tilespmem:$0x19C80] =	vst v63  }
0x18f: {  	_ =	swait.ge [sflag:s8], $0xC800  }
0x190: {  	[sflag:s8] =	ssyncset.done $0x0  }
0x191: {  	[sflag:s8] =	ssyncadd.s32 $0xFFFF3800  }
0x192: {  	[hbm4b:s30+s2] =	stream.linear.scatter [tilespmem:s6], [sflag:$0x3], $0xC800, $0x38;
	[tilespmem:$0x19C80] =	vst v63  }
0x193: {  	_ =	swait.ge [sflag:s10], $0xC800  }
0x194: {  	[sflag:s10] =	ssyncset.done $0x0  }
0x195: {  	p0 =	sne.s32 s1, $0x1;
	[sflag:s10] =	ssyncadd.s32 $0xFFFF3800  }
0x196: {  	[hbm4b:s31+s2] =	stream.linear.scatter [tilespmem:s7], [sflag:$0x4], $0xC800, $0x38;
	[tilespmem:$0x19C80] =	vst v63  }
.Ltmp1:
0x197: {  	_ =	swait.ge [sflag:s9], $0xC800;
	(pc) =	sbr.rel @p0 .LBB2_1-.Ltmp1, $4  }
0x198: {  	[sflag:s9] =	ssyncset.done $0x0  }
0x199: {  	[sflag:s9] =	ssyncadd.s32 $0xFFFF3800  }
0x19a: {  	_ =	swait.ge [sflag:s11], $0xC800  }
0x19b: {  	s1 =	sadd.s32 $0xFFFFFFFF, s1;
	[sflag:s11] =	ssyncset.done $0x0  }
.LBB2_2:
0x19c: {  	[sflag:s11] =	ssyncadd.s32 $0xFFFF3800  }
0x19d: {  	_ =	sfence.sel $0x180000  }
0x19e: {  	[bflag:$0x0] =	sbarrier.arrive $0xFFFF  }
0x19f: {  	_ =	strace $0x90000047  }
0x1a0: {  	s0 =	stileid.u32;
	[bflag:$0x2] =	sbarrier.arrive $0xFFFF  }
0x1a1: {  	p0 =	sne.s32 s0, $0x0;
	s0 =	rddreg [dreg:$0x2]  }
0x1a2: {  	s0 =	sadd.s32 @!p0 $0x100000, s0  }
0x1a3: {  	[sflag:s0] =	ssyncadd.tile.s32 @!p0 $0x1;
	_ =	shalt  }
.Lfunc_end2:
_tile_overlayer_lowered:
.L_overlay_start_2:
0x1a4: {  	(tag) =	ssettag $0x2  }
0x1a5: {  	s0 =	rddreg [dreg:$0x0];
	s2 =	stileid.u32  }
0x1a6: {  	s1 =	rddreg [dreg:$0x1];
	p0 =	sne.s32 s2, $0x0  }
0x1a7: {  	s3 =	rddreg [dreg:$0x2];
	[bflag:$0x3] =	sbarrier.arrive $0xFFFF;
	s2 =	simm.s32 @!p0 $0x1C05  }
0x1a8: {  	[timem:s3], [sflag:s2] =	dma.local @!p0 [hbm:s0], s1  }
0x1a9: {  	s0 =	simm.s32 @!p0 $0x5  }
0x1aa: {  	_ =	swait.ge @!p0 [sflag:s0], s1  }
0x1ab: {  	s1 =	ssub.s32 @!p0 $0x0, s1;
	[sflag:s0] =	ssyncset.done @!p0 $0x0  }
0x1ac: {  	[sflag:s0] =	ssyncadd.s32 @!p0 s1  }
0x1ad: {  	[bflag:$0x3] =	sbarrier.arrive $0xFFFF  }
0x1ae: {  	_ =	shalt  }

// kernel: sparse-core-data-format-call.1.cloned.1.call-start
scs
called_computation.1_lowered:
.L_overlay_start_0:
0x0: {  	s2 =	sld [smem:$0x3FD9]  }
0x1: {  	s3 =	sld [smem:$0x3FFE];
	_ =	sdelay $0x1  }
0x2: {  	s1 =	srdreg.scid  }
0x3: {  	s0 =	sand.u32 $0x1, s1  }
0x4: {  	s18 =	sshll.u32 s0, $0xA;
	s2 =	sadd.s32 s3, s2  }
0x5: {  	s2 =	sadd.s32 s2, s18  }
0x6: {  	[smem:$0x3FC6] =	sst s2  }
0x7: {  	_ = 	snop  }
0x8: {  	s2 =	sld [smem:$0x3FD0];
	(tm) =	ssettm $0x1  }
0x9: {  	s19 =	sld [smem:$0x3FFB];
	_ =	sdelay $0x3  }
0xa: {  	_ =	strace s19  }
0xb: {  	s3 =	sld [smem:$0x3FFC];
	_ =	sdelay $0x3  }
0xc: {  	_ =	strace s3  }
0xd: {  	s3 =	sld [smem:$0x3FFD];
	_ =	sdelay $0x3  }
0xe: {  	_ =	strace s3  }
0xf: {  	_ =	strace $0x8FFFFFFF  }
0x10: {  	s20 =	sld [smem:$0x3FDB];
	_ =	sdelay $0x1  }
0x11: {  	s4 =	simm.s32 $_scs_section_size  }
0x12: {  	s5 =	simm.s32 $_size__tile_overlayer_lowered;
	s6 =	simm.s32 $_tile_overlayer_lowered  }
0x13: {  	s23 =	simm.s32 $0x1BFF;
	s22 =	sshll.u32 s6, $0x1;
	s3 =	sadd.s32 s4, s20  }
0x14: {  	s7 =	simm.s32 $0x0;
	s21 =	sshll.u32 s5, $0x1;
	s5 =	sadd.s32 s22, s3  }
0x15: {  	[timem:s7], [sflag:s23] =	dma.local [hbm:s5], s21  }
0x16: {  	_ =	swait.ge [sflag:s23], s21  }
0x17: {  	s4 =	ssub.s32 $0x0, s21;
	[sflag:s23] =	ssyncset.done $0x0  }
0x18: {  	[sflag:s23] =	ssyncadd.s32 s4;
	_ =	sdelay $0x1  }
0x19: {  	s24 =	simm.s32 $0x1B8B  }
0x1a: {  	_ =	swait.ge [sflag:s24], $0x1  }
0x1b: {  	[sflag:s24] =	ssyncset.done $0x0  }
0x1c: {  	s26 =	simm.s32 $0x1B8E;
	s25 =	sld [smem:$0x3FFE];
	[sflag:s24] =	ssyncadd.s32 $0xFFFFFFFF  }
0x1d: {  	s27 =	simm.s32 $execute0_lowered;
	[smem:$0x3FD2] =	sst s26  }
0x1e: {  	s5 =	sshll.u32 s27, $0x1;
	_ =	strace $0x80000049;
	[dreg:$0x1] =	wrdreg $0xFFFFFFFF  }
0x1f: {  	s28 =	simm.s32 $_size_execute0_lowered;
	s3 =	sadd.s32 s3, s5;
	[dreg:$0x0] =	wrdreg $0x0  }
0x20: {  	s5 =	sshll.u32 s28, $0x1;
	[dreg:$0x2] =	wrdreg s3  }
0x21: {  	[dreg:$0x3] =	wrdreg s5  }
0x22: {  	[dreg:$0x4] =	wrdreg $0xC0  }
0x23: {  	_ =	task [dreg:s7], $0x5FFFF  }
0x24: {  	[dreg:$0x1] =	wrdreg $0xFFFFFFFF  }
0x25: {  	[dreg:$0x0] =	wrdreg $0x60  }
0x26: {  	[dreg:$0x2] =	wrdreg s2  }
0x27: {  	[dreg:$0x3] =	wrdreg s25  }
0x28: {  	[dreg:$0x4] =	wrdreg $0x9  }
0x29: {  	_ =	task.clear_ibuf [dreg:s7], $0x5FFFF;
	_ =	strace $0x90000049  }
0x2a: {  	s29 =	simm.s32 $0x9;
	_ =	strace $0x8000004B  }
0x2b: {  	_ =	swait.ge [sflag:s29], $0x1  }
0x2c: {  	[sflag:s29] =	ssyncadd.s32 $0xFFFFFFFF  }
0x2d: {  	_ =	strace $0x9000004B  }
0x2e: {  	_ =	sfence  }
0x2f: {  	s30 =	sld [smem:$0x0];
	_ =	sdelay $0x2  }
0x30: {  	s31 =	sshll.u32 s1, $0xD;
	s1 =	sshrl.u32 s1, $0x2  }
0x31: {  	s3 =	sand.u32 $0x4000, s31;
	s1 =	sadd.s32 s1, s30  }
0x32: {  	s0 =	sor.u32 s3, s0;
	s1 =	sshll.u32 s1, $0x11  }
0x33: {  	s0 =	sor.u32 s1, s0  }
0x34: {  	s0 =	sadd.s32 $0x8F2B, s0  }
0x35: {  	[sflag:s0] =	ssyncadd.remote.s32 $0x1  }
0x36: {  	_ =	sfence.sel $0xFFFF  }
0x37: {  	[dreg:$0x0] =	wrdreg $0xFFFFFFFF;
	(pc) =	sbr.abs _section_cstart, $3  }
0x38: {  	[dreg:$0x1] =	wrdreg $0xFFFFFFFF  }
0x39: {  	_ =	task.clear_ibuf [dreg:s7], $0x2FFFF;
	_ =	strace $0x9FFFFFFF  }
0x3a: {  	(tm) =	ssettm $0x7FFFFFFF  }
0x3b: {  	_ =	shalt  }
tec
execute0_lowered:
.L_overlay_start_1:
0x0: {  	(tag) =	ssettag $0x1  }
0x1: {  	s0 =	srdreg.scid  }
0x2: {  	s2 =	rddreg [dreg:$0x0];
	s1 =	sshll.u32 s0, $0x4  }
0x3: {  	s5 =	rddreg [dreg:$0x1];
	s0 =	stileid.u32;
	s1 =	sand.u32 $0x10, s1  }
0x4: {  	s4 =	simm.s32 $0x1;
	s8 =	simm.s32 $0x2;
	s1 =	sor.u32 s0, s1  }
0x5: {  	s12 =	simm.s32 $0x0;
	s13 =	simm.s32 $0x0;
	s3 =	sshll.u32 s1, $0x1  }
0x6: {  	s10 =	simm.s32 $0x0;
	s11 =	simm.s32 $0x0;
	s6 =	ssub.s32 $0x1000, s3  }
.Ltmp0:
0x7: {  	s5 =	sadd.s32 $0xE00, s5;
	s7 =	sand.u32 $0x3E, s6;
	(pc) =	sbr.rel .LBB1_1-.Ltmp0, $4  }
0x8: {  	s1 =	rddreg [dreg:$0x2];
	p0 =	sne.s32 s7, $0x0;
	s7 =	simm.s32 $0x1  }
0x9: {  	_ =	strace $0x8000004A;
	s6 =	sshrl.u32 s6, $0x6;
	s7 =	simm.s32 @!p0 $0x0  }
0xa: {  	[sflag:s4] =	ssyncpa.u1 $0x0;
	s9 =	smov.u32 s3;
	s6 =	sadd.s32 s7, s6  }
0xb: {  	[sflag:s8] =	ssyncpa.u1 $0x0;
	s8 =	simm.s32 $0x80;
	s7 =	sadd.s32 $0x1, s6  }
.LBB1_7:
0xc: {  	s14 =	sadd.s32 $0x40, s9  }
0xd: {  	s12 =	sadd.s32 $0x40, s10;
	s16 =	smov.u32 s10;
	p1 =	sgt.s32 s14, $0xFFF  }
0xe: {  	s16 =	smov.u32 @p1 s12  }
0xf: {  	s14 =	smov.u32 @p1 s3;
	p1 =	sgt.s32 s16, $0x31  }
0x10: {  	s16 =	simm.s32 @p1 $0x0;
	p1 =	sne.s32 s11, s7  }
.Ltmp1:
0x11: {  	p0 =	slt.u32 s11, $0x2;
	(pc) =	sbr.rel @!p1 .LBB1_8-.Ltmp1, $4  }
0x12: {  	s15 =	simm.s32 @!p0 $0x2  }
0x13: {  	s13 =	smov.u32 s10;
	_ =	swait.ge @!p0 [sflag:s15], $0x4000  }
0x14: {  	s12 =	smov.u32 s9;
	[sflag:s15] =	ssyncset.done @!p0 $0x0;
	s9 =	smov.u32 s14  }
0x15: {  	s11 =	sadd.s32 $0x1, s11;
	[sflag:s15] =	ssyncadd.s32 @!p0 $0xFFFFC000;
	s10 =	smov.u32 s16  }
.LBB1_1:
0x16: {  	p0 =	sge.u32 s11, s6  }
0x17: {  	s14 =	smov.u32 s10;
	p1 =	sgt.s32 @!p0 s10, $0xFFFFFFF2  }
0x18: {  	s16 =	smov.u32 s9;
	s31 =	sadd.s32 $0xFFFFFFFF, s11;
	p1 =	por !p1, p0  }
0x19: {  	s15 =	sshra.s32 @!p0 s10, $0x1F;
	s14 =	simm.s32 @p1 $0xFFFFFFF2;
	p1 =	sgt.s32 @!p0 s9, $0xFFE  }
0x1a: {  	s17 =	sshra.s32 @!p0 s9, $0x1F;
	s15 =	sand.u32 @!p0 s15, s10;
	p1 =	por !p1, p0  }
0x1b: {  	s14 =	ssub.s32 @!p0 s14, s15;
	s15 =	sand.u32 @!p0 s17, s9;
	s16 =	simm.s32 @p1 $0xFFE  }
0x1c: {  	s17 =	sshll.u32 @!p0 s9, $0x4;
	s14 =	sadd.s32 @!p0 $0xE, s14;
	s15 =	ssub.s32 @!p0 s16, s15  }
0x1d: {  	p1 =	sgt.s32 @!p0 s14, $0x3F;
	s14 =	sshll.u32 @!p0 s14, $0x7;
	s16 =	sadd.s32 @!p0 $0xFFFFF002, s15  }
0x1e: {  	s15 =	ssub.s32 @!p0 $0x1000, s15;
	s14 =	ssub.s32 @!p0 $0x2000, s14;
	p2 =	sgt.s32 @!p0 s16, $0x1  }
0x1f: {  	p1 =	por !p1, p0;
	s16 =	sxor.u32 @!p0 $0xFFFFFFFF, s11;
	p2 =	por !p2, p0  }
0x20: {  	s14 =	simm.s32 @!p1 $0x0;
	s16 =	sshll.u32 @!p0 s16, $0xE;
	s15 =	simm.s32 @!p2 $0x0  }
0x21: {  	s14 =	smul.u32 @!p0 s15, s14;
	s15 =	sand.u32 @!p0 $0x4000, s16;
	s16 =	sshll.u32 @!p0 s10, $0x10  }
0x22: {  	s18 =	simm.s32 @!p0 $0x80000;
	s17 =	sand.u32 @!p0 $0xFFF0, s17;
	s16 =	sadd.s32 @!p0 s2, s16  }
0x23: {  	s14 =	sand.u32 @!p0 $0x3FFFFF80, s14;
	s16 =	sadd.s32 @!p0 s17, s16;
	s17 =	simm.s32 @!p0 $0x100  }
0x24: {  	[tilespmem:s15], [sflag:$0x1] =	stream.strided.gather @!p0 [hbm4b:s16+s17], s14, s18, s17, $0x38;
	[tilespmem:$0x10200] =	vst v63  }
0x25: {  	p0 =	sge.u32 s31, s6  }
.Ltmp2:
0x26: {  	_ = 	snop;
	(pc) =	sbr.rel @p0 .LBB1_7-.Ltmp2, $1  }
0x27: {  	_ =	sdelay $0x3  }
0x28: {  	p0 =	sgt.s32 s13, $0xFFFFFFF2;
	s14 =	smov.u32 s13  }
0x29: {  	s15 =	sshra.s32 s13, $0x1F;
	s16 =	smov.u32 s12;
	s17 =	sshra.s32 s12, $0x1F  }
0x2a: {  	s14 =	simm.s32 @!p0 $0xFFFFFFF2;
	s15 =	sand.u32 s15, s13;
	p0 =	sgt.s32 s12, $0xFFE  }
0x2b: {  	s28 =	sand.u32 s17, s12;
	s14 =	ssub.s32 s14, s15;
	s16 =	simm.s32 @!p0 $0xFFE  }
0x2c: {  	s14 =	sadd.s32 $0xE, s14;
	s15 =	ssub.s32 s16, s28  }
0x2d: {  	p0 =	sgt.s32 s14, $0x3F;
	s16 =	sadd.s32 $0xFFFFF002, s15;
	s14 =	sshll.u32 s14, $0x7  }
0x2e: {  	s15 =	ssub.s32 $0x1000, s15;
	p1 =	sgt.s32 s16, $0x1;
	s14 =	ssub.s32 $0x2000, s14  }
0x2f: {  	s15 =	simm.s32 @p1 $0x0;
	s14 =	simm.s32 @p0 $0x0  }
0x30: {  	s29 =	sand.u32 $0x1, s11;
	s14 =	smul.u32 s15, s14  }
0x31: {  	s30 =	smul.u32 $0x10400, s29  }
0x32: {  	s14 =	sand.u32 $0x3FFFFF80, s14  }
0x33: {  	s31 =	sshrl.u32 s30, $0x2;
	_ =	swait.ge [sflag:s4], s14  }
0x34: {  	s16 =	simm.s32 $0x0;
	s14 =	ssub.s32 $0x0, s14;
	[sflag:s4] =	ssyncset.done $0x0  }
0x35: {  	s15 =	sshll.u32 s29, $0xE;
	[sflag:s4] =	ssyncadd.s32 s14;
	s14 =	sor.u32 $0x8000, s31  }
.LBB1_3:
0x36: {  	s17 =	sshll.u32 s16, $0x8  }
0x37: {  	s17 =	sand.u32 $0x3FFFFF00, s17  }
0x38: {  	s17 =	sadd.s32 s17, s15  }
0x39: {  	v0 =	vmov s17;
	_ =	sdelay $0x1  }
0x3a: {  	p0 =	por $0x1, $0x1;
	s17 =	simm.s32 $0x0  }
.LBB1_4:
0x3b: {  	s18 =	sshll.u32 s17, $0x7  }
0x3c: {  	s18 =	sand.u32 $0x3FFFFF80, s18  }
0x3d: {  	s31 =	smul.u32 $0x8200, s17;
	v1 =	vld.idx.msk [tilespmem:v0+s18+$0x0 ss:$0x1], $0xffff  }
0x3e: {  	v2 =	vld.idx.msk [tilespmem:v0+s18+$0x10 ss:$0x1], $0xffff  }
0x3f: {  	s17 =	sshra.s32 s31, $0x2;
	v3 =	vld.idx.msk [tilespmem:v0+s18+$0x20 ss:$0x1], $0xffff  }
0x40: {  	v4 =	vld.idx.msk [tilespmem:v0+s18+$0x30 ss:$0x1], $0xffff;
	s17 =	sadd.s32 s17, s14  }
0x41: {  	v5 =	vld.idx.msk [tilespmem:v0+s18+$0x40 ss:$0x1], $0xffff;
	s17 =	sadd.s32 s16, s17  }
0x42: {  	[tilespmem:s17+$0x0 ss:$0x41] =	vst.msk $0xffff, v1;
	v1 =	vld.idx.msk [tilespmem:v0+s18+$0x50 ss:$0x1], $0xffff  }
0x43: {  	[tilespmem:s17+$0x410 ss:$0x41] =	vst.msk $0xffff, v2;
	v2 =	vld.idx.msk [tilespmem:v0+s18+$0x60 ss:$0x1], $0xffff  }
0x44: {  	p1 =	por p0, p0;
	[tilespmem:s17+$0x820 ss:$0x41] =	vst.msk $0xffff, v3;
	v3 =	vld.idx.msk [tilespmem:v0+s18+$0x70 ss:$0x1], $0xffff  }
.Ltmp3:
0x45: {  	[tilespmem:s17+$0xC30 ss:$0x41] =	vst.msk $0xffff, v4;
	(pc) =	sbr.rel @p1 .LBB1_4-.Ltmp3, $4  }
0x46: {  	[tilespmem:s17+$0x1040 ss:$0x41] =	vst.msk $0xffff, v5  }
0x47: {  	[tilespmem:s17+$0x1450 ss:$0x41] =	vst.msk $0xffff, v1  }
0x48: {  	[tilespmem:s17+$0x1860 ss:$0x41] =	vst.msk $0xffff, v2  }
0x49: {  	p0 =	por $0x0, $0x0;
	[tilespmem:s17+$0x1C70 ss:$0x41] =	vst.msk $0xffff, v3;
	s17 =	simm.s32 $0x1  }
0x4a: {  	s16 =	sadd.s32 $0x1, s16  }
0x4b: {  	p0 =	sne.s32 s16, $0x40  }
.Ltmp4:
0x4c: {  	_ = 	snop;
	(pc) =	sbr.rel @p0 .LBB1_3-.Ltmp4, $1  }
0x4d: {  	_ =	sdelay $0x3  }
.Ltmp5:
0x4e: {  	s15 =	sand.u32 $0x780, s13;
	s12 =	sshll.u32 s12, $0xB;
	(pc) =	sbr.rel .LBB1_7-.Ltmp5, $4  }
0x4f: {  	s16 =	sshrl.u32 s13, $0x3;
	s31 =	sand.u32 $0x7, s13;
	s15 =	sadd.s32 s5, s15  }
0x50: {  	s16 =	sand.u32 $0xF, s16;
	s13 =	sshll.u32 s31, $0x12;
	s12 =	sadd.s32 s12, s15  }
0x51: {  	s13 =	sor.u32 $0x40, s13;
	s12 =	sadd.s32 s16, s12  }
0x52: {  	[hbm4b:s12+s13] =	stream.strided.scatter [tilespmem:s14], [sflag:$0x2], $0x4000, s8, s13, $0x18;
	[tilespmem:$0x10200] =	vst v63  }
.LBB1_8:
0x53: {  	_ =	sfence.sel $0x180000  }
0x54: {  	s2 =	simm.s32 $0x1;
	[bflag:$0x0] =	sbarrier.arrive $0xFFFF  }
0x55: {  	s31 =	simm.s32 $0x2;
	[sflag:s2] =	ssyncpa.u1 $0x1  }
0x56: {  	[sflag:s31] =	ssyncpa.u1 $0x1  }
0x57: {  	p0 =	sne.s32 s0, $0x0;
	_ =	strace $0x9000004A  }
0x58: {  	s0 =	sadd.s32 @!p0 $0x100000, s1;
	[bflag:$0x2] =	sbarrier.arrive $0xFFFF  }
0x59: {  	[sflag:s0] =	ssyncadd.tile.s32 @!p0 $0x1;
	_ =	shalt  }
.Lfunc_end1:
_tile_overlayer_lowered:
.L_overlay_start_2:
0x5a: {  	(tag) =	ssettag $0x2  }
0x5b: {  	s0 =	rddreg [dreg:$0x0];
	s2 =	stileid.u32  }
0x5c: {  	s1 =	rddreg [dreg:$0x1];
	p0 =	sne.s32 s2, $0x0  }
0x5d: {  	s3 =	rddreg [dreg:$0x2];
	[bflag:$0x3] =	sbarrier.arrive $0xFFFF;
	s2 =	simm.s32 @!p0 $0x1C01  }
0x5e: {  	[timem:s3], [sflag:s2] =	dma.local @!p0 [hbm:s0], s1  }
0x5f: {  	s0 =	simm.s32 @!p0 $0x1  }
0x60: {  	_ =	swait.ge @!p0 [sflag:s0], s1  }
0x61: {  	s1 =	ssub.s32 @!p0 $0x0, s1;
	[sflag:s0] =	ssyncset.done @!p0 $0x0  }
0x62: {  	[sflag:s0] =	ssyncadd.s32 @!p0 s1  }
0x63: {  	[bflag:$0x3] =	sbarrier.arrive $0xFFFF  }
0x64: {  	_ =	shalt  }

// kernel: sparse-core-data-format-call.cloned.1.call-start
scs
called_computation_lowered:
.L_overlay_start_0:
0x0: {  	s2 =	sld [smem:$0x3FD9]  }
0x1: {  	s3 =	sld [smem:$0x3FFE];
	_ =	sdelay $0x1  }
0x2: {  	s1 =	srdreg.scid  }
0x3: {  	s0 =	sand.u32 $0x1, s1  }
0x4: {  	s18 =	sshll.u32 s0, $0xA;
	s2 =	sadd.s32 s3, s2  }
0x5: {  	s2 =	sadd.s32 s2, s18  }
0x6: {  	[smem:$0x3FC6] =	sst s2  }
0x7: {  	_ = 	snop  }
0x8: {  	s2 =	sld [smem:$0x3FD0];
	(tm) =	ssettm $0x1  }
0x9: {  	s19 =	sld [smem:$0x3FFB];
	_ =	sdelay $0x3  }
0xa: {  	_ =	strace s19  }
0xb: {  	s3 =	sld [smem:$0x3FFC];
	_ =	sdelay $0x3  }
0xc: {  	_ =	strace s3  }
0xd: {  	s3 =	sld [smem:$0x3FFD];
	_ =	sdelay $0x3  }
0xe: {  	_ =	strace s3  }
0xf: {  	_ =	strace $0x8FFFFFFF  }
0x10: {  	s20 =	sld [smem:$0x3FDB];
	_ =	sdelay $0x1  }
0x11: {  	s4 =	simm.s32 $_scs_section_size  }
0x12: {  	s5 =	simm.s32 $_size__tile_overlayer_lowered;
	s6 =	simm.s32 $_tile_overlayer_lowered  }
0x13: {  	s23 =	simm.s32 $0x1BFF;
	s22 =	sshll.u32 s6, $0x1;
	s3 =	sadd.s32 s4, s20  }
0x14: {  	s7 =	simm.s32 $0x0;
	s21 =	sshll.u32 s5, $0x1;
	s5 =	sadd.s32 s22, s3  }
0x15: {  	[timem:s7], [sflag:s23] =	dma.local [hbm:s5], s21  }
0x16: {  	_ =	swait.ge [sflag:s23], s21  }
0x17: {  	s4 =	ssub.s32 $0x0, s21;
	[sflag:s23] =	ssyncset.done $0x0  }
0x18: {  	[sflag:s23] =	ssyncadd.s32 s4;
	_ =	sdelay $0x1  }
0x19: {  	s24 =	simm.s32 $0x1B8B  }
0x1a: {  	_ =	swait.ge [sflag:s24], $0x1  }
0x1b: {  	[sflag:s24] =	ssyncset.done $0x0  }
0x1c: {  	s26 =	simm.s32 $0x1B8E;
	s25 =	sld [smem:$0x3FFE];
	[sflag:s24] =	ssyncadd.s32 $0xFFFFFFFF  }
0x1d: {  	s27 =	simm.s32 $execute0_lowered;
	[smem:$0x3FD2] =	sst s26  }
0x1e: {  	s5 =	sshll.u32 s27, $0x1;
	_ =	strace $0x8000004C;
	[dreg:$0x1] =	wrdreg $0xFFFFFFFF  }
0x1f: {  	s28 =	simm.s32 $_size_execute0_lowered;
	s3 =	sadd.s32 s3, s5;
	[dreg:$0x0] =	wrdreg $0x0  }
0x20: {  	s5 =	sshll.u32 s28, $0x1;
	[dreg:$0x2] =	wrdreg s3  }
0x21: {  	[dreg:$0x3] =	wrdreg s5  }
0x22: {  	[dreg:$0x4] =	wrdreg $0xC0  }
0x23: {  	_ =	task [dreg:s7], $0x5FFFF  }
0x24: {  	[dreg:$0x1] =	wrdreg $0xFFFFFFFF  }
0x25: {  	[dreg:$0x0] =	wrdreg $0x60  }
0x26: {  	[dreg:$0x2] =	wrdreg s25  }
0x27: {  	[dreg:$0x3] =	wrdreg s2  }
0x28: {  	[dreg:$0x4] =	wrdreg $0x9  }
0x29: {  	_ =	task.clear_ibuf [dreg:s7], $0x5FFFF;
	_ =	strace $0x9000004C  }
0x2a: {  	s29 =	simm.s32 $0x9;
	_ =	strace $0x8000004E  }
0x2b: {  	_ =	swait.ge [sflag:s29], $0x1  }
0x2c: {  	[sflag:s29] =	ssyncadd.s32 $0xFFFFFFFF  }
0x2d: {  	_ =	strace $0x9000004E  }
0x2e: {  	_ =	sfence  }
0x2f: {  	s30 =	sld [smem:$0x0];
	_ =	sdelay $0x2  }
0x30: {  	s31 =	sshll.u32 s1, $0xD;
	s1 =	sshrl.u32 s1, $0x2  }
0x31: {  	s3 =	sand.u32 $0x4000, s31;
	s1 =	sadd.s32 s1, s30  }
0x32: {  	s0 =	sor.u32 s3, s0;
	s1 =	sshll.u32 s1, $0x11  }
0x33: {  	s0 =	sor.u32 s1, s0  }
0x34: {  	s0 =	sadd.s32 $0x8F2B, s0  }
0x35: {  	[sflag:s0] =	ssyncadd.remote.s32 $0x1  }
0x36: {  	_ =	sfence.sel $0xFFFF  }
0x37: {  	[dreg:$0x0] =	wrdreg $0xFFFFFFFF;
	(pc) =	sbr.abs _section_cstart, $3  }
0x38: {  	[dreg:$0x1] =	wrdreg $0xFFFFFFFF  }
0x39: {  	_ =	task.clear_ibuf [dreg:s7], $0x2FFFF;
	_ =	strace $0x9FFFFFFF  }
0x3a: {  	(tm) =	ssettm $0x7FFFFFFF  }
0x3b: {  	_ =	shalt  }
tec
execute0_lowered:
.L_overlay_start_1:
0x0: {  	(tag) =	ssettag $0x1  }
0x1: {  	s0 =	srdreg.scid;
	s5 =	rddreg [dreg:$0x0]  }
0x2: {  	s3 =	rddreg [dreg:$0x1];
	s1 =	sshll.u32 s0, $0x4  }
0x3: {  	s7 =	simm.s32 $0x1;
	s0 =	stileid.u32;
	s1 =	sand.u32 $0x10, s1  }
0x4: {  	s8 =	simm.s32 $0x2;
	s15 =	simm.s32 $0x0;
	s1 =	sor.u32 s0, s1  }
0x5: {  	s14 =	simm.s32 $0x0;
	s9 =	simm.s32 $0x0;
	s2 =	sshll.u32 s1, $0x7  }
0x6: {  	s10 =	simm.s32 $0x0;
	s11 =	simm.s32 $0x0;
	s6 =	ssub.s32 $0x4000, s2  }
0x7: {  	s13 =	simm.s32 $0x0;
	s5 =	sadd.s32 $0xE00, s5;
	s4 =	sand.u32 $0xF80, s6  }
.Ltmp0:
0x8: {  	s1 =	rddreg [dreg:$0x2];
	p0 =	sne.s32 s4, $0x0;
	(pc) =	sbr.rel .LBB1_1-.Ltmp0, $4  }
0x9: {  	_ =	strace $0x8000004D;
	s6 =	sshrl.u32 s6, $0xC;
	s7 =	simm.s32 @!p0 $0x0  }
0xa: {  	s12 =	smov.u32 s2;
	s4 =	simm.s32 $0x1;
	s6 =	sadd.s32 s7, s6  }
0xb: {  	[sflag:s4] =	ssyncpa.u1 $0x0;
	p0 =	por $0x0, $0x0;
	s6 =	sshll.u32 s6, $0x5  }
0xc: {  	[sflag:s8] =	ssyncpa.u1 $0x0;
	s8 =	simm.s32 $0x80000;
	s7 =	sor.u32 $0x1, s6  }
.LBB1_4:
0xd: {  	p1 =	sgt.s32 s9, $0x1F;
	s18 =	smov.u32 s9;
	s19 =	sshra.s32 s9, $0x1F  }
0xe: {  	s20 =	sand.u32 $0x78, s10;
	s21 =	sshll.u32 s9, $0xE;
	s31 =	sshra.s32 s10, $0x1F  }
0xf: {  	s23 =	sshll.u32 s10, $0x3;
	s26 =	sshll.u32 s9, $0x7;
	s18 =	simm.s32 @!p1 $0x1F  }
0x10: {  	s19 =	sand.u32 s19, s9;
	p1 =	sgt.s32 s10, $0x3F80;
	s21 =	sand.u32 $0x60000, s21  }
0x11: {  	s24 =	sand.u32 $0x7FC00, s23;
	s18 =	ssub.s32 s18, s19;
	s19 =	smov.u32 s10  }
0x12: {  	s23 =	sand.u32 $0x3C00, s23;
	s22 =	sadd.s32 $0xFFFFFFE1, s18;
	s19 =	simm.s32 @!p1 $0x3F80  }
0x13: {  	s18 =	ssub.s32 $0x20, s18;
	p1 =	sgt.s32 s22, $0x0;
	s22 =	sand.u32 s31, s10  }
0x14: {  	s21 =	sadd.s32 s24, s21;
	s18 =	smul.u32 $0x32, s18;
	s19 =	ssub.s32 s19, s22  }
0x15: {  	s20 =	sor.u32 s20, s23;
	s22 =	sand.u32 $0x380, s26;
	s25 =	sadd.s32 $0xFFFFC080, s19  }
0x16: {  	s18 =	simm.s32 @p1 $0x0;
	s19 =	ssub.s32 $0x4000, s19;
	p1 =	sgt.s32 s25, $0x7F  }
0x17: {  	s21 =	sand.u32 $0x7C000, s21;
	s20 =	sor.u32 s22, s20;
	s19 =	simm.s32 @p1 $0x0  }
0x18: {  	[tilespmem:s17+$0x810 ss:$0x81] =	vst.msk $0xffff, v2;
	s28 =	sand.u32 $0x7, s10;
	s27 =	sor.u32 s21, s20;
	s18 =	smul.u32 s19, s18  }
0x19: {  	[tilespmem:s17+$0x1020 ss:$0x81] =	vst.msk $0xffff, v0;
	s20 =	sshll.u32 s28, $0x12;
	s19 =	sshrl.u32 s27, $0x3  }
0x1a: {  	[tilespmem:s17+$0x0 ss:$0x81] =	vst.msk $0xffff, v1;
	s31 =	sor.u32 $0x80, s20;
	s30 =	sadd.s32 s3, s19;
	s29 =	sand.u32 $0x3FFFFFFE, s18  }
0x1b: {  	[hbm4b:s30+s31] =	stream.strided.scatter [tilespmem:s16], [sflag:$0x2], s29, s8, s31, $0x20;
	[tilespmem:$0x8080] =	vst v63  }
.LBB1_5:
0x1c: {  	p1 =	slt.u32 s13, $0x2  }
0x1d: {  	s17 =	smov.u32 s15;
	p2 =	sgt.s32 @!p1 s15, $0x1F;
	s16 =	sshra.s32 @!p1 s15, $0x1F  }
0x1e: {  	p3 =	sgt.s32 @!p1 s14, $0x3F80;
	s18 =	sshra.s32 @!p1 s14, $0x1F;
	p2 =	por !p2, p1  }
0x1f: {  	s15 =	sand.u32 @!p1 s16, s15;
	p3 =	por !p3, p1;
	s16 =	smov.u32 s14  }
0x20: {  	s14 =	sand.u32 @!p1 s18, s14;
	s17 =	simm.s32 @p2 $0x1F;
	s16 =	simm.s32 @p3 $0x3F80  }
0x21: {  	s18 =	smov.u32 s12;
	s15 =	ssub.s32 @!p1 s17, s15;
	s14 =	ssub.s32 @!p1 s16, s14  }
0x22: {  	s16 =	sadd.s32 @!p1 $0xFFFFFFE1, s15;
	s15 =	ssub.s32 @!p1 $0x20, s15;
	s17 =	sadd.s32 @!p1 $0xFFFFC080, s14  }
0x23: {  	p2 =	sgt.s32 @!p1 s16, $0x0;
	s15 =	smul.u32 @!p1 $0x32, s15;
	p3 =	sgt.s32 @!p1 s17, $0x7F  }
0x24: {  	s14 =	ssub.s32 @!p1 $0x4000, s14;
	p2 =	por !p2, p1;
	p3 =	por !p3, p1  }
0x25: {  	s16 =	sadd.s32 $0x1, s11;
	s15 =	simm.s32 @!p2 $0x0;
	s14 =	simm.s32 @!p3 $0x0  }
0x26: {  	p2 =	sgt.s32 s16, $0x1F;
	s14 =	smul.u32 @!p1 s14, s15;
	s15 =	sadd.s32 $0x1000, s12  }
0x27: {  	s18 =	smov.u32 @p2 s15  }
0x28: {  	s16 =	simm.s32 @p2 $0x0;
	p2 =	sgt.s32 s18, $0x3FFF  }
0x29: {  	s18 =	smov.u32 @p2 s2;
	p2 =	sne.s32 s13, s7  }
.Ltmp1:
0x2a: {  	p0 =	por !p0, !p0;
	s17 =	simm.s32 @!p1 $0x2;
	(pc) =	sbr.rel @!p2 .LBB1_6-.Ltmp1, $4  }
0x2b: {  	s15 =	smov.u32 s9;
	s9 =	smov.u32 s11;
	s14 =	sand.u32 @!p1 $0x3FFFFFFE, s14  }
0x2c: {  	s11 =	smov.u32 s16;
	_ =	swait.ge @!p1 [sflag:s17], s14;
	s19 =	ssub.s32 @!p1 $0x0, s14  }
0x2d: {  	s14 =	smov.u32 s10;
	s13 =	sadd.s32 $0x1, s13;
	[sflag:s17] =	ssyncset.done @!p1 $0x0  }
0x2e: {  	s10 =	smov.u32 s12;
	s12 =	smov.u32 s18;
	[sflag:s17] =	ssyncadd.s32 @!p1 s19  }
.LBB1_1:
0x2f: {  	p1 =	sge.u32 s13, s6  }
0x30: {  	s31 =	sadd.s32 $0xFFFFFFFF, s13;
	s16 =	sxor.u32 @!p1 $0xFFFFFFFF, s13  }
0x31: {  	s17 =	sshll.u32 @!p1 s12, $0x9;
	s18 =	sshll.u32 @!p1 s11, $0x4;
	s19 =	simm.s32 @!p1 $0x1000  }
0x32: {  	s16 =	sshll.u32 @!p1 s16, $0xD;
	s18 =	sand.u32 @!p1 $0x1F0, s18;
	s17 =	sadd.s32 @!p1 s5, s17  }
0x33: {  	s16 =	sand.u32 @!p1 $0x2000, s16;
	s17 =	sadd.s32 @!p1 s18, s17;
	s18 =	simm.s32 @!p1 $0x40  }
0x34: {  	[tilespmem:s16], [sflag:$0x1] =	stream.strided.gather @!p1 [hbm4b:s17+s18], $0x2000, s19, s18, $0x38;
	[tilespmem:$0x8080] =	vst v63  }
0x35: {  	p1 =	sge.u32 s31, s6  }
.Ltmp2:
0x36: {  	_ = 	snop;
	(pc) =	sbr.rel @p1 .LBB1_5-.Ltmp2, $1  }
0x37: {  	_ =	sdelay $0x3  }
0x38: {  	s16 =	simm.s32 $0x1  }
0x39: {  	_ =	swait.ge [sflag:s4], $0x2000;
	s16 =	simm.s32 @!p0 $0x0  }
0x3a: {  	[sflag:s4] =	ssyncset.done $0x0;
	s17 =	sshll.u32 s16, $0xD  }
0x3b: {  	[sflag:s4] =	ssyncadd.s32 $0xFFFFE000;
	s20 =	sor.u32 $0x20, s17  }
0x3c: {  	s16 =	smul.u32 $0x8100, s16;
	v3 =	vld [tilespmem:s20+$0x10]  }
0x3d: {  	s30 =	sand.u32 $0x1, s13;
	v2 =	vld [tilespmem:s20+$0xFFFFFFF0]  }
0x3e: {  	s17 =	smul.u32 $0x8100, s30;
	s16 =	sshrl.u32 s16, $0x2;
	v0 =	vld [tilespmem:s20+$0x0]  }
0x3f: {  	v1 =	vld [tilespmem:s20+$0xFFFFFFE0];
	s18 =	sor.u32 $0x4000, s16  }
0x40: {  	s31 =	sshrl.u32 s17, $0x2;
	s17 =	sadd.s32 $0x0, s18  }
0x41: {  	s19 =	simm.s32 $0x4;
	s20 =	sadd.s32 $0x40, s20;
	s16 =	sor.u32 $0x4000, s31;
	[tilespmem:s17+$0x1830 ss:$0x81] =	vst.msk $0xffff, v3  }
.LBB1_3:
0x42: {  	v3 =	vld [tilespmem:s20+$0x10];
	p1 =	sne.s32 s19, $0x1FC;
	[tilespmem:s17+$0x810 ss:$0x81] =	vst.msk $0xffff, v2;
	s21 =	smov.u32 s19;
	s19 =	sadd.s32 $0x4, s19  }
.Ltmp3:
0x43: {  	v2 =	vld [tilespmem:s20+$0xFFFFFFF0];
	[tilespmem:s17+$0x1020 ss:$0x81] =	vst.msk $0xffff, v0;
	(pc) =	sbr.rel @p1 .LBB1_3-.Ltmp3, $4  }
0x44: {  	v0 =	vld [tilespmem:s20+$0x0];
	[tilespmem:s17+$0x0 ss:$0x81] =	vst.msk $0xffff, v1  }
0x45: {  	s17 =	sshra.s32 s21, $0x2;
	v1 =	vld [tilespmem:s20+$0xFFFFFFE0]  }
0x46: {  	s17 =	sadd.s32 s17, s18  }
0x47: {  	s20 =	sadd.s32 $0x40, s20;
	[tilespmem:s17+$0x1830 ss:$0x81] =	vst.msk $0xffff, v3  }
.Ltmp4:
0x48: {  	_ = 	snop;
	(pc) =	sbr.rel .LBB1_4-.Ltmp4, $1  }
0x49: {  	_ =	sdelay $0x3  }
.LBB1_6:
0x4a: {  	_ =	sfence.sel $0x180000  }
0x4b: {  	s2 =	simm.s32 $0x1;
	[bflag:$0x0] =	sbarrier.arrive $0xFFFF  }
0x4c: {  	s31 =	simm.s32 $0x2;
	[sflag:s2] =	ssyncpa.u1 $0x1  }
0x4d: {  	[sflag:s31] =	ssyncpa.u1 $0x1  }
0x4e: {  	p0 =	sne.s32 s0, $0x0;
	_ =	strace $0x9000004D  }
0x4f: {  	s0 =	sadd.s32 @!p0 $0x100000, s1;
	[bflag:$0x2] =	sbarrier.arrive $0xFFFF  }
0x50: {  	[sflag:s0] =	ssyncadd.tile.s32 @!p0 $0x1;
	_ =	shalt  }
.Lfunc_end1:
_tile_overlayer_lowered:
.L_overlay_start_2:
0x51: {  	(tag) =	ssettag $0x2  }
0x52: {  	s0 =	rddreg [dreg:$0x0];
	s2 =	stileid.u32  }
0x53: {  	s1 =	rddreg [dreg:$0x1];
	p0 =	sne.s32 s2, $0x0  }
0x54: {  	s3 =	rddreg [dreg:$0x2];
	[bflag:$0x3] =	sbarrier.arrive $0xFFFF;
	s2 =	simm.s32 @!p0 $0x1C01  }
0x55: {  	[timem:s3], [sflag:s2] =	dma.local @!p0 [hbm:s0], s1  }
0x56: {  	s0 =	simm.s32 @!p0 $0x1  }
0x57: {  	_ =	swait.ge @!p0 [sflag:s0], s1  }
0x58: {  	s1 =	ssub.s32 @!p0 $0x0, s1;
	[sflag:s0] =	ssyncset.done @!p0 $0x0  }
0x59: {  	[sflag:s0] =	ssyncadd.s32 @!p0 s1  }
0x5a: {  	[bflag:$0x3] =	sbarrier.arrive $0xFFFF  }
0x5b: {  	_ =	shalt  }

</sc_bundles>
